<compile_context>
chip_gen: v7x
topology: tpu7x:2x2x1
jax: 0.10.2.dev20260603
libtpu: 0.0.44.dev20260713+nightly
codegen_flags: <defaults>
</compile_context>

<pallas_src>
import jax
import jax.numpy as jnp
from jax import lax
from jax.experimental import pallas as pl
from jax.experimental.pallas import tpu as pltpu
from jax.experimental.pallas import tpu_sc as plsc

N = 10000
E = 320000
D = 128
NCLS = 40

NC = 2
NS = 16
NW = NC * NS
EPW = E // NW
C = 50
NCHUNK = EPW // C
SUP = 40
NSUPER = NCHUNK // SUP
NBUF = 4
N_PAD = 10240
RPT = N_PAD // NS
N2 = 16384
HPT = N2 // NS
K_PIPE = 5

_mesh = plsc.VectorSubcoreMesh(core_axis_name="c", subcore_axis_name="s")


def _deg_body(srcf_hbm, dstf_hbm, dego_hbm, degi_hbm, sh_o, sh_i):
    cid = lax.axis_index("c")
    sid = lax.axis_index("s")
    wid = sid * NC + cid

    def inner(idx_v, hist_o, hist_i, res_o, res_i, tmp_v):
        def zb(t, carry):
            z = jnp.zeros((16,), jnp.float32)
            hist_o[t, pl.ds(0, 16)] = z
            return carry

        def zb2(t, carry):
            r = t // (HPT // 16)
            g = t % (HPT // 16)
            z = jnp.zeros((16,), jnp.float32)
            hist_o[r, pl.ds(g * 16, 16)] = z
            hist_i[r, pl.ds(g * 16, 16)] = z
            return carry

        lax.fori_loop(0, N2 // 16, zb2, None)
        pltpu.sync_copy(srcf_hbm.at[wid], idx_v)
        ones16 = jnp.ones((16,), jnp.float32)

        def bsrc(t, carry):
            iv = idx_v[pl.ds(t * 16, 16)]
            r = lax.shift_right_logical(iv, 10)
            c = lax.bitwise_and(iv, HPT - 1)
            plsc.addupdate_scatter(hist_o, [r, c], ones16)
            return carry

        lax.fori_loop(0, EPW // 16, bsrc, None)
        pltpu.sync_copy(dstf_hbm.at[wid], idx_v)

        def bdst(t, carry):
            iv = idx_v[pl.ds(t * 16, 16)]
            r = lax.shift_right_logical(iv, 10)
            c = lax.bitwise_and(iv, HPT - 1)
            plsc.addupdate_scatter(hist_i, [r, c], ones16)
            return carry

        lax.fori_loop(0, EPW // 16, bdst, None)
        pltpu.sync_copy(hist_o, sh_o.at[sid])
        pltpu.sync_copy(hist_i, sh_i.at[sid])
        plsc.subcore_barrier()

        pltpu.sync_copy(sh_o.at[0, sid], res_o)
        pltpu.sync_copy(sh_i.at[0, sid], res_i)

        def radd(t, carry):
            pltpu.sync_copy(sh_o.at[t, sid], tmp_v)

            def ga(g, c2):
                res_o[pl.ds(g * 16, 16)] = (res_o[pl.ds(g * 16, 16)]
                                            + tmp_v[pl.ds(g * 16, 16)])
                return c2

            lax.fori_loop(0, HPT // 16, ga, None)
            pltpu.sync_copy(sh_i.at[t, sid], tmp_v)

            def gb(g, c2):
                res_i[pl.ds(g * 16, 16)] = (res_i[pl.ds(g * 16, 16)]
                                            + tmp_v[pl.ds(g * 16, 16)])
                return c2

            lax.fori_loop(0, HPT // 16, gb, None)
            return carry

        lax.fori_loop(1, NS, radd, None)
        pltpu.sync_copy(res_o, dego_hbm.at[cid, 0, pl.ds(sid * HPT, HPT)])
        pltpu.sync_copy(res_i, degi_hbm.at[cid, 0, pl.ds(sid * HPT, HPT)])

    pl.run_scoped(inner,
                  pltpu.VMEM((EPW,), jnp.int32),
                  pltpu.VMEM((NS, HPT), jnp.float32),
                  pltpu.VMEM((NS, HPT), jnp.float32),
                  pltpu.VMEM((HPT,), jnp.float32),
                  pltpu.VMEM((HPT,), jnp.float32),
                  pltpu.VMEM((HPT,), jnp.float32))


_deg_call = pl.kernel(
    _deg_body,
    out_type=(jax.ShapeDtypeStruct((NC, 1, N2), jnp.float32),
              jax.ShapeDtypeStruct((NC, 1, N2), jnp.float32)),
    mesh=_mesh,
    scratch_types=[
        pltpu.VMEM_SHARED((NS, NS, HPT), jnp.float32),
        pltpu.VMEM_SHARED((NS, NS, HPT), jnp.float32),
    ],
    compiler_params=pltpu.CompilerParams(needs_layout_passes=False),
)


def _prop_body(hs_hbm, src_hbm, dst_hbm, zeros_hbm, parts_hbm, acc):
    cid = lax.axis_index("c")
    sid = lax.axis_index("s")
    wid = sid * NC + cid
    pltpu.sync_copy(zeros_hbm, acc.at[pl.ds(sid * RPT, RPT)])

    def inner(idxs_v, idxd_v, r0, r1, r2, r3, g0, g1, g2, g3,
              s0, s1, s2, s3):
        rows = (r0, r1, r2, r3)
        gsem = (g0, g1, g2, g3)
        ssem = (s0, s1, s2, s3)
        plsc.subcore_barrier()

        def wait_gather(k, m):
            pltpu.make_async_copy(hs_hbm.at[idxs_v.at[k]], rows[m],
                                  gsem[m]).wait()

        def wait_scatter(k, m):
            pltpu.make_async_copy(rows[m], acc.at[idxd_v.at[k]],
                                  ssem[m]).wait()

        def super_body(sb, carry):
            pltpu.sync_copy(src_hbm.at[wid * NSUPER + sb], idxs_v)
            pltpu.sync_copy(dst_hbm.at[wid * NSUPER + sb], idxd_v)
            pltpu.async_copy(hs_hbm.at[idxs_v.at[0]], rows[0], gsem[0])
            pltpu.async_copy(hs_hbm.at[idxs_v.at[1]], rows[1], gsem[1])

            def body(i, c2):
                k0 = NBUF * i
                for m in range(NBUF):
                    k = k0 + m
                    pn = (m + 2) % NBUF

                    @pl.when(k + 2 < SUP)
                    def _(k=k, pn=pn):
                        pltpu.async_copy(hs_hbm.at[idxs_v.at[k + 2]],
                                         rows[pn], gsem[pn])

                    wait_gather(k, m)

                    @pl.when(k >= 1)
                    def _w(k=k, pm=(m + NBUF - 1) % NBUF):
                        wait_scatter(k - 1, pm)

                    pltpu.async_copy(rows[m], acc.at[idxd_v.at[k]],
                                     ssem[m], add=True)
                return c2

            lax.fori_loop(0, SUP // NBUF, body, None)
            wait_scatter(SUP - 1, (SUP - 1) % NBUF)
            return carry

        lax.fori_loop(0, NSUPER, super_body, None)

    pl.run_scoped(inner,
                  pltpu.VMEM((SUP, C), jnp.int32),
                  pltpu.VMEM((SUP, C), jnp.int32),
                  pltpu.VMEM((C, D), jnp.float32),
                  pltpu.VMEM((C, D), jnp.float32),
                  pltpu.VMEM((C, D), jnp.float32),
                  pltpu.VMEM((C, D), jnp.float32),
                  pltpu.SemaphoreType.DMA,
                  pltpu.SemaphoreType.DMA,
                  pltpu.SemaphoreType.DMA,
                  pltpu.SemaphoreType.DMA,
                  pltpu.SemaphoreType.DMA,
                  pltpu.SemaphoreType.DMA,
                  pltpu.SemaphoreType.DMA,
                  pltpu.SemaphoreType.DMA)
    plsc.subcore_barrier()
    pltpu.sync_copy(acc.at[pl.ds(sid * RPT, RPT)],
                    parts_hbm.at[cid, pl.ds(sid * RPT, RPT)])


_prop_call = pl.kernel(
    _prop_body,
    out_type=jax.ShapeDtypeStruct((NC, N_PAD, D), jnp.float32),
    mesh=_mesh,
    scratch_types=[
        pltpu.VMEM_SHARED((N_PAD, D), jnp.float32),
    ],
)


_R = 1000
_G = N // _R


_RT = 1024


def _k0_body(do0, do1, di0, di1, ns_out, nd_out):
    dego = do0[0] + do1[0]
    degi = di0[0] + di1[0]
    ns_out[...] = jnp.transpose(lax.rsqrt(jnp.maximum(dego, 1.0)))
    nd_out[...] = jnp.transpose(lax.rsqrt(jnp.maximum(degi, 1.0)))


_k0_call = pl.pallas_call(
    _k0_body,
    grid=(N2 // _RT,),
    in_specs=[
        pl.BlockSpec((1, 1, _RT), lambda i: (0, 0, i)),
        pl.BlockSpec((1, 1, _RT), lambda i: (1, 0, i)),
        pl.BlockSpec((1, 1, _RT), lambda i: (0, 0, i)),
        pl.BlockSpec((1, 1, _RT), lambda i: (1, 0, i)),
    ],
    out_specs=[
        pl.BlockSpec((_RT, 1), lambda i: (i, 0)),
        pl.BlockSpec((_RT, 1), lambda i: (i, 0)),
    ],
    out_shape=[
        jax.ShapeDtypeStruct((N2, 1), jnp.float32),
        jax.ShapeDtypeStruct((N2, 1), jnp.float32),
    ],
)


def _k1_body(x_ref, w_ref, ns, hs_out):
    h = jnp.dot(x_ref[...], w_ref[...], precision=lax.Precision.HIGHEST,
                preferred_element_type=jnp.float32)
    hs_out[...] = h * ns[...]


_k1_call = pl.pallas_call(
    _k1_body,
    grid=(_G,),
    in_specs=[
        pl.BlockSpec((_R, D), lambda i: (i, 0)),
        pl.BlockSpec((D, D), lambda i: (0, 0)),
        pl.BlockSpec((_R, 1), lambda i: (i, 0)),
    ],
    out_specs=pl.BlockSpec((_R, D), lambda i: (i, 0)),
    out_shape=jax.ShapeDtypeStruct((N, D), jnp.float32),
)


def _k2_body(p0, p1, nd, b, w, ns, hs_out):
    agg = (p0[0] + p1[0]) * nd[...] + b[...]
    h = jnp.maximum(agg, 0.0)
    hs_out[...] = jnp.dot(h, w[...], precision=lax.Precision.HIGHEST,
                          preferred_element_type=jnp.float32) * ns[...]


_k2_call = pl.pallas_call(
    _k2_body,
    grid=(_G,),
    in_specs=[
        pl.BlockSpec((1, _R, D), lambda i: (0, i, 0)),
        pl.BlockSpec((1, _R, D), lambda i: (1, i, 0)),
        pl.BlockSpec((_R, 1), lambda i: (i, 0)),
        pl.BlockSpec((1, D), lambda i: (0, 0)),
        pl.BlockSpec((D, D), lambda i: (0, 0)),
        pl.BlockSpec((_R, 1), lambda i: (i, 0)),
    ],
    out_specs=pl.BlockSpec((_R, D), lambda i: (i, 0)),
    out_shape=jax.ShapeDtypeStruct((N, D), jnp.float32),
)


def _k2b_body(p0, p1, nd, b, ns, hs_out):
    agg = (p0[0] + p1[0]) * nd[...] + b[...]
    hs_out[...] = jnp.maximum(agg, 0.0) * ns[...]


_k2b_call = pl.pallas_call(
    _k2b_body,
    grid=(_G,),
    in_specs=[
        pl.BlockSpec((1, _R, D), lambda i: (0, i, 0)),
        pl.BlockSpec((1, _R, D), lambda i: (1, i, 0)),
        pl.BlockSpec((_R, 1), lambda i: (i, 0)),
        pl.BlockSpec((1, D), lambda i: (0, 0)),
        pl.BlockSpec((_R, 1), lambda i: (i, 0)),
    ],
    out_specs=pl.BlockSpec((_R, D), lambda i: (i, 0)),
    out_shape=jax.ShapeDtypeStruct((N, D), jnp.float32),
)


def _k3_body(p0, p1, nd, w2, b2, out):
    agg = (p0[0] + p1[0]) * nd[...]
    out[...] = jnp.dot(agg, w2[...], precision=lax.Precision.HIGHEST,
                       preferred_element_type=jnp.float32) + b2[...]


_k3_call = pl.pallas_call(
    _k3_body,
    grid=(_G,),
    in_specs=[
        pl.BlockSpec((1, _R, D), lambda i: (0, i, 0)),
        pl.BlockSpec((1, _R, D), lambda i: (1, i, 0)),
        pl.BlockSpec((_R, 1), lambda i: (i, 0)),
        pl.BlockSpec((D, NCLS), lambda i: (0, 0)),
        pl.BlockSpec((1, NCLS), lambda i: (0, 0)),
    ],
    out_specs=pl.BlockSpec((_R, NCLS), lambda i: (i, 0)),
    out_shape=jax.ShapeDtypeStruct((N, NCLS), jnp.float32),
)


@jax.jit
def kernel(features, edge_index, W0, b0, W1, b1, W2, b2):
    src_r = edge_index[0].reshape(NW * NSUPER, SUP, C)
    dst_r = edge_index[1].reshape(NW * NSUPER, SUP, C)
    src_f = edge_index[0].reshape(NW, EPW)
    dst_f = edge_index[1].reshape(NW, EPW)
    zeros128 = jnp.zeros((RPT, D), jnp.float32)

    dego_p, degi_p = _deg_call(src_f, dst_f)
    ns, nd = _k0_call(dego_p, dego_p, degi_p, degi_p)
    hs0 = _k1_call(features, W0, ns)
    parts0 = _prop_call(hs0, src_r, dst_r, zeros128)
    hs1 = _k2_call(parts0, parts0, nd, b0.reshape(1, D), W1, ns)
    parts1 = _prop_call(hs1, src_r, dst_r, zeros128)
    hs2 = _k2b_call(parts1, parts1, nd, b1.reshape(1, D), ns)
    parts2 = _prop_call(hs2, src_r, dst_r, zeros128)
    out = _k3_call(parts2, parts2, nd, W2, b2.reshape(1, NCLS))
    return out

# --- scband reference (transcript-rebuilt; emitter-appended) ---
"""Pipeline reference for scband-gcn-17428977287558 (READ-ONLY COPY).

The authoritative reference and input builder live on the scoring server;
editing this copy changes nothing except your own understanding.
"""

import jax, jax.numpy as jnp
import numpy as np

N = 10000
E = 320000
D_IN = 128
D_HID = 128
N_CLASSES = 40


def setup_inputs(seed: int = 0) -> dict:
    key = jax.random.key(seed)
    ks = jax.random.split(key, 8)
    features = jax.random.normal(ks[0], (N, D_IN), dtype=jnp.float32)
    edge_index = jax.random.randint(ks[1], (2, E), 0, N, dtype=jnp.int32)
    # GraphConv weights (glorot-ish scaling) and biases for 3 layers:
    # in->hidden, hidden->hidden (n_layers-1 = 1), hidden->classes
    W0 = jax.random.normal(ks[2], (D_IN, D_HID), dtype=jnp.float32) * (1.0 / np.sqrt(D_IN))
    b0 = jnp.zeros((D_HID,), dtype=jnp.float32)
    W1 = jax.random.normal(ks[3], (D_HID, D_HID), dtype=jnp.float32) * (1.0 / np.sqrt(D_HID))
    b1 = jnp.zeros((D_HID,), dtype=jnp.float32)
    W2 = jax.random.normal(ks[4], (D_HID, N_CLASSES), dtype=jnp.float32) * (1.0 / np.sqrt(D_HID))
    b2 = jnp.zeros((N_CLASSES,), dtype=jnp.float32)
    return {"features": features, "edge_index": edge_index,
            "W0": W0, "b0": b0, "W1": W1, "b1": b1, "W2": W2, "b2": b2}


def _graph_conv(x, W, b, src, dst, norm_src, norm_dst):
    # DGL GraphConv with norm='both':
    # rst = D_in^{-1/2} * A * D_out^{-1/2} * X * W + b
    h = x @ W
    h = h * norm_src[:, None]
    msgs = jnp.take(h, src, axis=0)
    agg = jax.ops.segment_sum(msgs, dst, num_segments=N)
    agg = agg * norm_dst[:, None]
    return agg + b


def reference(features, edge_index, W0, b0, W1, b1, W2, b2):
    src = edge_index[0]
    dst = edge_index[1]
    ones = jnp.ones((E,), dtype=jnp.float32)
    deg_out = jax.ops.segment_sum(ones, src, num_segments=N)
    deg_in = jax.ops.segment_sum(ones, dst, num_segments=N)
    norm_src = jax.lax.rsqrt(jnp.clip(deg_out, 1.0, None))
    norm_dst = jax.lax.rsqrt(jnp.clip(deg_in, 1.0, None))
    # layers[:-1]: conv -> activation (relu) -> dropout(eval, p effectively 0)
    h = _graph_conv(features, W0, b0, src, dst, norm_src, norm_dst)
    h = jax.nn.relu(h)
    h = _graph_conv(h, W1, b1, src, dst, norm_src, norm_dst)
    h = jax.nn.relu(h)
    # final layer (no activation)
    out = _graph_conv(h, W2, b2, src, dst, norm_src, norm_dst)
    return out

if __name__ == "__main__":
    import jax
    _d = setup_inputs()
    print(jax.jit(kernel)(*tuple(_d.values())))

</pallas_src>

<mosaic_0001>
#map = affine_map<(d0, d1) -> (0, 0)>
#map1 = affine_map<(d0, d1) -> (0, 0, 0)>
module attributes {stable_mosaic.version = 14 : i64} {
  func.func @_deg_body(%arg0: i32, %arg1: i32, %arg2: memref<32x10000xi32, #tpu.memory_space<hbm>>, %arg3: memref<32x10000xi32, #tpu.memory_space<hbm>>, %arg4: memref<2x1x16384xf32, #tpu.memory_space<hbm>>, %arg5: memref<2x1x16384xf32, #tpu.memory_space<hbm>>, %arg6: memref<16x16x1024xf32, #tpu.memory_space<vmem_shared>>, %arg7: memref<16x16x1024xf32, #tpu.memory_space<vmem_shared>>) attributes {dimension_semantics = [#tpu.dimension_semantics<core_parallel>, #tpu.dimension_semantics<subcore_parallel>], iteration_bounds = array<i64: 2, 16>, scalar_prefetch = 0 : i64, scratch_operands = 2 : i64, tpu.core_type = #tpu.core_type<sc_vector_subcore>, window_params = [{transform_indices = #map}, {transform_indices = #map}, {transform_indices = #map1}, {transform_indices = #map1}]} {
    %mul3A = arith.constant 2 : i32
    %mul3A_0 = arith.muli %arg1, %mul3A : i32
    %add3A = arith.addi %mul3A_0, %arg0 : i32
    "tpu.region"() ({
      %run_scoped3A = memref.alloca() : memref<10000xi32, #tpu.memory_space<vmem>>
      %run_scoped3A_1 = memref.alloca() : memref<16x1024xf32, #tpu.memory_space<vmem>>
      %run_scoped3A_2 = memref.alloca() : memref<16x1024xf32, #tpu.memory_space<vmem>>
      %run_scoped3A_3 = memref.alloca() : memref<1024xf32, #tpu.memory_space<vmem>>
      %run_scoped3A_4 = memref.alloca() : memref<1024xf32, #tpu.memory_space<vmem>>
      %run_scoped3A_5 = memref.alloca() : memref<1024xf32, #tpu.memory_space<vmem>>
      %scan3A = arith.constant 0 : i32
      %scan3A_6 = arith.constant 1024 : i32
      %scan3A_7 = arith.addi %scan3A, %scan3A_6 : i32
      %scan3A_8 = arith.constant 1 : i32
      scf.for %scan3A_34 = %scan3A to %scan3A_7 step %scan3A_8  : i32 {
        %jit3A = arith.constant 64 : i32
        %div3A = arith.divsi %scan3A_34, %jit3A : i32
        %sign3A = arith.constant 0 : i32
        %sign3A_35 = arith.cmpi sgt, %scan3A_34, %sign3A : i32
        %sign3A_36 = arith.extui %sign3A_35 : i1 to i32
        %sign3A_37 = arith.constant 0 : i32
        %sign3A_38 = arith.cmpi slt, %scan3A_34, %sign3A_37 : i32
        %sign3A_39 = arith.extui %sign3A_38 : i1 to i32
        %sign3A_40 = arith.subi %sign3A_36, %sign3A_39 : i32
        %sign3A_41 = arith.constant 0 : i32
        %sign3A_42 = arith.cmpi sgt, %jit3A, %sign3A_41 : i32
        %sign3A_43 = arith.extui %sign3A_42 : i1 to i32
        %sign3A_44 = arith.constant 0 : i32
        %sign3A_45 = arith.cmpi slt, %jit3A, %sign3A_44 : i32
        %sign3A_46 = arith.extui %sign3A_45 : i1 to i32
        %sign3A_47 = arith.subi %sign3A_43, %sign3A_46 : i32
        %ne3A = arith.cmpi ne, %sign3A_40, %sign3A_47 : i32
        %rem3A = arith.remsi %scan3A_34, %jit3A : i32
        %ne3A_48 = arith.constant 0 : i32
        %ne3A_49 = arith.cmpi ne, %rem3A, %ne3A_48 : i32
        %and3A = arith.andi %ne3A, %ne3A_49 : i1
        %sub3A = arith.constant 1 : i32
        %sub3A_50 = arith.subi %div3A, %sub3A : i32
        %select_n3A = arith.select %and3A, %sub3A_50, %div3A : i32
        %jit3A_51 = arith.constant 64 : i32
        %eq3A = arith.constant 0 : i32
        %eq3A_52 = arith.cmpi eq, %jit3A_51, %eq3A : i32
        %jit3A_53 = arith.constant 1 : i32
        %select_n3A_54 = arith.select %eq3A_52, %jit3A_53, %jit3A_51 : i32
        %rem3A_55 = arith.remsi %scan3A_34, %select_n3A_54 : i32
        %ne3A_56 = arith.constant 0 : i32
        %ne3A_57 = arith.cmpi ne, %rem3A_55, %ne3A_56 : i32
        %lt3A = arith.constant 0 : i32
        %lt3A_58 = arith.cmpi slt, %rem3A_55, %lt3A : i32
        %lt3A_59 = arith.constant 0 : i32
        %lt3A_60 = arith.cmpi slt, %select_n3A_54, %lt3A_59 : i32
        %ne3A_61 = arith.xori %lt3A_58, %lt3A_60 : i1
        %and3A_62 = arith.andi %ne3A_61, %ne3A_57 : i1
        %add3A_63 = arith.addi %rem3A_55, %select_n3A_54 : i32
        %select_n3A_64 = arith.select %and3A_62, %add3A_63, %rem3A_55 : i32
        %broadcast_in_dim3A_65 = arith.constant 0.000000e+00 : f32
        %broadcast_in_dim3A_66 = vector.broadcast %broadcast_in_dim3A_65 : f32 to vector<16xf32>
        %mul3A_67 = arith.constant 16 : i32
        %mul3A_68 = arith.muli %select_n3A_64, %mul3A_67 : i32
        %swap3A = arith.index_cast %select_n3A : i32 to index
        %swap3A_69 = arith.index_cast %mul3A_68 : i32 to index
        %swap3A_70 = tpu.vector_load %run_scoped3A_1[%swap3A, %swap3A_69] {strides = array<i32>} : memref<16x1024xf32, #tpu.memory_space<vmem>>, vector<16xf32>,
        tpu.vector_store %run_scoped3A_1[%swap3A, %swap3A_69], %broadcast_in_dim3A_66 {strides = array<i32>} : memref<16x1024xf32, #tpu.memory_space<vmem>>, vector<16xf32>,
        %mul3A_71 = arith.constant 16 : i32
        %mul3A_72 = arith.muli %select_n3A_64, %mul3A_71 : i32
        %swap3A_73 = arith.index_cast %select_n3A : i32 to index
        %swap3A_74 = arith.index_cast %mul3A_72 : i32 to index
        %swap3A_75 = tpu.vector_load %run_scoped3A_2[%swap3A_73, %swap3A_74] {strides = array<i32>} : memref<16x1024xf32, #tpu.memory_space<vmem>>, vector<16xf32>,
        tpu.vector_store %run_scoped3A_2[%swap3A_73, %swap3A_74], %broadcast_in_dim3A_66 {strides = array<i32>} : memref<16x1024xf32, #tpu.memory_space<vmem>>, vector<16xf32>,
      }
      %scan3A_9 = arith.constant 1024 : i32
      "tpu.region"() ({
        %run_scoped3A_34 = tpu.sem_alloc : memref<!tpu.dma_semaphore, #tpu.memory_space<semaphore_mem>>
        %dma_start3A = arith.constant 0 : i32
        %dma_start3A_35 = tpu.memref_slice %arg2[%add3A, %dma_start3A] : memref<32x10000xi32, #tpu.memory_space<hbm>> -> memref<1x10000xi32, #tpu.memory_space<hbm>>
        %dma_start3A_36 = tpu.memref_squeeze %dma_start3A_35 : memref<1x10000xi32, #tpu.memory_space<hbm>> -> memref<10000xi32, #tpu.memory_space<hbm>>
        %dma_start3A_37 = arith.constant 0 : i32
        %dma_start3A_38 = tpu.memref_slice %arg2[%add3A, %dma_start3A_37] : memref<32x10000xi32, #tpu.memory_space<hbm>> -> memref<1x10000xi32, #tpu.memory_space<hbm>>
        %dma_start3A_39 = tpu.memref_squeeze %dma_start3A_38 : memref<1x10000xi32, #tpu.memory_space<hbm>> -> memref<10000xi32, #tpu.memory_space<hbm>>
        tpu.enqueue_dma source(%dma_start3A_39 : memref<10000xi32, #tpu.memory_space<hbm>>) target(%run_scoped3A : memref<10000xi32, #tpu.memory_space<vmem>>) target_semaphore(%run_scoped3A_34 : memref<!tpu.dma_semaphore, #tpu.memory_space<semaphore_mem>>)
        %dma_wait3A = arith.constant 0 : i32
        %dma_wait3A_40 = tpu.memref_slice %arg2[%add3A, %dma_wait3A] : memref<32x10000xi32, #tpu.memory_space<hbm>> -> memref<1x10000xi32, #tpu.memory_space<hbm>>
        %dma_wait3A_41 = tpu.memref_squeeze %dma_wait3A_40 : memref<1x10000xi32, #tpu.memory_space<hbm>> -> memref<10000xi32, #tpu.memory_space<hbm>>
        %dma_wait3A_42 = arith.constant 0 : i32
        %dma_wait3A_43 = tpu.memref_slice %arg2[%add3A, %dma_wait3A_42] : memref<32x10000xi32, #tpu.memory_space<hbm>> -> memref<1x10000xi32, #tpu.memory_space<hbm>>
        %dma_wait3A_44 = tpu.memref_squeeze %dma_wait3A_43 : memref<1x10000xi32, #tpu.memory_space<hbm>> -> memref<10000xi32, #tpu.memory_space<hbm>>
        tpu.wait_dma2 semaphore(%run_scoped3A_34 : memref<!tpu.dma_semaphore, #tpu.memory_space<semaphore_mem>>) src(%dma_wait3A_44 : memref<10000xi32, #tpu.memory_space<hbm>>) dst(%run_scoped3A : memref<10000xi32, #tpu.memory_space<vmem>>)
        tpu.yield
      }) : () -> ()
      %broadcast_in_dim3A = arith.constant 1.000000e+00 : f32
      %broadcast_in_dim3A_10 = vector.broadcast %broadcast_in_dim3A : f32 to vector<16xf32>
      %scan3A_11 = arith.constant 0 : i32
      %scan3A_12 = arith.constant 625 : i32
      %scan3A_13 = arith.addi %scan3A_11, %scan3A_12 : i32
      %scan3A_14 = arith.constant 1 : i32
      scf.for %scan3A_34 = %scan3A_11 to %scan3A_13 step %scan3A_14  : i32 {
        %mul3A_35 = arith.constant 16 : i32
        %mul3A_36 = arith.muli %scan3A_34, %mul3A_35 : i32
        %get3A = arith.index_cast %mul3A_36 : i32 to index
        %get3A_37 = tpu.vector_load %run_scoped3A[%get3A] {strides = array<i32>} : memref<10000xi32, #tpu.memory_space<vmem>>, vector<16xi32>,
        %shift_right_logical3A = arith.constant 10 : i32
        %shift_right_logical3A_38 = vector.broadcast %shift_right_logical3A : i32 to vector<16xi32>
        %shift_right_logical3A_39 = arith.shrui %get3A_37, %shift_right_logical3A_38 : vector<16xi32>
        %and3A = arith.constant 1023 : i32
        %and3A_40 = vector.broadcast %and3A : i32 to vector<16xi32>
        %and3A_41 = arith.andi %get3A_37, %and3A_40 : vector<16xi32>
        tpu.vector_store_idx %run_scoped3A_1[%shift_right_logical3A_39, %and3A_41], %broadcast_in_dim3A_10 {add = true} : memref<16x1024xf32, #tpu.memory_space<vmem>>[vector<16xi32>, vector<16xi32>], vector<16xf32>,
      }
      %scan3A_15 = arith.constant 625 : i32
      "tpu.region"() ({
        %run_scoped3A_34 = tpu.sem_alloc : memref<!tpu.dma_semaphore, #tpu.memory_space<semaphore_mem>>
        %dma_start3A = arith.constant 0 : i32
        %dma_start3A_35 = tpu.memref_slice %arg3[%add3A, %dma_start3A] : memref<32x10000xi32, #tpu.memory_space<hbm>> -> memref<1x10000xi32, #tpu.memory_space<hbm>>
        %dma_start3A_36 = tpu.memref_squeeze %dma_start3A_35 : memref<1x10000xi32, #tpu.memory_space<hbm>> -> memref<10000xi32, #tpu.memory_space<hbm>>
        %dma_start3A_37 = arith.constant 0 : i32
        %dma_start3A_38 = tpu.memref_slice %arg3[%add3A, %dma_start3A_37] : memref<32x10000xi32, #tpu.memory_space<hbm>> -> memref<1x10000xi32, #tpu.memory_space<hbm>>
        %dma_start3A_39 = tpu.memref_squeeze %dma_start3A_38 : memref<1x10000xi32, #tpu.memory_space<hbm>> -> memref<10000xi32, #tpu.memory_space<hbm>>
        tpu.enqueue_dma source(%dma_start3A_39 : memref<10000xi32, #tpu.memory_space<hbm>>) target(%run_scoped3A : memref<10000xi32, #tpu.memory_space<vmem>>) target_semaphore(%run_scoped3A_34 : memref<!tpu.dma_semaphore, #tpu.memory_space<semaphore_mem>>)
        %dma_wait3A = arith.constant 0 : i32
        %dma_wait3A_40 = tpu.memref_slice %arg3[%add3A, %dma_wait3A] : memref<32x10000xi32, #tpu.memory_space<hbm>> -> memref<1x10000xi32, #tpu.memory_space<hbm>>
        %dma_wait3A_41 = tpu.memref_squeeze %dma_wait3A_40 : memref<1x10000xi32, #tpu.memory_space<hbm>> -> memref<10000xi32, #tpu.memory_space<hbm>>
        %dma_wait3A_42 = arith.constant 0 : i32
        %dma_wait3A_43 = tpu.memref_slice %arg3[%add3A, %dma_wait3A_42] : memref<32x10000xi32, #tpu.memory_space<hbm>> -> memref<1x10000xi32, #tpu.memory_space<hbm>>
        %dma_wait3A_44 = tpu.memref_squeeze %dma_wait3A_43 : memref<1x10000xi32, #tpu.memory_space<hbm>> -> memref<10000xi32, #tpu.memory_space<hbm>>
        tpu.wait_dma2 semaphore(%run_scoped3A_34 : memref<!tpu.dma_semaphore, #tpu.memory_space<semaphore_mem>>) src(%dma_wait3A_44 : memref<10000xi32, #tpu.memory_space<hbm>>) dst(%run_scoped3A : memref<10000xi32, #tpu.memory_space<vmem>>)
        tpu.yield
      }) : () -> ()
      %scan3A_16 = arith.constant 0 : i32
      %scan3A_17 = arith.constant 625 : i32
      %scan3A_18 = arith.addi %scan3A_16, %scan3A_17 : i32
      %scan3A_19 = arith.constant 1 : i32
      scf.for %scan3A_34 = %scan3A_16 to %scan3A_18 step %scan3A_19  : i32 {
        %mul3A_35 = arith.constant 16 : i32
        %mul3A_36 = arith.muli %scan3A_34, %mul3A_35 : i32
        %get3A = arith.index_cast %mul3A_36 : i32 to index
        %get3A_37 = tpu.vector_load %run_scoped3A[%get3A] {strides = array<i32>} : memref<10000xi32, #tpu.memory_space<vmem>>, vector<16xi32>,
        %shift_right_logical3A = arith.constant 10 : i32
        %shift_right_logical3A_38 = vector.broadcast %shift_right_logical3A : i32 to vector<16xi32>
        %shift_right_logical3A_39 = arith.shrui %get3A_37, %shift_right_logical3A_38 : vector<16xi32>
        %and3A = arith.constant 1023 : i32
        %and3A_40 = vector.broadcast %and3A : i32 to vector<16xi32>
        %and3A_41 = arith.andi %get3A_37, %and3A_40 : vector<16xi32>
        tpu.vector_store_idx %run_scoped3A_2[%shift_right_logical3A_39, %and3A_41], %broadcast_in_dim3A_10 {add = true} : memref<16x1024xf32, #tpu.memory_space<vmem>>[vector<16xi32>, vector<16xi32>], vector<16xf32>,
      }
      %scan3A_20 = arith.constant 625 : i32
      "tpu.region"() ({
        %run_scoped3A_34 = tpu.sem_alloc : memref<!tpu.dma_semaphore, #tpu.memory_space<semaphore_mem>>
        %dma_start3A = arith.constant 0 : i32
        %dma_start3A_35 = arith.constant 0 : i32
        %dma_start3A_36 = tpu.memref_slice %arg6[%arg1, %dma_start3A, %dma_start3A_35] : memref<16x16x1024xf32, #tpu.memory_space<vmem_shared>> -> memref<1x16x1024xf32, #tpu.memory_space<vmem_shared>>
        %dma_start3A_37 = tpu.memref_squeeze %dma_start3A_36 : memref<1x16x1024xf32, #tpu.memory_space<vmem_shared>> -> memref<16x1024xf32, #tpu.memory_space<vmem_shared>>
        %dma_start3A_38 = arith.constant 0 : i32
        %dma_start3A_39 = arith.constant 0 : i32
        %dma_start3A_40 = tpu.memref_slice %arg6[%arg1, %dma_start3A_38, %dma_start3A_39] : memref<16x16x1024xf32, #tpu.memory_space<vmem_shared>> -> memref<1x16x1024xf32, #tpu.memory_space<vmem_shared>>
        %dma_start3A_41 = tpu.memref_squeeze %dma_start3A_40 : memref<1x16x1024xf32, #tpu.memory_space<vmem_shared>> -> memref<16x1024xf32, #tpu.memory_space<vmem_shared>>
        tpu.enqueue_dma source(%run_scoped3A_1 : memref<16x1024xf32, #tpu.memory_space<vmem>>) target(%dma_start3A_41 : memref<16x1024xf32, #tpu.memory_space<vmem_shared>>) target_semaphore(%run_scoped3A_34 : memref<!tpu.dma_semaphore, #tpu.memory_space<semaphore_mem>>)
        %dma_wait3A = arith.constant 0 : i32
        %dma_wait3A_42 = arith.constant 0 : i32
        %dma_wait3A_43 = tpu.memref_slice %arg6[%arg1, %dma_wait3A, %dma_wait3A_42] : memref<16x16x1024xf32, #tpu.memory_space<vmem_shared>> -> memref<1x16x1024xf32, #tpu.memory_space<vmem_shared>>
        %dma_wait3A_44 = tpu.memref_squeeze %dma_wait3A_43 : memref<1x16x1024xf32, #tpu.memory_space<vmem_shared>> -> memref<16x1024xf32, #tpu.memory_space<vmem_shared>>
        %dma_wait3A_45 = arith.constant 0 : i32
        %dma_wait3A_46 = arith.constant 0 : i32
        %dma_wait3A_47 = tpu.memref_slice %arg6[%arg1, %dma_wait3A_45, %dma_wait3A_46] : memref<16x16x1024xf32, #tpu.memory_space<vmem_shared>> -> memref<1x16x1024xf32, #tpu.memory_space<vmem_shared>>
        %dma_wait3A_48 = tpu.memref_squeeze %dma_wait3A_47 : memref<1x16x1024xf32, #tpu.memory_space<vmem_shared>> -> memref<16x1024xf32, #tpu.memory_space<vmem_shared>>
        tpu.wait_dma2 semaphore(%run_scoped3A_34 : memref<!tpu.dma_semaphore, #tpu.memory_space<semaphore_mem>>) src(%run_scoped3A_1 : memref<16x1024xf32, #tpu.memory_space<vmem>>) dst(%dma_wait3A_48 : memref<16x1024xf32, #tpu.memory_space<vmem_shared>>)
        tpu.yield
      }) : () -> ()
      "tpu.region"() ({
        %run_scoped3A_34 = tpu.sem_alloc : memref<!tpu.dma_semaphore, #tpu.memory_space<semaphore_mem>>
        %dma_start3A = arith.constant 0 : i32
        %dma_start3A_35 = arith.constant 0 : i32
        %dma_start3A_36 = tpu.memref_slice %arg7[%arg1, %dma_start3A, %dma_start3A_35] : memref<16x16x1024xf32, #tpu.memory_space<vmem_shared>> -> memref<1x16x1024xf32, #tpu.memory_space<vmem_shared>>
        %dma_start3A_37 = tpu.memref_squeeze %dma_start3A_36 : memref<1x16x1024xf32, #tpu.memory_space<vmem_shared>> -> memref<16x1024xf32, #tpu.memory_space<vmem_shared>>
        %dma_start3A_38 = arith.constant 0 : i32
        %dma_start3A_39 = arith.constant 0 : i32
        %dma_start3A_40 = tpu.memref_slice %arg7[%arg1, %dma_start3A_38, %dma_start3A_39] : memref<16x16x1024xf32, #tpu.memory_space<vmem_shared>> -> memref<1x16x1024xf32, #tpu.memory_space<vmem_shared>>
        %dma_start3A_41 = tpu.memref_squeeze %dma_start3A_40 : memref<1x16x1024xf32, #tpu.memory_space<vmem_shared>> -> memref<16x1024xf32, #tpu.memory_space<vmem_shared>>
        tpu.enqueue_dma source(%run_scoped3A_2 : memref<16x1024xf32, #tpu.memory_space<vmem>>) target(%dma_start3A_41 : memref<16x1024xf32, #tpu.memory_space<vmem_shared>>) target_semaphore(%run_scoped3A_34 : memref<!tpu.dma_semaphore, #tpu.memory_space<semaphore_mem>>)
        %dma_wait3A = arith.constant 0 : i32
        %dma_wait3A_42 = arith.constant 0 : i32
        %dma_wait3A_43 = tpu.memref_slice %arg7[%arg1, %dma_wait3A, %dma_wait3A_42] : memref<16x16x1024xf32, #tpu.memory_space<vmem_shared>> -> memref<1x16x1024xf32, #tpu.memory_space<vmem_shared>>
        %dma_wait3A_44 = tpu.memref_squeeze %dma_wait3A_43 : memref<1x16x1024xf32, #tpu.memory_space<vmem_shared>> -> memref<16x1024xf32, #tpu.memory_space<vmem_shared>>
        %dma_wait3A_45 = arith.constant 0 : i32
        %dma_wait3A_46 = arith.constant 0 : i32
        %dma_wait3A_47 = tpu.memref_slice %arg7[%arg1, %dma_wait3A_45, %dma_wait3A_46] : memref<16x16x1024xf32, #tpu.memory_space<vmem_shared>> -> memref<1x16x1024xf32, #tpu.memory_space<vmem_shared>>
        %dma_wait3A_48 = tpu.memref_squeeze %dma_wait3A_47 : memref<1x16x1024xf32, #tpu.memory_space<vmem_shared>> -> memref<16x1024xf32, #tpu.memory_space<vmem_shared>>
        tpu.wait_dma2 semaphore(%run_scoped3A_34 : memref<!tpu.dma_semaphore, #tpu.memory_space<semaphore_mem>>) src(%run_scoped3A_2 : memref<16x1024xf32, #tpu.memory_space<vmem>>) dst(%dma_wait3A_48 : memref<16x1024xf32, #tpu.memory_space<vmem_shared>>)
        tpu.yield
      }) : () -> ()
      %barrier3A = arith.constant 0 : index
      tpu.barrier barrier_id(%barrier3A)
      %run_scoped3A_21 = arith.constant 0 : i32
      "tpu.region"() ({
        %run_scoped3A_34 = tpu.sem_alloc : memref<!tpu.dma_semaphore, #tpu.memory_space<semaphore_mem>>
        %dma_start3A = arith.constant 0 : i32
        %dma_start3A_35 = tpu.memref_slice %arg6[%run_scoped3A_21, %arg1, %dma_start3A] : memref<16x16x1024xf32, #tpu.memory_space<vmem_shared>> -> memref<1x1x1024xf32, #tpu.memory_space<vmem_shared>>
        %dma_start3A_36 = tpu.memref_squeeze %dma_start3A_35 : memref<1x1x1024xf32, #tpu.memory_space<vmem_shared>> -> memref<1024xf32, #tpu.memory_space<vmem_shared>>
        %dma_start3A_37 = arith.constant 0 : i32
        %dma_start3A_38 = tpu.memref_slice %arg6[%run_scoped3A_21, %arg1, %dma_start3A_37] : memref<16x16x1024xf32, #tpu.memory_space<vmem_shared>> -> memref<1x1x1024xf32, #tpu.memory_space<vmem_shared>>
        %dma_start3A_39 = tpu.memref_squeeze %dma_start3A_38 : memref<1x1x1024xf32, #tpu.memory_space<vmem_shared>> -> memref<1024xf32, #tpu.memory_space<vmem_shared>>
        tpu.enqueue_dma source(%dma_start3A_39 : memref<1024xf32, #tpu.memory_space<vmem_shared>>) target(%run_scoped3A_3 : memref<1024xf32, #tpu.memory_space<vmem>>) target_semaphore(%run_scoped3A_34 : memref<!tpu.dma_semaphore, #tpu.memory_space<semaphore_mem>>)
        %dma_wait3A = arith.constant 0 : i32
        %dma_wait3A_40 = tpu.memref_slice %arg6[%run_scoped3A_21, %arg1, %dma_wait3A] : memref<16x16x1024xf32, #tpu.memory_space<vmem_shared>> -> memref<1x1x1024xf32, #tpu.memory_space<vmem_shared>>
        %dma_wait3A_41 = tpu.memref_squeeze %dma_wait3A_40 : memref<1x1x1024xf32, #tpu.memory_space<vmem_shared>> -> memref<1024xf32, #tpu.memory_space<vmem_shared>>
        %dma_wait3A_42 = arith.constant 0 : i32
        %dma_wait3A_43 = tpu.memref_slice %arg6[%run_scoped3A_21, %arg1, %dma_wait3A_42] : memref<16x16x1024xf32, #tpu.memory_space<vmem_shared>> -> memref<1x1x1024xf32, #tpu.memory_space<vmem_shared>>
        %dma_wait3A_44 = tpu.memref_squeeze %dma_wait3A_43 : memref<1x1x1024xf32, #tpu.memory_space<vmem_shared>> -> memref<1024xf32, #tpu.memory_space<vmem_shared>>
        tpu.wait_dma2 semaphore(%run_scoped3A_34 : memref<!tpu.dma_semaphore, #tpu.memory_space<semaphore_mem>>) src(%dma_wait3A_44 : memref<1024xf32, #tpu.memory_space<vmem_shared>>) dst(%run_scoped3A_3 : memref<1024xf32, #tpu.memory_space<vmem>>)
        tpu.yield
      }) : () -> ()
      %run_scoped3A_22 = arith.constant 0 : i32
      "tpu.region"() ({
        %run_scoped3A_34 = tpu.sem_alloc : memref<!tpu.dma_semaphore, #tpu.memory_space<semaphore_mem>>
        %dma_start3A = arith.constant 0 : i32
        %dma_start3A_35 = tpu.memref_slice %arg7[%run_scoped3A_22, %arg1, %dma_start3A] : memref<16x16x1024xf32, #tpu.memory_space<vmem_shared>> -> memref<1x1x1024xf32, #tpu.memory_space<vmem_shared>>
        %dma_start3A_36 = tpu.memref_squeeze %dma_start3A_35 : memref<1x1x1024xf32, #tpu.memory_space<vmem_shared>> -> memref<1024xf32, #tpu.memory_space<vmem_shared>>
        %dma_start3A_37 = arith.constant 0 : i32
        %dma_start3A_38 = tpu.memref_slice %arg7[%run_scoped3A_22, %arg1, %dma_start3A_37] : memref<16x16x1024xf32, #tpu.memory_space<vmem_shared>> -> memref<1x1x1024xf32, #tpu.memory_space<vmem_shared>>
        %dma_start3A_39 = tpu.memref_squeeze %dma_start3A_38 : memref<1x1x1024xf32, #tpu.memory_space<vmem_shared>> -> memref<1024xf32, #tpu.memory_space<vmem_shared>>
        tpu.enqueue_dma source(%dma_start3A_39 : memref<1024xf32, #tpu.memory_space<vmem_shared>>) target(%run_scoped3A_4 : memref<1024xf32, #tpu.memory_space<vmem>>) target_semaphore(%run_scoped3A_34 : memref<!tpu.dma_semaphore, #tpu.memory_space<semaphore_mem>>)
        %dma_wait3A = arith.constant 0 : i32
        %dma_wait3A_40 = tpu.memref_slice %arg7[%run_scoped3A_22, %arg1, %dma_wait3A] : memref<16x16x1024xf32, #tpu.memory_space<vmem_shared>> -> memref<1x1x1024xf32, #tpu.memory_space<vmem_shared>>
        %dma_wait3A_41 = tpu.memref_squeeze %dma_wait3A_40 : memref<1x1x1024xf32, #tpu.memory_space<vmem_shared>> -> memref<1024xf32, #tpu.memory_space<vmem_shared>>
        %dma_wait3A_42 = arith.constant 0 : i32
        %dma_wait3A_43 = tpu.memref_slice %arg7[%run_scoped3A_22, %arg1, %dma_wait3A_42] : memref<16x16x1024xf32, #tpu.memory_space<vmem_shared>> -> memref<1x1x1024xf32, #tpu.memory_space<vmem_shared>>
        %dma_wait3A_44 = tpu.memref_squeeze %dma_wait3A_43 : memref<1x1x1024xf32, #tpu.memory_space<vmem_shared>> -> memref<1024xf32, #tpu.memory_space<vmem_shared>>
        tpu.wait_dma2 semaphore(%run_scoped3A_34 : memref<!tpu.dma_semaphore, #tpu.memory_space<semaphore_mem>>) src(%dma_wait3A_44 : memref<1024xf32, #tpu.memory_space<vmem_shared>>) dst(%run_scoped3A_4 : memref<1024xf32, #tpu.memory_space<vmem>>)
        tpu.yield
      }) : () -> ()
      %scan3A_23 = arith.constant 1 : i32
      %scan3A_24 = arith.constant 15 : i32
      %scan3A_25 = arith.addi %scan3A_23, %scan3A_24 : i32
      %scan3A_26 = arith.constant 1 : i32
      scf.for %scan3A_34 = %scan3A_23 to %scan3A_25 step %scan3A_26  : i32 {
        "tpu.region"() ({
          %run_scoped3A_45 = tpu.sem_alloc : memref<!tpu.dma_semaphore, #tpu.memory_space<semaphore_mem>>
          %dma_start3A = arith.constant 0 : i32
          %dma_start3A_46 = tpu.memref_slice %arg6[%scan3A_34, %arg1, %dma_start3A] : memref<16x16x1024xf32, #tpu.memory_space<vmem_shared>> -> memref<1x1x1024xf32, #tpu.memory_space<vmem_shared>>
          %dma_start3A_47 = tpu.memref_squeeze %dma_start3A_46 : memref<1x1x1024xf32, #tpu.memory_space<vmem_shared>> -> memref<1024xf32, #tpu.memory_space<vmem_shared>>
          %dma_start3A_48 = arith.constant 0 : i32
          %dma_start3A_49 = tpu.memref_slice %arg6[%scan3A_34, %arg1, %dma_start3A_48] : memref<16x16x1024xf32, #tpu.memory_space<vmem_shared>> -> memref<1x1x1024xf32, #tpu.memory_space<vmem_shared>>
          %dma_start3A_50 = tpu.memref_squeeze %dma_start3A_49 : memref<1x1x1024xf32, #tpu.memory_space<vmem_shared>> -> memref<1024xf32, #tpu.memory_space<vmem_shared>>
          tpu.enqueue_dma source(%dma_start3A_50 : memref<1024xf32, #tpu.memory_space<vmem_shared>>) target(%run_scoped3A_5 : memref<1024xf32, #tpu.memory_space<vmem>>) target_semaphore(%run_scoped3A_45 : memref<!tpu.dma_semaphore, #tpu.memory_space<semaphore_mem>>)
          %dma_wait3A = arith.constant 0 : i32
          %dma_wait3A_51 = tpu.memref_slice %arg6[%scan3A_34, %arg1, %dma_wait3A] : memref<16x16x1024xf32, #tpu.memory_space<vmem_shared>> -> memref<1x1x1024xf32, #tpu.memory_space<vmem_shared>>
          %dma_wait3A_52 = tpu.memref_squeeze %dma_wait3A_51 : memref<1x1x1024xf32, #tpu.memory_space<vmem_shared>> -> memref<1024xf32, #tpu.memory_space<vmem_shared>>
          %dma_wait3A_53 = arith.constant 0 : i32
          %dma_wait3A_54 = tpu.memref_slice %arg6[%scan3A_34, %arg1, %dma_wait3A_53] : memref<16x16x1024xf32, #tpu.memory_space<vmem_shared>> -> memref<1x1x1024xf32, #tpu.memory_space<vmem_shared>>
          %dma_wait3A_55 = tpu.memref_squeeze %dma_wait3A_54 : memref<1x1x1024xf32, #tpu.memory_space<vmem_shared>> -> memref<1024xf32, #tpu.memory_space<vmem_shared>>
          tpu.wait_dma2 semaphore(%run_scoped3A_45 : memref<!tpu.dma_semaphore, #tpu.memory_space<semaphore_mem>>) src(%dma_wait3A_55 : memref<1024xf32, #tpu.memory_space<vmem_shared>>) dst(%run_scoped3A_5 : memref<1024xf32, #tpu.memory_space<vmem>>)
          tpu.yield
        }) : () -> ()
        %scan3A_35 = arith.constant 0 : i32
        %scan3A_36 = arith.constant 64 : i32
        %scan3A_37 = arith.addi %scan3A_35, %scan3A_36 : i32
        %scan3A_38 = arith.constant 1 : i32
        scf.for %scan3A_45 = %scan3A_35 to %scan3A_37 step %scan3A_38  : i32 {
          %mul3A_46 = arith.constant 16 : i32
          %mul3A_47 = arith.muli %scan3A_45, %mul3A_46 : i32
          %get3A = arith.index_cast %mul3A_47 : i32 to index
          %get3A_48 = tpu.vector_load %run_scoped3A_3[%get3A] {strides = array<i32>} : memref<1024xf32, #tpu.memory_space<vmem>>, vector<16xf32>,
          %mul3A_49 = arith.constant 16 : i32
          %mul3A_50 = arith.muli %scan3A_45, %mul3A_49 : i32
          %get3A_51 = arith.index_cast %mul3A_50 : i32 to index
          %get3A_52 = tpu.vector_load %run_scoped3A_5[%get3A_51] {strides = array<i32>} : memref<1024xf32, #tpu.memory_space<vmem>>, vector<16xf32>,
          %add3A_53 = arith.addf %get3A_48, %get3A_52 : vector<16xf32>
          %mul3A_54 = arith.constant 16 : i32
          %mul3A_55 = arith.muli %scan3A_45, %mul3A_54 : i32
          %swap3A = arith.index_cast %mul3A_55 : i32 to index
          %swap3A_56 = tpu.vector_load %run_scoped3A_3[%swap3A] {strides = array<i32>} : memref<1024xf32, #tpu.memory_space<vmem>>, vector<16xf32>,
          tpu.vector_store %run_scoped3A_3[%swap3A], %add3A_53 {strides = array<i32>} : memref<1024xf32, #tpu.memory_space<vmem>>, vector<16xf32>,
        }
        %scan3A_39 = arith.constant 64 : i32
        "tpu.region"() ({
          %run_scoped3A_45 = tpu.sem_alloc : memref<!tpu.dma_semaphore, #tpu.memory_space<semaphore_mem>>
          %dma_start3A = arith.constant 0 : i32
          %dma_start3A_46 = tpu.memref_slice %arg7[%scan3A_34, %arg1, %dma_start3A] : memref<16x16x1024xf32, #tpu.memory_space<vmem_shared>> -> memref<1x1x1024xf32, #tpu.memory_space<vmem_shared>>
          %dma_start3A_47 = tpu.memref_squeeze %dma_start3A_46 : memref<1x1x1024xf32, #tpu.memory_space<vmem_shared>> -> memref<1024xf32, #tpu.memory_space<vmem_shared>>
          %dma_start3A_48 = arith.constant 0 : i32
          %dma_start3A_49 = tpu.memref_slice %arg7[%scan3A_34, %arg1, %dma_start3A_48] : memref<16x16x1024xf32, #tpu.memory_space<vmem_shared>> -> memref<1x1x1024xf32, #tpu.memory_space<vmem_shared>>
          %dma_start3A_50 = tpu.memref_squeeze %dma_start3A_49 : memref<1x1x1024xf32, #tpu.memory_space<vmem_shared>> -> memref<1024xf32, #tpu.memory_space<vmem_shared>>
          tpu.enqueue_dma source(%dma_start3A_50 : memref<1024xf32, #tpu.memory_space<vmem_shared>>) target(%run_scoped3A_5 : memref<1024xf32, #tpu.memory_space<vmem>>) target_semaphore(%run_scoped3A_45 : memref<!tpu.dma_semaphore, #tpu.memory_space<semaphore_mem>>)
          %dma_wait3A = arith.constant 0 : i32
          %dma_wait3A_51 = tpu.memref_slice %arg7[%scan3A_34, %arg1, %dma_wait3A] : memref<16x16x1024xf32, #tpu.memory_space<vmem_shared>> -> memref<1x1x1024xf32, #tpu.memory_space<vmem_shared>>
          %dma_wait3A_52 = tpu.memref_squeeze %dma_wait3A_51 : memref<1x1x1024xf32, #tpu.memory_space<vmem_shared>> -> memref<1024xf32, #tpu.memory_space<vmem_shared>>
          %dma_wait3A_53 = arith.constant 0 : i32
          %dma_wait3A_54 = tpu.memref_slice %arg7[%scan3A_34, %arg1, %dma_wait3A_53] : memref<16x16x1024xf32, #tpu.memory_space<vmem_shared>> -> memref<1x1x1024xf32, #tpu.memory_space<vmem_shared>>
          %dma_wait3A_55 = tpu.memref_squeeze %dma_wait3A_54 : memref<1x1x1024xf32, #tpu.memory_space<vmem_shared>> -> memref<1024xf32, #tpu.memory_space<vmem_shared>>
          tpu.wait_dma2 semaphore(%run_scoped3A_45 : memref<!tpu.dma_semaphore, #tpu.memory_space<semaphore_mem>>) src(%dma_wait3A_55 : memref<1024xf32, #tpu.memory_space<vmem_shared>>) dst(%run_scoped3A_5 : memref<1024xf32, #tpu.memory_space<vmem>>)
          tpu.yield
        }) : () -> ()
        %scan3A_40 = arith.constant 0 : i32
        %scan3A_41 = arith.constant 64 : i32
        %scan3A_42 = arith.addi %scan3A_40, %scan3A_41 : i32
        %scan3A_43 = arith.constant 1 : i32
        scf.for %scan3A_45 = %scan3A_40 to %scan3A_42 step %scan3A_43  : i32 {
          %mul3A_46 = arith.constant 16 : i32
          %mul3A_47 = arith.muli %scan3A_45, %mul3A_46 : i32
          %get3A = arith.index_cast %mul3A_47 : i32 to index
          %get3A_48 = tpu.vector_load %run_scoped3A_4[%get3A] {strides = array<i32>} : memref<1024xf32, #tpu.memory_space<vmem>>, vector<16xf32>,
          %mul3A_49 = arith.constant 16 : i32
          %mul3A_50 = arith.muli %scan3A_45, %mul3A_49 : i32
          %get3A_51 = arith.index_cast %mul3A_50 : i32 to index
          %get3A_52 = tpu.vector_load %run_scoped3A_5[%get3A_51] {strides = array<i32>} : memref<1024xf32, #tpu.memory_space<vmem>>, vector<16xf32>,
          %add3A_53 = arith.addf %get3A_48, %get3A_52 : vector<16xf32>
          %mul3A_54 = arith.constant 16 : i32
          %mul3A_55 = arith.muli %scan3A_45, %mul3A_54 : i32
          %swap3A = arith.index_cast %mul3A_55 : i32 to index
          %swap3A_56 = tpu.vector_load %run_scoped3A_4[%swap3A] {strides = array<i32>} : memref<1024xf32, #tpu.memory_space<vmem>>, vector<16xf32>,
          tpu.vector_store %run_scoped3A_4[%swap3A], %add3A_53 {strides = array<i32>} : memref<1024xf32, #tpu.memory_space<vmem>>, vector<16xf32>,
        }
        %scan3A_44 = arith.constant 64 : i32
      }
      %scan3A_27 = arith.constant 15 : i32
      %mul3A_28 = arith.constant 1024 : i32
      %mul3A_29 = arith.muli %arg1, %mul3A_28 : i32
      %run_scoped3A_30 = arith.constant 0 : i32
      "tpu.region"() ({
        %run_scoped3A_34 = tpu.sem_alloc : memref<!tpu.dma_semaphore, #tpu.memory_space<semaphore_mem>>
        %dma_start3A = tpu.memref_slice %arg4[%arg0, %run_scoped3A_30, %mul3A_29] : memref<2x1x16384xf32, #tpu.memory_space<hbm>> -> memref<1x1x1024xf32, #tpu.memory_space<hbm>>
        %dma_start3A_35 = tpu.memref_squeeze %dma_start3A : memref<1x1x1024xf32, #tpu.memory_space<hbm>> -> memref<1024xf32, #tpu.memory_space<hbm>>
        %dma_start3A_36 = tpu.memref_slice %arg4[%arg0, %run_scoped3A_30, %mul3A_29] : memref<2x1x16384xf32, #tpu.memory_space<hbm>> -> memref<1x1x1024xf32, #tpu.memory_space<hbm>>
        %dma_start3A_37 = tpu.memref_squeeze %dma_start3A_36 : memref<1x1x1024xf32, #tpu.memory_space<hbm>> -> memref<1024xf32, #tpu.memory_space<hbm>>
        tpu.enqueue_dma source(%run_scoped3A_3 : memref<1024xf32, #tpu.memory_space<vmem>>) target(%dma_start3A_37 : memref<1024xf32, #tpu.memory_space<hbm>>) target_semaphore(%run_scoped3A_34 : memref<!tpu.dma_semaphore, #tpu.memory_space<semaphore_mem>>)
        %dma_wait3A = tpu.memref_slice %arg4[%arg0, %run_scoped3A_30, %mul3A_29] : memref<2x1x16384xf32, #tpu.memory_space<hbm>> -> memref<1x1x1024xf32, #tpu.memory_space<hbm>>
        %dma_wait3A_38 = tpu.memref_squeeze %dma_wait3A : memref<1x1x1024xf32, #tpu.memory_space<hbm>> -> memref<1024xf32, #tpu.memory_space<hbm>>
        %dma_wait3A_39 = tpu.memref_slice %arg4[%arg0, %run_scoped3A_30, %mul3A_29] : memref<2x1x16384xf32, #tpu.memory_space<hbm>> -> memref<1x1x1024xf32, #tpu.memory_space<hbm>>
        %dma_wait3A_40 = tpu.memref_squeeze %dma_wait3A_39 : memref<1x1x1024xf32, #tpu.memory_space<hbm>> -> memref<1024xf32, #tpu.memory_space<hbm>>
        tpu.wait_dma2 semaphore(%run_scoped3A_34 : memref<!tpu.dma_semaphore, #tpu.memory_space<semaphore_mem>>) src(%run_scoped3A_3 : memref<1024xf32, #tpu.memory_space<vmem>>) dst(%dma_wait3A_40 : memref<1024xf32, #tpu.memory_space<hbm>>)
        tpu.yield
      }) : () -> ()
      %mul3A_31 = arith.constant 1024 : i32
      %mul3A_32 = arith.muli %arg1, %mul3A_31 : i32
      %run_scoped3A_33 = arith.constant 0 : i32
      "tpu.region"() ({
        %run_scoped3A_34 = tpu.sem_alloc : memref<!tpu.dma_semaphore, #tpu.memory_space<semaphore_mem>>
        %dma_start3A = tpu.memref_slice %arg5[%arg0, %run_scoped3A_33, %mul3A_32] : memref<2x1x16384xf32, #tpu.memory_space<hbm>> -> memref<1x1x1024xf32, #tpu.memory_space<hbm>>
        %dma_start3A_35 = tpu.memref_squeeze %dma_start3A : memref<1x1x1024xf32, #tpu.memory_space<hbm>> -> memref<1024xf32, #tpu.memory_space<hbm>>
        %dma_start3A_36 = tpu.memref_slice %arg5[%arg0, %run_scoped3A_33, %mul3A_32] : memref<2x1x16384xf32, #tpu.memory_space<hbm>> -> memref<1x1x1024xf32, #tpu.memory_space<hbm>>
        %dma_start3A_37 = tpu.memref_squeeze %dma_start3A_36 : memref<1x1x1024xf32, #tpu.memory_space<hbm>> -> memref<1024xf32, #tpu.memory_space<hbm>>
        tpu.enqueue_dma source(%run_scoped3A_4 : memref<1024xf32, #tpu.memory_space<vmem>>) target(%dma_start3A_37 : memref<1024xf32, #tpu.memory_space<hbm>>) target_semaphore(%run_scoped3A_34 : memref<!tpu.dma_semaphore, #tpu.memory_space<semaphore_mem>>)
        %dma_wait3A = tpu.memref_slice %arg5[%arg0, %run_scoped3A_33, %mul3A_32] : memref<2x1x16384xf32, #tpu.memory_space<hbm>> -> memref<1x1x1024xf32, #tpu.memory_space<hbm>>
        %dma_wait3A_38 = tpu.memref_squeeze %dma_wait3A : memref<1x1x1024xf32, #tpu.memory_space<hbm>> -> memref<1024xf32, #tpu.memory_space<hbm>>
        %dma_wait3A_39 = tpu.memref_slice %arg5[%arg0, %run_scoped3A_33, %mul3A_32] : memref<2x1x16384xf32, #tpu.memory_space<hbm>> -> memref<1x1x1024xf32, #tpu.memory_space<hbm>>
        %dma_wait3A_40 = tpu.memref_squeeze %dma_wait3A_39 : memref<1x1x1024xf32, #tpu.memory_space<hbm>> -> memref<1024xf32, #tpu.memory_space<hbm>>
        tpu.wait_dma2 semaphore(%run_scoped3A_34 : memref<!tpu.dma_semaphore, #tpu.memory_space<semaphore_mem>>) src(%run_scoped3A_4 : memref<1024xf32, #tpu.memory_space<vmem>>) dst(%dma_wait3A_40 : memref<1024xf32, #tpu.memory_space<hbm>>)
        tpu.yield
      }) : () -> ()
      tpu.yield
    }) : () -> ()
    return
  }
}

#map = affine_map<(d0, d1) -> (0, 0)>
#map1 = affine_map<(d0, d1) -> (0, 0, 0)>
module attributes {stable_mosaic.version = 14 : i64} {
  func.func @_prop_body(%arg0: i32, %arg1: i32, %arg2: memref<10000x128xf32, #tpu.memory_space<hbm>>, %arg3: memref<160x40x50xi32, #tpu.memory_space<hbm>>, %arg4: memref<160x40x50xi32, #tpu.memory_space<hbm>>, %arg5: memref<640x128xf32, #tpu.memory_space<hbm>>, %arg6: memref<2x10240x128xf32, #tpu.memory_space<hbm>>, %arg7: memref<10240x128xf32, #tpu.memory_space<vmem_shared>>) attributes {dimension_semantics = [#tpu.dimension_semantics<core_parallel>, #tpu.dimension_semantics<subcore_parallel>], iteration_bounds = array<i64: 2, 16>, scalar_prefetch = 0 : i64, scratch_operands = 1 : i64, tpu.core_type = #tpu.core_type<sc_vector_subcore>, window_params = [{transform_indices = #map}, {transform_indices = #map1}, {transform_indices = #map1}, {transform_indices = #map}, {transform_indices = #map1}]} {
    %mul3A = arith.constant 2 : i32
    %mul3A_0 = arith.muli %arg1, %mul3A : i32
    %add3A = arith.addi %mul3A_0, %arg0 : i32
    %mul3A_1 = arith.constant 640 : i32
    %mul3A_2 = arith.muli %arg1, %mul3A_1 : i32
    "tpu.region"() ({
      %run_scoped3A = tpu.sem_alloc : memref<!tpu.dma_semaphore, #tpu.memory_space<semaphore_mem>>
      %dma_start3A = arith.constant 0 : i32
      %dma_start3A_7 = tpu.memref_slice %arg7[%mul3A_2, %dma_start3A] : memref<10240x128xf32, #tpu.memory_space<vmem_shared>> -> memref<640x128xf32, #tpu.memory_space<vmem_shared>>
      tpu.enqueue_dma source(%arg5 : memref<640x128xf32, #tpu.memory_space<hbm>>) target(%dma_start3A_7 : memref<640x128xf32, #tpu.memory_space<vmem_shared>>) target_semaphore(%run_scoped3A : memref<!tpu.dma_semaphore, #tpu.memory_space<semaphore_mem>>)
      %dma_wait3A = arith.constant 0 : i32
      %dma_wait3A_8 = tpu.memref_slice %arg7[%mul3A_2, %dma_wait3A] : memref<10240x128xf32, #tpu.memory_space<vmem_shared>> -> memref<640x128xf32, #tpu.memory_space<vmem_shared>>
      tpu.wait_dma2 semaphore(%run_scoped3A : memref<!tpu.dma_semaphore, #tpu.memory_space<semaphore_mem>>) src(%arg5 : memref<640x128xf32, #tpu.memory_space<hbm>>) dst(%dma_wait3A_8 : memref<640x128xf32, #tpu.memory_space<vmem_shared>>)
      tpu.yield
    }) : () -> ()
    "tpu.region"() ({
      %run_scoped3A = memref.alloca() : memref<40x50xi32, #tpu.memory_space<vmem>>
      %run_scoped3A_7 = memref.alloca() : memref<40x50xi32, #tpu.memory_space<vmem>>
      %run_scoped3A_8 = memref.alloca() : memref<50x128xf32, #tpu.memory_space<vmem>>
      %run_scoped3A_9 = memref.alloca() : memref<50x128xf32, #tpu.memory_space<vmem>>
      %run_scoped3A_10 = memref.alloca() : memref<50x128xf32, #tpu.memory_space<vmem>>
      %run_scoped3A_11 = memref.alloca() : memref<50x128xf32, #tpu.memory_space<vmem>>
      %run_scoped3A_12 = tpu.sem_alloc : memref<!tpu.dma_semaphore, #tpu.memory_space<semaphore_mem>>
      %run_scoped3A_13 = tpu.sem_alloc : memref<!tpu.dma_semaphore, #tpu.memory_space<semaphore_mem>>
      %run_scoped3A_14 = tpu.sem_alloc : memref<!tpu.dma_semaphore, #tpu.memory_space<semaphore_mem>>
      %run_scoped3A_15 = tpu.sem_alloc : memref<!tpu.dma_semaphore, #tpu.memory_space<semaphore_mem>>
      %run_scoped3A_16 = tpu.sem_alloc : memref<!tpu.dma_semaphore, #tpu.memory_space<semaphore_mem>>
      %run_scoped3A_17 = tpu.sem_alloc : memref<!tpu.dma_semaphore, #tpu.memory_space<semaphore_mem>>
      %run_scoped3A_18 = tpu.sem_alloc : memref<!tpu.dma_semaphore, #tpu.memory_space<semaphore_mem>>
      %run_scoped3A_19 = tpu.sem_alloc : memref<!tpu.dma_semaphore, #tpu.memory_space<semaphore_mem>>
      %barrier3A_20 = arith.constant 0 : index
      tpu.barrier barrier_id(%barrier3A_20)
      %scan3A = arith.constant 0 : i32
      %scan3A_21 = arith.constant 5 : i32
      %scan3A_22 = arith.addi %scan3A, %scan3A_21 : i32
      %scan3A_23 = arith.constant 1 : i32
      scf.for %scan3A_25 = %scan3A to %scan3A_22 step %scan3A_23  : i32 {
        %mul3A_26 = arith.constant 5 : i32
        %mul3A_27 = arith.muli %add3A, %mul3A_26 : i32
        %add3A_28 = arith.addi %mul3A_27, %scan3A_25 : i32
        "tpu.region"() ({
          %run_scoped3A_56 = tpu.sem_alloc : memref<!tpu.dma_semaphore, #tpu.memory_space<semaphore_mem>>
          %dma_start3A_57 = arith.constant 0 : i32
          %dma_start3A_58 = arith.constant 0 : i32
          %dma_start3A_59 = tpu.memref_slice %arg3[%add3A_28, %dma_start3A_57, %dma_start3A_58] : memref<160x40x50xi32, #tpu.memory_space<hbm>> -> memref<1x40x50xi32, #tpu.memory_space<hbm>>
          %dma_start3A_60 = tpu.memref_squeeze %dma_start3A_59 : memref<1x40x50xi32, #tpu.memory_space<hbm>> -> memref<40x50xi32, #tpu.memory_space<hbm>>
          %dma_start3A_61 = arith.constant 0 : i32
          %dma_start3A_62 = arith.constant 0 : i32
          %dma_start3A_63 = tpu.memref_slice %arg3[%add3A_28, %dma_start3A_61, %dma_start3A_62] : memref<160x40x50xi32, #tpu.memory_space<hbm>> -> memref<1x40x50xi32, #tpu.memory_space<hbm>>
          %dma_start3A_64 = tpu.memref_squeeze %dma_start3A_63 : memref<1x40x50xi32, #tpu.memory_space<hbm>> -> memref<40x50xi32, #tpu.memory_space<hbm>>
          tpu.enqueue_dma source(%dma_start3A_64 : memref<40x50xi32, #tpu.memory_space<hbm>>) target(%run_scoped3A : memref<40x50xi32, #tpu.memory_space<vmem>>) target_semaphore(%run_scoped3A_56 : memref<!tpu.dma_semaphore, #tpu.memory_space<semaphore_mem>>)
          %dma_wait3A_65 = arith.constant 0 : i32
          %dma_wait3A_66 = arith.constant 0 : i32
          %dma_wait3A_67 = tpu.memref_slice %arg3[%add3A_28, %dma_wait3A_65, %dma_wait3A_66] : memref<160x40x50xi32, #tpu.memory_space<hbm>> -> memref<1x40x50xi32, #tpu.memory_space<hbm>>
          %dma_wait3A_68 = tpu.memref_squeeze %dma_wait3A_67 : memref<1x40x50xi32, #tpu.memory_space<hbm>> -> memref<40x50xi32, #tpu.memory_space<hbm>>
          %dma_wait3A_69 = arith.constant 0 : i32
          %dma_wait3A_70 = arith.constant 0 : i32
          %dma_wait3A_71 = tpu.memref_slice %arg3[%add3A_28, %dma_wait3A_69, %dma_wait3A_70] : memref<160x40x50xi32, #tpu.memory_space<hbm>> -> memref<1x40x50xi32, #tpu.memory_space<hbm>>
          %dma_wait3A_72 = tpu.memref_squeeze %dma_wait3A_71 : memref<1x40x50xi32, #tpu.memory_space<hbm>> -> memref<40x50xi32, #tpu.memory_space<hbm>>
          tpu.wait_dma2 semaphore(%run_scoped3A_56 : memref<!tpu.dma_semaphore, #tpu.memory_space<semaphore_mem>>) src(%dma_wait3A_72 : memref<40x50xi32, #tpu.memory_space<hbm>>) dst(%run_scoped3A : memref<40x50xi32, #tpu.memory_space<vmem>>)
          tpu.yield
        }) : () -> ()
        %mul3A_29 = arith.constant 5 : i32
        %mul3A_30 = arith.muli %add3A, %mul3A_29 : i32
        %add3A_31 = arith.addi %mul3A_30, %scan3A_25 : i32
        "tpu.region"() ({
          %run_scoped3A_56 = tpu.sem_alloc : memref<!tpu.dma_semaphore, #tpu.memory_space<semaphore_mem>>
          %dma_start3A_57 = arith.constant 0 : i32
          %dma_start3A_58 = arith.constant 0 : i32
          %dma_start3A_59 = tpu.memref_slice %arg4[%add3A_31, %dma_start3A_57, %dma_start3A_58] : memref<160x40x50xi32, #tpu.memory_space<hbm>> -> memref<1x40x50xi32, #tpu.memory_space<hbm>>
          %dma_start3A_60 = tpu.memref_squeeze %dma_start3A_59 : memref<1x40x50xi32, #tpu.memory_space<hbm>> -> memref<40x50xi32, #tpu.memory_space<hbm>>
          %dma_start3A_61 = arith.constant 0 : i32
          %dma_start3A_62 = arith.constant 0 : i32
          %dma_start3A_63 = tpu.memref_slice %arg4[%add3A_31, %dma_start3A_61, %dma_start3A_62] : memref<160x40x50xi32, #tpu.memory_space<hbm>> -> memref<1x40x50xi32, #tpu.memory_space<hbm>>
          %dma_start3A_64 = tpu.memref_squeeze %dma_start3A_63 : memref<1x40x50xi32, #tpu.memory_space<hbm>> -> memref<40x50xi32, #tpu.memory_space<hbm>>
          tpu.enqueue_dma source(%dma_start3A_64 : memref<40x50xi32, #tpu.memory_space<hbm>>) target(%run_scoped3A_7 : memref<40x50xi32, #tpu.memory_space<vmem>>) target_semaphore(%run_scoped3A_56 : memref<!tpu.dma_semaphore, #tpu.memory_space<semaphore_mem>>)
          %dma_wait3A_65 = arith.constant 0 : i32
          %dma_wait3A_66 = arith.constant 0 : i32
          %dma_wait3A_67 = tpu.memref_slice %arg4[%add3A_31, %dma_wait3A_65, %dma_wait3A_66] : memref<160x40x50xi32, #tpu.memory_space<hbm>> -> memref<1x40x50xi32, #tpu.memory_space<hbm>>
          %dma_wait3A_68 = tpu.memref_squeeze %dma_wait3A_67 : memref<1x40x50xi32, #tpu.memory_space<hbm>> -> memref<40x50xi32, #tpu.memory_space<hbm>>
          %dma_wait3A_69 = arith.constant 0 : i32
          %dma_wait3A_70 = arith.constant 0 : i32
          %dma_wait3A_71 = tpu.memref_slice %arg4[%add3A_31, %dma_wait3A_69, %dma_wait3A_70] : memref<160x40x50xi32, #tpu.memory_space<hbm>> -> memref<1x40x50xi32, #tpu.memory_space<hbm>>
          %dma_wait3A_72 = tpu.memref_squeeze %dma_wait3A_71 : memref<1x40x50xi32, #tpu.memory_space<hbm>> -> memref<40x50xi32, #tpu.memory_space<hbm>>
          tpu.wait_dma2 semaphore(%run_scoped3A_56 : memref<!tpu.dma_semaphore, #tpu.memory_space<semaphore_mem>>) src(%dma_wait3A_72 : memref<40x50xi32, #tpu.memory_space<hbm>>) dst(%run_scoped3A_7 : memref<40x50xi32, #tpu.memory_space<vmem>>)
          tpu.yield
        }) : () -> ()
        %dma_start3A = arith.constant 0 : i32
        %dma_start3A_32 = arith.constant 0 : i32
        %dma_start3A_33 = tpu.memref_slice %run_scoped3A[%dma_start3A, %dma_start3A_32] : memref<40x50xi32, #tpu.memory_space<vmem>> -> memref<1x50xi32, #tpu.memory_space<vmem>>
        %dma_start3A_34 = tpu.memref_squeeze %dma_start3A_33 : memref<1x50xi32, #tpu.memory_space<vmem>> -> memref<50xi32, #tpu.memory_space<vmem>>
        %dma_start3A_35 = arith.constant 0 : i32
        %dma_start3A_36 = arith.constant 0 : i32
        %dma_start3A_37 = tpu.memref_slice %arg2[%dma_start3A_35, %dma_start3A_36] : memref<10000x128xf32, #tpu.memory_space<hbm>> -> memref<10000x128xf32, #tpu.memory_space<hbm>>
        tpu.enqueue_indirect_dma source(%dma_start3A_37 : memref<10000x128xf32, #tpu.memory_space<hbm>>) target(%run_scoped3A_8 : memref<50x128xf32, #tpu.memory_space<vmem>>) offsets(%dma_start3A_34 : memref<50xi32, #tpu.memory_space<vmem>>) semaphore(%run_scoped3A_12 : memref<!tpu.dma_semaphore, #tpu.memory_space<semaphore_mem>>)
        %dma_start3A_38 = arith.constant 1 : i32
        %dma_start3A_39 = arith.constant 0 : i32
        %dma_start3A_40 = tpu.memref_slice %run_scoped3A[%dma_start3A_38, %dma_start3A_39] : memref<40x50xi32, #tpu.memory_space<vmem>> -> memref<1x50xi32, #tpu.memory_space<vmem>>
        %dma_start3A_41 = tpu.memref_squeeze %dma_start3A_40 : memref<1x50xi32, #tpu.memory_space<vmem>> -> memref<50xi32, #tpu.memory_space<vmem>>
        %dma_start3A_42 = arith.constant 0 : i32
        %dma_start3A_43 = arith.constant 0 : i32
        %dma_start3A_44 = tpu.memref_slice %arg2[%dma_start3A_42, %dma_start3A_43] : memref<10000x128xf32, #tpu.memory_space<hbm>> -> memref<10000x128xf32, #tpu.memory_space<hbm>>
        tpu.enqueue_indirect_dma source(%dma_start3A_44 : memref<10000x128xf32, #tpu.memory_space<hbm>>) target(%run_scoped3A_9 : memref<50x128xf32, #tpu.memory_space<vmem>>) offsets(%dma_start3A_41 : memref<50xi32, #tpu.memory_space<vmem>>) semaphore(%run_scoped3A_13 : memref<!tpu.dma_semaphore, #tpu.memory_space<semaphore_mem>>)
        %scan3A_45 = arith.constant 0 : i32
        %scan3A_46 = arith.constant 10 : i32
        %scan3A_47 = arith.addi %scan3A_45, %scan3A_46 : i32
        %scan3A_48 = arith.constant 1 : i32
        scf.for %scan3A_56 = %scan3A_45 to %scan3A_47 step %scan3A_48  : i32 {
          %mul3A_57 = arith.constant 4 : i32
          %mul3A_58 = arith.muli %mul3A_57, %scan3A_56 : i32
          %add3A_59 = arith.constant 0 : i32
          %add3A_60 = arith.addi %mul3A_58, %add3A_59 : i32
          %add3A_61 = arith.constant 2 : i32
          %add3A_62 = arith.addi %add3A_60, %add3A_61 : i32
          %lt3A = arith.constant 40 : i32
          %lt3A_63 = arith.cmpi slt, %add3A_62, %lt3A : i32
          %convert_element_type3A = arith.extui %lt3A_63 : i1 to i32
          %cond3A = arith.constant 0 : i32
          %cond3A_64 = arith.cmpi ne, %convert_element_type3A, %cond3A : i32
          scf.if %cond3A_64 {
            %add3A_159 = arith.constant 2 : i32
            %add3A_160 = arith.addi %add3A_60, %add3A_159 : i32
            %dma_start3A_161 = arith.constant 0 : i32
            %dma_start3A_162 = tpu.memref_slice %run_scoped3A[%add3A_160, %dma_start3A_161] : memref<40x50xi32, #tpu.memory_space<vmem>> -> memref<1x50xi32, #tpu.memory_space<vmem>>
            %dma_start3A_163 = tpu.memref_squeeze %dma_start3A_162 : memref<1x50xi32, #tpu.memory_space<vmem>> -> memref<50xi32, #tpu.memory_space<vmem>>
            %dma_start3A_164 = arith.constant 0 : i32
            %dma_start3A_165 = arith.constant 0 : i32
            %dma_start3A_166 = tpu.memref_slice %arg2[%dma_start3A_164, %dma_start3A_165] : memref<10000x128xf32, #tpu.memory_space<hbm>> -> memref<10000x128xf32, #tpu.memory_space<hbm>>
            tpu.enqueue_indirect_dma source(%dma_start3A_166 : memref<10000x128xf32, #tpu.memory_space<hbm>>) target(%run_scoped3A_10 : memref<50x128xf32, #tpu.memory_space<vmem>>) offsets(%dma_start3A_163 : memref<50xi32, #tpu.memory_space<vmem>>) semaphore(%run_scoped3A_14 : memref<!tpu.dma_semaphore, #tpu.memory_space<semaphore_mem>>)
          } else {
          }
          %dma_wait3A_65 = arith.constant 0 : i32
          %dma_wait3A_66 = tpu.memref_slice %run_scoped3A[%add3A_60, %dma_wait3A_65] : memref<40x50xi32, #tpu.memory_space<vmem>> -> memref<1x50xi32, #tpu.memory_space<vmem>>
          %dma_wait3A_67 = tpu.memref_squeeze %dma_wait3A_66 : memref<1x50xi32, #tpu.memory_space<vmem>> -> memref<50xi32, #tpu.memory_space<vmem>>
          %dma_wait3A_68 = arith.constant 0 : i32
          %dma_wait3A_69 = arith.constant 0 : i32
          %dma_wait3A_70 = tpu.memref_slice %arg2[%dma_wait3A_68, %dma_wait3A_69] : memref<10000x128xf32, #tpu.memory_space<hbm>> -> memref<10000x128xf32, #tpu.memory_space<hbm>>
          tpu.wait_indirect_dma semaphore(%run_scoped3A_12 : memref<!tpu.dma_semaphore, #tpu.memory_space<semaphore_mem>>) src(%dma_wait3A_70 : memref<10000x128xf32, #tpu.memory_space<hbm>>) dst(%run_scoped3A_8 : memref<50x128xf32, #tpu.memory_space<vmem>>)
          %ge3A = arith.constant 1 : i32
          %ge3A_71 = arith.cmpi sge, %add3A_60, %ge3A : i32
          %convert_element_type3A_72 = arith.extui %ge3A_71 : i1 to i32
          %cond3A_73 = arith.constant 0 : i32
          %cond3A_74 = arith.cmpi ne, %convert_element_type3A_72, %cond3A_73 : i32
          scf.if %cond3A_74 {
            %sub3A = arith.constant 1 : i32
            %sub3A_159 = arith.subi %add3A_60, %sub3A : i32
            %dma_wait3A_160 = arith.constant 0 : i32
            %dma_wait3A_161 = tpu.memref_slice %run_scoped3A_7[%sub3A_159, %dma_wait3A_160] : memref<40x50xi32, #tpu.memory_space<vmem>> -> memref<1x50xi32, #tpu.memory_space<vmem>>
            %dma_wait3A_162 = tpu.memref_squeeze %dma_wait3A_161 : memref<1x50xi32, #tpu.memory_space<vmem>> -> memref<50xi32, #tpu.memory_space<vmem>>
            %dma_wait3A_163 = arith.constant 0 : i32
            %dma_wait3A_164 = arith.constant 0 : i32
            %dma_wait3A_165 = tpu.memref_slice %arg7[%dma_wait3A_163, %dma_wait3A_164] : memref<10240x128xf32, #tpu.memory_space<vmem_shared>> -> memref<10240x128xf32, #tpu.memory_space<vmem_shared>>
            tpu.wait_indirect_dma semaphore(%run_scoped3A_19 : memref<!tpu.dma_semaphore, #tpu.memory_space<semaphore_mem>>) src(%run_scoped3A_11 : memref<50x128xf32, #tpu.memory_space<vmem>>) dst(%dma_wait3A_165 : memref<10240x128xf32, #tpu.memory_space<vmem_shared>>)
          } else {
          }
          %dma_start3A_75 = arith.constant 0 : i32
          %dma_start3A_76 = tpu.memref_slice %run_scoped3A_7[%add3A_60, %dma_start3A_75] : memref<40x50xi32, #tpu.memory_space<vmem>> -> memref<1x50xi32, #tpu.memory_space<vmem>>
          %dma_start3A_77 = tpu.memref_squeeze %dma_start3A_76 : memref<1x50xi32, #tpu.memory_space<vmem>> -> memref<50xi32, #tpu.memory_space<vmem>>
          %dma_start3A_78 = arith.constant 0 : i32
          %dma_start3A_79 = arith.constant 0 : i32
          %dma_start3A_80 = tpu.memref_slice %arg7[%dma_start3A_78, %dma_start3A_79] : memref<10240x128xf32, #tpu.memory_space<vmem_shared>> -> memref<10240x128xf32, #tpu.memory_space<vmem_shared>>
          tpu.enqueue_indirect_dma source(%run_scoped3A_8 : memref<50x128xf32, #tpu.memory_space<vmem>>) target(%dma_start3A_80 : memref<10240x128xf32, #tpu.memory_space<vmem_shared>>) offsets(%dma_start3A_77 : memref<50xi32, #tpu.memory_space<vmem>>) semaphore(%run_scoped3A_16 : memref<!tpu.dma_semaphore, #tpu.memory_space<semaphore_mem>>) {add = true}
          %add3A_81 = arith.constant 1 : i32
          %add3A_82 = arith.addi %mul3A_58, %add3A_81 : i32
          %add3A_83 = arith.constant 2 : i32
          %add3A_84 = arith.addi %add3A_82, %add3A_83 : i32
          %lt3A_85 = arith.constant 40 : i32
          %lt3A_86 = arith.cmpi slt, %add3A_84, %lt3A_85 : i32
          %convert_element_type3A_87 = arith.extui %lt3A_86 : i1 to i32
          %cond3A_88 = arith.constant 0 : i32
          %cond3A_89 = arith.cmpi ne, %convert_element_type3A_87, %cond3A_88 : i32
          scf.if %cond3A_89 {
            %add3A_159 = arith.constant 2 : i32
            %add3A_160 = arith.addi %add3A_82, %add3A_159 : i32
            %dma_start3A_161 = arith.constant 0 : i32
            %dma_start3A_162 = tpu.memref_slice %run_scoped3A[%add3A_160, %dma_start3A_161] : memref<40x50xi32, #tpu.memory_space<vmem>> -> memref<1x50xi32, #tpu.memory_space<vmem>>
            %dma_start3A_163 = tpu.memref_squeeze %dma_start3A_162 : memref<1x50xi32, #tpu.memory_space<vmem>> -> memref<50xi32, #tpu.memory_space<vmem>>
            %dma_start3A_164 = arith.constant 0 : i32
            %dma_start3A_165 = arith.constant 0 : i32
            %dma_start3A_166 = tpu.memref_slice %arg2[%dma_start3A_164, %dma_start3A_165] : memref<10000x128xf32, #tpu.memory_space<hbm>> -> memref<10000x128xf32, #tpu.memory_space<hbm>>
            tpu.enqueue_indirect_dma source(%dma_start3A_166 : memref<10000x128xf32, #tpu.memory_space<hbm>>) target(%run_scoped3A_11 : memref<50x128xf32, #tpu.memory_space<vmem>>) offsets(%dma_start3A_163 : memref<50xi32, #tpu.memory_space<vmem>>) semaphore(%run_scoped3A_15 : memref<!tpu.dma_semaphore, #tpu.memory_space<semaphore_mem>>)
          } else {
          }
          %dma_wait3A_90 = arith.constant 0 : i32
          %dma_wait3A_91 = tpu.memref_slice %run_scoped3A[%add3A_82, %dma_wait3A_90] : memref<40x50xi32, #tpu.memory_space<vmem>> -> memref<1x50xi32, #tpu.memory_space<vmem>>
          %dma_wait3A_92 = tpu.memref_squeeze %dma_wait3A_91 : memref<1x50xi32, #tpu.memory_space<vmem>> -> memref<50xi32, #tpu.memory_space<vmem>>
          %dma_wait3A_93 = arith.constant 0 : i32
          %dma_wait3A_94 = arith.constant 0 : i32
          %dma_wait3A_95 = tpu.memref_slice %arg2[%dma_wait3A_93, %dma_wait3A_94] : memref<10000x128xf32, #tpu.memory_space<hbm>> -> memref<10000x128xf32, #tpu.memory_space<hbm>>
          tpu.wait_indirect_dma semaphore(%run_scoped3A_13 : memref<!tpu.dma_semaphore, #tpu.memory_space<semaphore_mem>>) src(%dma_wait3A_95 : memref<10000x128xf32, #tpu.memory_space<hbm>>) dst(%run_scoped3A_9 : memref<50x128xf32, #tpu.memory_space<vmem>>)
          %ge3A_96 = arith.constant 1 : i32
          %ge3A_97 = arith.cmpi sge, %add3A_82, %ge3A_96 : i32
          %convert_element_type3A_98 = arith.extui %ge3A_97 : i1 to i32
          %cond3A_99 = arith.constant 0 : i32
          %cond3A_100 = arith.cmpi ne, %convert_element_type3A_98, %cond3A_99 : i32
          scf.if %cond3A_100 {
            %sub3A = arith.constant 1 : i32
            %sub3A_159 = arith.subi %add3A_82, %sub3A : i32
            %dma_wait3A_160 = arith.constant 0 : i32
            %dma_wait3A_161 = tpu.memref_slice %run_scoped3A_7[%sub3A_159, %dma_wait3A_160] : memref<40x50xi32, #tpu.memory_space<vmem>> -> memref<1x50xi32, #tpu.memory_space<vmem>>
            %dma_wait3A_162 = tpu.memref_squeeze %dma_wait3A_161 : memref<1x50xi32, #tpu.memory_space<vmem>> -> memref<50xi32, #tpu.memory_space<vmem>>
            %dma_wait3A_163 = arith.constant 0 : i32
            %dma_wait3A_164 = arith.constant 0 : i32
            %dma_wait3A_165 = tpu.memref_slice %arg7[%dma_wait3A_163, %dma_wait3A_164] : memref<10240x128xf32, #tpu.memory_space<vmem_shared>> -> memref<10240x128xf32, #tpu.memory_space<vmem_shared>>
            tpu.wait_indirect_dma semaphore(%run_scoped3A_16 : memref<!tpu.dma_semaphore, #tpu.memory_space<semaphore_mem>>) src(%run_scoped3A_8 : memref<50x128xf32, #tpu.memory_space<vmem>>) dst(%dma_wait3A_165 : memref<10240x128xf32, #tpu.memory_space<vmem_shared>>)
          } else {
          }
          %dma_start3A_101 = arith.constant 0 : i32
          %dma_start3A_102 = tpu.memref_slice %run_scoped3A_7[%add3A_82, %dma_start3A_101] : memref<40x50xi32, #tpu.memory_space<vmem>> -> memref<1x50xi32, #tpu.memory_space<vmem>>
          %dma_start3A_103 = tpu.memref_squeeze %dma_start3A_102 : memref<1x50xi32, #tpu.memory_space<vmem>> -> memref<50xi32, #tpu.memory_space<vmem>>
          %dma_start3A_104 = arith.constant 0 : i32
          %dma_start3A_105 = arith.constant 0 : i32
          %dma_start3A_106 = tpu.memref_slice %arg7[%dma_start3A_104, %dma_start3A_105] : memref<10240x128xf32, #tpu.memory_space<vmem_shared>> -> memref<10240x128xf32, #tpu.memory_space<vmem_shared>>
          tpu.enqueue_indirect_dma source(%run_scoped3A_9 : memref<50x128xf32, #tpu.memory_space<vmem>>) target(%dma_start3A_106 : memref<10240x128xf32, #tpu.memory_space<vmem_shared>>) offsets(%dma_start3A_103 : memref<50xi32, #tpu.memory_space<vmem>>) semaphore(%run_scoped3A_17 : memref<!tpu.dma_semaphore, #tpu.memory_space<semaphore_mem>>) {add = true}
          %add3A_107 = arith.constant 2 : i32
          %add3A_108 = arith.addi %mul3A_58, %add3A_107 : i32
          %add3A_109 = arith.constant 2 : i32
          %add3A_110 = arith.addi %add3A_108, %add3A_109 : i32
          %lt3A_111 = arith.constant 40 : i32
          %lt3A_112 = arith.cmpi slt, %add3A_110, %lt3A_111 : i32
          %convert_element_type3A_113 = arith.extui %lt3A_112 : i1 to i32
          %cond3A_114 = arith.constant 0 : i32
          %cond3A_115 = arith.cmpi ne, %convert_element_type3A_113, %cond3A_114 : i32
          scf.if %cond3A_115 {
            %add3A_159 = arith.constant 2 : i32
            %add3A_160 = arith.addi %add3A_108, %add3A_159 : i32
            %dma_start3A_161 = arith.constant 0 : i32
            %dma_start3A_162 = tpu.memref_slice %run_scoped3A[%add3A_160, %dma_start3A_161] : memref<40x50xi32, #tpu.memory_space<vmem>> -> memref<1x50xi32, #tpu.memory_space<vmem>>
            %dma_start3A_163 = tpu.memref_squeeze %dma_start3A_162 : memref<1x50xi32, #tpu.memory_space<vmem>> -> memref<50xi32, #tpu.memory_space<vmem>>
            %dma_start3A_164 = arith.constant 0 : i32
            %dma_start3A_165 = arith.constant 0 : i32
            %dma_start3A_166 = tpu.memref_slice %arg2[%dma_start3A_164, %dma_start3A_165] : memref<10000x128xf32, #tpu.memory_space<hbm>> -> memref<10000x128xf32, #tpu.memory_space<hbm>>
            tpu.enqueue_indirect_dma source(%dma_start3A_166 : memref<10000x128xf32, #tpu.memory_space<hbm>>) target(%run_scoped3A_8 : memref<50x128xf32, #tpu.memory_space<vmem>>) offsets(%dma_start3A_163 : memref<50xi32, #tpu.memory_space<vmem>>) semaphore(%run_scoped3A_12 : memref<!tpu.dma_semaphore, #tpu.memory_space<semaphore_mem>>)
          } else {
          }
          %dma_wait3A_116 = arith.constant 0 : i32
          %dma_wait3A_117 = tpu.memref_slice %run_scoped3A[%add3A_108, %dma_wait3A_116] : memref<40x50xi32, #tpu.memory_space<vmem>> -> memref<1x50xi32, #tpu.memory_space<vmem>>
          %dma_wait3A_118 = tpu.memref_squeeze %dma_wait3A_117 : memref<1x50xi32, #tpu.memory_space<vmem>> -> memref<50xi32, #tpu.memory_space<vmem>>
          %dma_wait3A_119 = arith.constant 0 : i32
          %dma_wait3A_120 = arith.constant 0 : i32
          %dma_wait3A_121 = tpu.memref_slice %arg2[%dma_wait3A_119, %dma_wait3A_120] : memref<10000x128xf32, #tpu.memory_space<hbm>> -> memref<10000x128xf32, #tpu.memory_space<hbm>>
          tpu.wait_indirect_dma semaphore(%run_scoped3A_14 : memref<!tpu.dma_semaphore, #tpu.memory_space<semaphore_mem>>) src(%dma_wait3A_121 : memref<10000x128xf32, #tpu.memory_space<hbm>>) dst(%run_scoped3A_10 : memref<50x128xf32, #tpu.memory_space<vmem>>)
          %ge3A_122 = arith.constant 1 : i32
          %ge3A_123 = arith.cmpi sge, %add3A_108, %ge3A_122 : i32
          %convert_element_type3A_124 = arith.extui %ge3A_123 : i1 to i32
          %cond3A_125 = arith.constant 0 : i32
          %cond3A_126 = arith.cmpi ne, %convert_element_type3A_124, %cond3A_125 : i32
          scf.if %cond3A_126 {
            %sub3A = arith.constant 1 : i32
            %sub3A_159 = arith.subi %add3A_108, %sub3A : i32
            %dma_wait3A_160 = arith.constant 0 : i32
            %dma_wait3A_161 = tpu.memref_slice %run_scoped3A_7[%sub3A_159, %dma_wait3A_160] : memref<40x50xi32, #tpu.memory_space<vmem>> -> memref<1x50xi32, #tpu.memory_space<vmem>>
            %dma_wait3A_162 = tpu.memref_squeeze %dma_wait3A_161 : memref<1x50xi32, #tpu.memory_space<vmem>> -> memref<50xi32, #tpu.memory_space<vmem>>
            %dma_wait3A_163 = arith.constant 0 : i32
            %dma_wait3A_164 = arith.constant 0 : i32
            %dma_wait3A_165 = tpu.memref_slice %arg7[%dma_wait3A_163, %dma_wait3A_164] : memref<10240x128xf32, #tpu.memory_space<vmem_shared>> -> memref<10240x128xf32, #tpu.memory_space<vmem_shared>>
            tpu.wait_indirect_dma semaphore(%run_scoped3A_17 : memref<!tpu.dma_semaphore, #tpu.memory_space<semaphore_mem>>) src(%run_scoped3A_9 : memref<50x128xf32, #tpu.memory_space<vmem>>) dst(%dma_wait3A_165 : memref<10240x128xf32, #tpu.memory_space<vmem_shared>>)
          } else {
          }
          %dma_start3A_127 = arith.constant 0 : i32
          %dma_start3A_128 = tpu.memref_slice %run_scoped3A_7[%add3A_108, %dma_start3A_127] : memref<40x50xi32, #tpu.memory_space<vmem>> -> memref<1x50xi32, #tpu.memory_space<vmem>>
          %dma_start3A_129 = tpu.memref_squeeze %dma_start3A_128 : memref<1x50xi32, #tpu.memory_space<vmem>> -> memref<50xi32, #tpu.memory_space<vmem>>
          %dma_start3A_130 = arith.constant 0 : i32
          %dma_start3A_131 = arith.constant 0 : i32
          %dma_start3A_132 = tpu.memref_slice %arg7[%dma_start3A_130, %dma_start3A_131] : memref<10240x128xf32, #tpu.memory_space<vmem_shared>> -> memref<10240x128xf32, #tpu.memory_space<vmem_shared>>
          tpu.enqueue_indirect_dma source(%run_scoped3A_10 : memref<50x128xf32, #tpu.memory_space<vmem>>) target(%dma_start3A_132 : memref<10240x128xf32, #tpu.memory_space<vmem_shared>>) offsets(%dma_start3A_129 : memref<50xi32, #tpu.memory_space<vmem>>) semaphore(%run_scoped3A_18 : memref<!tpu.dma_semaphore, #tpu.memory_space<semaphore_mem>>) {add = true}
          %add3A_133 = arith.constant 3 : i32
          %add3A_134 = arith.addi %mul3A_58, %add3A_133 : i32
          %add3A_135 = arith.constant 2 : i32
          %add3A_136 = arith.addi %add3A_134, %add3A_135 : i32
          %lt3A_137 = arith.constant 40 : i32
          %lt3A_138 = arith.cmpi slt, %add3A_136, %lt3A_137 : i32
          %convert_element_type3A_139 = arith.extui %lt3A_138 : i1 to i32
          %cond3A_140 = arith.constant 0 : i32
          %cond3A_141 = arith.cmpi ne, %convert_element_type3A_139, %cond3A_140 : i32
          scf.if %cond3A_141 {
            %add3A_159 = arith.constant 2 : i32
            %add3A_160 = arith.addi %add3A_134, %add3A_159 : i32
            %dma_start3A_161 = arith.constant 0 : i32
            %dma_start3A_162 = tpu.memref_slice %run_scoped3A[%add3A_160, %dma_start3A_161] : memref<40x50xi32, #tpu.memory_space<vmem>> -> memref<1x50xi32, #tpu.memory_space<vmem>>
            %dma_start3A_163 = tpu.memref_squeeze %dma_start3A_162 : memref<1x50xi32, #tpu.memory_space<vmem>> -> memref<50xi32, #tpu.memory_space<vmem>>
            %dma_start3A_164 = arith.constant 0 : i32
            %dma_start3A_165 = arith.constant 0 : i32
            %dma_start3A_166 = tpu.memref_slice %arg2[%dma_start3A_164, %dma_start3A_165] : memref<10000x128xf32, #tpu.memory_space<hbm>> -> memref<10000x128xf32, #tpu.memory_space<hbm>>
            tpu.enqueue_indirect_dma source(%dma_start3A_166 : memref<10000x128xf32, #tpu.memory_space<hbm>>) target(%run_scoped3A_9 : memref<50x128xf32, #tpu.memory_space<vmem>>) offsets(%dma_start3A_163 : memref<50xi32, #tpu.memory_space<vmem>>) semaphore(%run_scoped3A_13 : memref<!tpu.dma_semaphore, #tpu.memory_space<semaphore_mem>>)
          } else {
          }
          %dma_wait3A_142 = arith.constant 0 : i32
          %dma_wait3A_143 = tpu.memref_slice %run_scoped3A[%add3A_134, %dma_wait3A_142] : memref<40x50xi32, #tpu.memory_space<vmem>> -> memref<1x50xi32, #tpu.memory_space<vmem>>
          %dma_wait3A_144 = tpu.memref_squeeze %dma_wait3A_143 : memref<1x50xi32, #tpu.memory_space<vmem>> -> memref<50xi32, #tpu.memory_space<vmem>>
          %dma_wait3A_145 = arith.constant 0 : i32
          %dma_wait3A_146 = arith.constant 0 : i32
          %dma_wait3A_147 = tpu.memref_slice %arg2[%dma_wait3A_145, %dma_wait3A_146] : memref<10000x128xf32, #tpu.memory_space<hbm>> -> memref<10000x128xf32, #tpu.memory_space<hbm>>
          tpu.wait_indirect_dma semaphore(%run_scoped3A_15 : memref<!tpu.dma_semaphore, #tpu.memory_space<semaphore_mem>>) src(%dma_wait3A_147 : memref<10000x128xf32, #tpu.memory_space<hbm>>) dst(%run_scoped3A_11 : memref<50x128xf32, #tpu.memory_space<vmem>>)
          %ge3A_148 = arith.constant 1 : i32
          %ge3A_149 = arith.cmpi sge, %add3A_134, %ge3A_148 : i32
          %convert_element_type3A_150 = arith.extui %ge3A_149 : i1 to i32
          %cond3A_151 = arith.constant 0 : i32
          %cond3A_152 = arith.cmpi ne, %convert_element_type3A_150, %cond3A_151 : i32
          scf.if %cond3A_152 {
            %sub3A = arith.constant 1 : i32
            %sub3A_159 = arith.subi %add3A_134, %sub3A : i32
            %dma_wait3A_160 = arith.constant 0 : i32
            %dma_wait3A_161 = tpu.memref_slice %run_scoped3A_7[%sub3A_159, %dma_wait3A_160] : memref<40x50xi32, #tpu.memory_space<vmem>> -> memref<1x50xi32, #tpu.memory_space<vmem>>
            %dma_wait3A_162 = tpu.memref_squeeze %dma_wait3A_161 : memref<1x50xi32, #tpu.memory_space<vmem>> -> memref<50xi32, #tpu.memory_space<vmem>>
            %dma_wait3A_163 = arith.constant 0 : i32
            %dma_wait3A_164 = arith.constant 0 : i32
            %dma_wait3A_165 = tpu.memref_slice %arg7[%dma_wait3A_163, %dma_wait3A_164] : memref<10240x128xf32, #tpu.memory_space<vmem_shared>> -> memref<10240x128xf32, #tpu.memory_space<vmem_shared>>
            tpu.wait_indirect_dma semaphore(%run_scoped3A_18 : memref<!tpu.dma_semaphore, #tpu.memory_space<semaphore_mem>>) src(%run_scoped3A_10 : memref<50x128xf32, #tpu.memory_space<vmem>>) dst(%dma_wait3A_165 : memref<10240x128xf32, #tpu.memory_space<vmem_shared>>)
          } else {
          }
          %dma_start3A_153 = arith.constant 0 : i32
          %dma_start3A_154 = tpu.memref_slice %run_scoped3A_7[%add3A_134, %dma_start3A_153] : memref<40x50xi32, #tpu.memory_space<vmem>> -> memref<1x50xi32, #tpu.memory_space<vmem>>
          %dma_start3A_155 = tpu.memref_squeeze %dma_start3A_154 : memref<1x50xi32, #tpu.memory_space<vmem>> -> memref<50xi32, #tpu.memory_space<vmem>>
          %dma_start3A_156 = arith.constant 0 : i32
          %dma_start3A_157 = arith.constant 0 : i32
          %dma_start3A_158 = tpu.memref_slice %arg7[%dma_start3A_156, %dma_start3A_157] : memref<10240x128xf32, #tpu.memory_space<vmem_shared>> -> memref<10240x128xf32, #tpu.memory_space<vmem_shared>>
          tpu.enqueue_indirect_dma source(%run_scoped3A_11 : memref<50x128xf32, #tpu.memory_space<vmem>>) target(%dma_start3A_158 : memref<10240x128xf32, #tpu.memory_space<vmem_shared>>) offsets(%dma_start3A_155 : memref<50xi32, #tpu.memory_space<vmem>>) semaphore(%run_scoped3A_19 : memref<!tpu.dma_semaphore, #tpu.memory_space<semaphore_mem>>) {add = true}
        }
        %scan3A_49 = arith.constant 10 : i32
        %dma_wait3A = arith.constant 39 : i32
        %dma_wait3A_50 = arith.constant 0 : i32
        %dma_wait3A_51 = tpu.memref_slice %run_scoped3A_7[%dma_wait3A, %dma_wait3A_50] : memref<40x50xi32, #tpu.memory_space<vmem>> -> memref<1x50xi32, #tpu.memory_space<vmem>>
        %dma_wait3A_52 = tpu.memref_squeeze %dma_wait3A_51 : memref<1x50xi32, #tpu.memory_space<vmem>> -> memref<50xi32, #tpu.memory_space<vmem>>
        %dma_wait3A_53 = arith.constant 0 : i32
        %dma_wait3A_54 = arith.constant 0 : i32
        %dma_wait3A_55 = tpu.memref_slice %arg7[%dma_wait3A_53, %dma_wait3A_54] : memref<10240x128xf32, #tpu.memory_space<vmem_shared>> -> memref<10240x128xf32, #tpu.memory_space<vmem_shared>>
        tpu.wait_indirect_dma semaphore(%run_scoped3A_19 : memref<!tpu.dma_semaphore, #tpu.memory_space<semaphore_mem>>) src(%run_scoped3A_11 : memref<50x128xf32, #tpu.memory_space<vmem>>) dst(%dma_wait3A_55 : memref<10240x128xf32, #tpu.memory_space<vmem_shared>>)
      }
      %scan3A_24 = arith.constant 5 : i32
      tpu.yield
    }) : () -> ()
    %barrier3A = arith.constant 0 : index
    tpu.barrier barrier_id(%barrier3A)
    %mul3A_3 = arith.constant 640 : i32
    %mul3A_4 = arith.muli %arg1, %mul3A_3 : i32
    %mul3A_5 = arith.constant 640 : i32
    %mul3A_6 = arith.muli %arg1, %mul3A_5 : i32
    "tpu.region"() ({
      %run_scoped3A = tpu.sem_alloc : memref<!tpu.dma_semaphore, #tpu.memory_space<semaphore_mem>>
      %dma_start3A = arith.constant 0 : i32
      %dma_start3A_7 = tpu.memref_slice %arg6[%arg0, %mul3A_6, %dma_start3A] : memref<2x10240x128xf32, #tpu.memory_space<hbm>> -> memref<1x640x128xf32, #tpu.memory_space<hbm>>
      %dma_start3A_8 = tpu.memref_squeeze %dma_start3A_7 : memref<1x640x128xf32, #tpu.memory_space<hbm>> -> memref<640x128xf32, #tpu.memory_space<hbm>>
      %dma_start3A_9 = arith.constant 0 : i32
      %dma_start3A_10 = tpu.memref_slice %arg7[%mul3A_4, %dma_start3A_9] : memref<10240x128xf32, #tpu.memory_space<vmem_shared>> -> memref<640x128xf32, #tpu.memory_space<vmem_shared>>
      tpu.enqueue_dma source(%dma_start3A_10 : memref<640x128xf32, #tpu.memory_space<vmem_shared>>) target(%dma_start3A_8 : memref<640x128xf32, #tpu.memory_space<hbm>>) target_semaphore(%run_scoped3A : memref<!tpu.dma_semaphore, #tpu.memory_space<semaphore_mem>>)
      %dma_wait3A = arith.constant 0 : i32
      %dma_wait3A_11 = tpu.memref_slice %arg6[%arg0, %mul3A_6, %dma_wait3A] : memref<2x10240x128xf32, #tpu.memory_space<hbm>> -> memref<1x640x128xf32, #tpu.memory_space<hbm>>
      %dma_wait3A_12 = tpu.memref_squeeze %dma_wait3A_11 : memref<1x640x128xf32, #tpu.memory_space<hbm>> -> memref<640x128xf32, #tpu.memory_space<hbm>>
      %dma_wait3A_13 = arith.constant 0 : i32
      %dma_wait3A_14 = tpu.memref_slice %arg7[%mul3A_4, %dma_wait3A_13] : memref<10240x128xf32, #tpu.memory_space<vmem_shared>> -> memref<640x128xf32, #tpu.memory_space<vmem_shared>>
      tpu.wait_dma2 semaphore(%run_scoped3A : memref<!tpu.dma_semaphore, #tpu.memory_space<semaphore_mem>>) src(%dma_wait3A_14 : memref<640x128xf32, #tpu.memory_space<vmem_shared>>) dst(%dma_wait3A_12 : memref<640x128xf32, #tpu.memory_space<hbm>>)
      tpu.yield
    }) : () -> ()
    return
  }
}

#map = affine_map<(d0, d1) -> (0, 0)>
#map1 = affine_map<(d0, d1) -> (0, 0, 0)>
module attributes {stable_mosaic.version = 14 : i64} {
  func.func @_prop_body(%arg0: i32, %arg1: i32, %arg2: memref<10000x128xf32, #tpu.memory_space<hbm>>, %arg3: memref<160x40x50xi32, #tpu.memory_space<hbm>>, %arg4: memref<160x40x50xi32, #tpu.memory_space<hbm>>, %arg5: memref<640x128xf32, #tpu.memory_space<hbm>>, %arg6: memref<2x10240x128xf32, #tpu.memory_space<hbm>>, %arg7: memref<10240x128xf32, #tpu.memory_space<vmem_shared>>) attributes {dimension_semantics = [#tpu.dimension_semantics<core_parallel>, #tpu.dimension_semantics<subcore_parallel>], iteration_bounds = array<i64: 2, 16>, scalar_prefetch = 0 : i64, scratch_operands = 1 : i64, tpu.core_type = #tpu.core_type<sc_vector_subcore>, window_params = [{transform_indices = #map}, {transform_indices = #map1}, {transform_indices = #map1}, {transform_indices = #map}, {transform_indices = #map1}]} {
    %mul3A = arith.constant 2 : i32
    %mul3A_0 = arith.muli %arg1, %mul3A : i32
    %add3A = arith.addi %mul3A_0, %arg0 : i32
    %mul3A_1 = arith.constant 640 : i32
    %mul3A_2 = arith.muli %arg1, %mul3A_1 : i32
    "tpu.region"() ({
      %run_scoped3A = tpu.sem_alloc : memref<!tpu.dma_semaphore, #tpu.memory_space<semaphore_mem>>
      %dma_start3A = arith.constant 0 : i32
      %dma_start3A_7 = tpu.memref_slice %arg7[%mul3A_2, %dma_start3A] : memref<10240x128xf32, #tpu.memory_space<vmem_shared>> -> memref<640x128xf32, #tpu.memory_space<vmem_shared>>
      tpu.enqueue_dma source(%arg5 : memref<640x128xf32, #tpu.memory_space<hbm>>) target(%dma_start3A_7 : memref<640x128xf32, #tpu.memory_space<vmem_shared>>) target_semaphore(%run_scoped3A : memref<!tpu.dma_semaphore, #tpu.memory_space<semaphore_mem>>)
      %dma_wait3A = arith.constant 0 : i32
      %dma_wait3A_8 = tpu.memref_slice %arg7[%mul3A_2, %dma_wait3A] : memref<10240x128xf32, #tpu.memory_space<vmem_shared>> -> memref<640x128xf32, #tpu.memory_space<vmem_shared>>
      tpu.wait_dma2 semaphore(%run_scoped3A : memref<!tpu.dma_semaphore, #tpu.memory_space<semaphore_mem>>) src(%arg5 : memref<640x128xf32, #tpu.memory_space<hbm>>) dst(%dma_wait3A_8 : memref<640x128xf32, #tpu.memory_space<vmem_shared>>)
      tpu.yield
    }) : () -> ()
    "tpu.region"() ({
      %run_scoped3A = memref.alloca() : memref<40x50xi32, #tpu.memory_space<vmem>>
      %run_scoped3A_7 = memref.alloca() : memref<40x50xi32, #tpu.memory_space<vmem>>
      %run_scoped3A_8 = memref.alloca() : memref<50x128xf32, #tpu.memory_space<vmem>>
      %run_scoped3A_9 = memref.alloca() : memref<50x128xf32, #tpu.memory_space<vmem>>
      %run_scoped3A_10 = memref.alloca() : memref<50x128xf32, #tpu.memory_space<vmem>>
      %run_scoped3A_11 = memref.alloca() : memref<50x128xf32, #tpu.memory_space<vmem>>
      %run_scoped3A_12 = tpu.sem_alloc : memref<!tpu.dma_semaphore, #tpu.memory_space<semaphore_mem>>
      %run_scoped3A_13 = tpu.sem_alloc : memref<!tpu.dma_semaphore, #tpu.memory_space<semaphore_mem>>
      %run_scoped3A_14 = tpu.sem_alloc : memref<!tpu.dma_semaphore, #tpu.memory_space<semaphore_mem>>
      %run_scoped3A_15 = tpu.sem_alloc : memref<!tpu.dma_semaphore, #tpu.memory_space<semaphore_mem>>
      %run_scoped3A_16 = tpu.sem_alloc : memref<!tpu.dma_semaphore, #tpu.memory_space<semaphore_mem>>
      %run_scoped3A_17 = tpu.sem_alloc : memref<!tpu.dma_semaphore, #tpu.memory_space<semaphore_mem>>
      %run_scoped3A_18 = tpu.sem_alloc : memref<!tpu.dma_semaphore, #tpu.memory_space<semaphore_mem>>
      %run_scoped3A_19 = tpu.sem_alloc : memref<!tpu.dma_semaphore, #tpu.memory_space<semaphore_mem>>
      %barrier3A_20 = arith.constant 0 : index
      tpu.barrier barrier_id(%barrier3A_20)
      %scan3A = arith.constant 0 : i32
      %scan3A_21 = arith.constant 5 : i32
      %scan3A_22 = arith.addi %scan3A, %scan3A_21 : i32
      %scan3A_23 = arith.constant 1 : i32
      scf.for %scan3A_25 = %scan3A to %scan3A_22 step %scan3A_23  : i32 {
        %mul3A_26 = arith.constant 5 : i32
        %mul3A_27 = arith.muli %add3A, %mul3A_26 : i32
        %add3A_28 = arith.addi %mul3A_27, %scan3A_25 : i32
        "tpu.region"() ({
          %run_scoped3A_56 = tpu.sem_alloc : memref<!tpu.dma_semaphore, #tpu.memory_space<semaphore_mem>>
          %dma_start3A_57 = arith.constant 0 : i32
          %dma_start3A_58 = arith.constant 0 : i32
          %dma_start3A_59 = tpu.memref_slice %arg3[%add3A_28, %dma_start3A_57, %dma_start3A_58] : memref<160x40x50xi32, #tpu.memory_space<hbm>> -> memref<1x40x50xi32, #tpu.memory_space<hbm>>
          %dma_start3A_60 = tpu.memref_squeeze %dma_start3A_59 : memref<1x40x50xi32, #tpu.memory_space<hbm>> -> memref<40x50xi32, #tpu.memory_space<hbm>>
          %dma_start3A_61 = arith.constant 0 : i32
          %dma_start3A_62 = arith.constant 0 : i32
          %dma_start3A_63 = tpu.memref_slice %arg3[%add3A_28, %dma_start3A_61, %dma_start3A_62] : memref<160x40x50xi32, #tpu.memory_space<hbm>> -> memref<1x40x50xi32, #tpu.memory_space<hbm>>
          %dma_start3A_64 = tpu.memref_squeeze %dma_start3A_63 : memref<1x40x50xi32, #tpu.memory_space<hbm>> -> memref<40x50xi32, #tpu.memory_space<hbm>>
          tpu.enqueue_dma source(%dma_start3A_64 : memref<40x50xi32, #tpu.memory_space<hbm>>) target(%run_scoped3A : memref<40x50xi32, #tpu.memory_space<vmem>>) target_semaphore(%run_scoped3A_56 : memref<!tpu.dma_semaphore, #tpu.memory_space<semaphore_mem>>)
          %dma_wait3A_65 = arith.constant 0 : i32
          %dma_wait3A_66 = arith.constant 0 : i32
          %dma_wait3A_67 = tpu.memref_slice %arg3[%add3A_28, %dma_wait3A_65, %dma_wait3A_66] : memref<160x40x50xi32, #tpu.memory_space<hbm>> -> memref<1x40x50xi32, #tpu.memory_space<hbm>>
          %dma_wait3A_68 = tpu.memref_squeeze %dma_wait3A_67 : memref<1x40x50xi32, #tpu.memory_space<hbm>> -> memref<40x50xi32, #tpu.memory_space<hbm>>
          %dma_wait3A_69 = arith.constant 0 : i32
          %dma_wait3A_70 = arith.constant 0 : i32
          %dma_wait3A_71 = tpu.memref_slice %arg3[%add3A_28, %dma_wait3A_69, %dma_wait3A_70] : memref<160x40x50xi32, #tpu.memory_space<hbm>> -> memref<1x40x50xi32, #tpu.memory_space<hbm>>
          %dma_wait3A_72 = tpu.memref_squeeze %dma_wait3A_71 : memref<1x40x50xi32, #tpu.memory_space<hbm>> -> memref<40x50xi32, #tpu.memory_space<hbm>>
          tpu.wait_dma2 semaphore(%run_scoped3A_56 : memref<!tpu.dma_semaphore, #tpu.memory_space<semaphore_mem>>) src(%dma_wait3A_72 : memref<40x50xi32, #tpu.memory_space<hbm>>) dst(%run_scoped3A : memref<40x50xi32, #tpu.memory_space<vmem>>)
          tpu.yield
        }) : () -> ()
        %mul3A_29 = arith.constant 5 : i32
        %mul3A_30 = arith.muli %add3A, %mul3A_29 : i32
        %add3A_31 = arith.addi %mul3A_30, %scan3A_25 : i32
        "tpu.region"() ({
          %run_scoped3A_56 = tpu.sem_alloc : memref<!tpu.dma_semaphore, #tpu.memory_space<semaphore_mem>>
          %dma_start3A_57 = arith.constant 0 : i32
          %dma_start3A_58 = arith.constant 0 : i32
          %dma_start3A_59 = tpu.memref_slice %arg4[%add3A_31, %dma_start3A_57, %dma_start3A_58] : memref<160x40x50xi32, #tpu.memory_space<hbm>> -> memref<1x40x50xi32, #tpu.memory_space<hbm>>
          %dma_start3A_60 = tpu.memref_squeeze %dma_start3A_59 : memref<1x40x50xi32, #tpu.memory_space<hbm>> -> memref<40x50xi32, #tpu.memory_space<hbm>>
          %dma_start3A_61 = arith.constant 0 : i32
          %dma_start3A_62 = arith.constant 0 : i32
          %dma_start3A_63 = tpu.memref_slice %arg4[%add3A_31, %dma_start3A_61, %dma_start3A_62] : memref<160x40x50xi32, #tpu.memory_space<hbm>> -> memref<1x40x50xi32, #tpu.memory_space<hbm>>
          %dma_start3A_64 = tpu.memref_squeeze %dma_start3A_63 : memref<1x40x50xi32, #tpu.memory_space<hbm>> -> memref<40x50xi32, #tpu.memory_space<hbm>>
          tpu.enqueue_dma source(%dma_start3A_64 : memref<40x50xi32, #tpu.memory_space<hbm>>) target(%run_scoped3A_7 : memref<40x50xi32, #tpu.memory_space<vmem>>) target_semaphore(%run_scoped3A_56 : memref<!tpu.dma_semaphore, #tpu.memory_space<semaphore_mem>>)
          %dma_wait3A_65 = arith.constant 0 : i32
          %dma_wait3A_66 = arith.constant 0 : i32
          %dma_wait3A_67 = tpu.memref_slice %arg4[%add3A_31, %dma_wait3A_65, %dma_wait3A_66] : memref<160x40x50xi32, #tpu.memory_space<hbm>> -> memref<1x40x50xi32, #tpu.memory_space<hbm>>
          %dma_wait3A_68 = tpu.memref_squeeze %dma_wait3A_67 : memref<1x40x50xi32, #tpu.memory_space<hbm>> -> memref<40x50xi32, #tpu.memory_space<hbm>>
          %dma_wait3A_69 = arith.constant 0 : i32
          %dma_wait3A_70 = arith.constant 0 : i32
          %dma_wait3A_71 = tpu.memref_slice %arg4[%add3A_31, %dma_wait3A_69, %dma_wait3A_70] : memref<160x40x50xi32, #tpu.memory_space<hbm>> -> memref<1x40x50xi32, #tpu.memory_space<hbm>>
          %dma_wait3A_72 = tpu.memref_squeeze %dma_wait3A_71 : memref<1x40x50xi32, #tpu.memory_space<hbm>> -> memref<40x50xi32, #tpu.memory_space<hbm>>
          tpu.wait_dma2 semaphore(%run_scoped3A_56 : memref<!tpu.dma_semaphore, #tpu.memory_space<semaphore_mem>>) src(%dma_wait3A_72 : memref<40x50xi32, #tpu.memory_space<hbm>>) dst(%run_scoped3A_7 : memref<40x50xi32, #tpu.memory_space<vmem>>)
          tpu.yield
        }) : () -> ()
        %dma_start3A = arith.constant 0 : i32
        %dma_start3A_32 = arith.constant 0 : i32
        %dma_start3A_33 = tpu.memref_slice %run_scoped3A[%dma_start3A, %dma_start3A_32] : memref<40x50xi32, #tpu.memory_space<vmem>> -> memref<1x50xi32, #tpu.memory_space<vmem>>
        %dma_start3A_34 = tpu.memref_squeeze %dma_start3A_33 : memref<1x50xi32, #tpu.memory_space<vmem>> -> memref<50xi32, #tpu.memory_space<vmem>>
        %dma_start3A_35 = arith.constant 0 : i32
        %dma_start3A_36 = arith.constant 0 : i32
        %dma_start3A_37 = tpu.memref_slice %arg2[%dma_start3A_35, %dma_start3A_36] : memref<10000x128xf32, #tpu.memory_space<hbm>> -> memref<10000x128xf32, #tpu.memory_space<hbm>>
        tpu.enqueue_indirect_dma source(%dma_start3A_37 : memref<10000x128xf32, #tpu.memory_space<hbm>>) target(%run_scoped3A_8 : memref<50x128xf32, #tpu.memory_space<vmem>>) offsets(%dma_start3A_34 : memref<50xi32, #tpu.memory_space<vmem>>) semaphore(%run_scoped3A_12 : memref<!tpu.dma_semaphore, #tpu.memory_space<semaphore_mem>>)
        %dma_start3A_38 = arith.constant 1 : i32
        %dma_start3A_39 = arith.constant 0 : i32
        %dma_start3A_40 = tpu.memref_slice %run_scoped3A[%dma_start3A_38, %dma_start3A_39] : memref<40x50xi32, #tpu.memory_space<vmem>> -> memref<1x50xi32, #tpu.memory_space<vmem>>
        %dma_start3A_41 = tpu.memref_squeeze %dma_start3A_40 : memref<1x50xi32, #tpu.memory_space<vmem>> -> memref<50xi32, #tpu.memory_space<vmem>>
        %dma_start3A_42 = arith.constant 0 : i32
        %dma_start3A_43 = arith.constant 0 : i32
        %dma_start3A_44 = tpu.memref_slice %arg2[%dma_start3A_42, %dma_start3A_43] : memref<10000x128xf32, #tpu.memory_space<hbm>> -> memref<10000x128xf32, #tpu.memory_space<hbm>>
        tpu.enqueue_indirect_dma source(%dma_start3A_44 : memref<10000x128xf32, #tpu.memory_space<hbm>>) target(%run_scoped3A_9 : memref<50x128xf32, #tpu.memory_space<vmem>>) offsets(%dma_start3A_41 : memref<50xi32, #tpu.memory_space<vmem>>) semaphore(%run_scoped3A_13 : memref<!tpu.dma_semaphore, #tpu.memory_space<semaphore_mem>>)
        %scan3A_45 = arith.constant 0 : i32
        %scan3A_46 = arith.constant 10 : i32
        %scan3A_47 = arith.addi %scan3A_45, %scan3A_46 : i32
        %scan3A_48 = arith.constant 1 : i32
        scf.for %scan3A_56 = %scan3A_45 to %scan3A_47 step %scan3A_48  : i32 {
          %mul3A_57 = arith.constant 4 : i32
          %mul3A_58 = arith.muli %mul3A_57, %scan3A_56 : i32
          %add3A_59 = arith.constant 0 : i32
          %add3A_60 = arith.addi %mul3A_58, %add3A_59 : i32
          %add3A_61 = arith.constant 2 : i32
          %add3A_62 = arith.addi %add3A_60, %add3A_61 : i32
          %lt3A = arith.constant 40 : i32
          %lt3A_63 = arith.cmpi slt, %add3A_62, %lt3A : i32
          %convert_element_type3A = arith.extui %lt3A_63 : i1 to i32
          %cond3A = arith.constant 0 : i32
          %cond3A_64 = arith.cmpi ne, %convert_element_type3A, %cond3A : i32
          scf.if %cond3A_64 {
            %add3A_159 = arith.constant 2 : i32
            %add3A_160 = arith.addi %add3A_60, %add3A_159 : i32
            %dma_start3A_161 = arith.constant 0 : i32
            %dma_start3A_162 = tpu.memref_slice %run_scoped3A[%add3A_160, %dma_start3A_161] : memref<40x50xi32, #tpu.memory_space<vmem>> -> memref<1x50xi32, #tpu.memory_space<vmem>>
            %dma_start3A_163 = tpu.memref_squeeze %dma_start3A_162 : memref<1x50xi32, #tpu.memory_space<vmem>> -> memref<50xi32, #tpu.memory_space<vmem>>
            %dma_start3A_164 = arith.constant 0 : i32
            %dma_start3A_165 = arith.constant 0 : i32
            %dma_start3A_166 = tpu.memref_slice %arg2[%dma_start3A_164, %dma_start3A_165] : memref<10000x128xf32, #tpu.memory_space<hbm>> -> memref<10000x128xf32, #tpu.memory_space<hbm>>
            tpu.enqueue_indirect_dma source(%dma_start3A_166 : memref<10000x128xf32, #tpu.memory_space<hbm>>) target(%run_scoped3A_10 : memref<50x128xf32, #tpu.memory_space<vmem>>) offsets(%dma_start3A_163 : memref<50xi32, #tpu.memory_space<vmem>>) semaphore(%run_scoped3A_14 : memref<!tpu.dma_semaphore, #tpu.memory_space<semaphore_mem>>)
          } else {
          }
          %dma_wait3A_65 = arith.constant 0 : i32
          %dma_wait3A_66 = tpu.memref_slice %run_scoped3A[%add3A_60, %dma_wait3A_65] : memref<40x50xi32, #tpu.memory_space<vmem>> -> memref<1x50xi32, #tpu.memory_space<vmem>>
          %dma_wait3A_67 = tpu.memref_squeeze %dma_wait3A_66 : memref<1x50xi32, #tpu.memory_space<vmem>> -> memref<50xi32, #tpu.memory_space<vmem>>
          %dma_wait3A_68 = arith.constant 0 : i32
          %dma_wait3A_69 = arith.constant 0 : i32
          %dma_wait3A_70 = tpu.memref_slice %arg2[%dma_wait3A_68, %dma_wait3A_69] : memref<10000x128xf32, #tpu.memory_space<hbm>> -> memref<10000x128xf32, #tpu.memory_space<hbm>>
          tpu.wait_indirect_dma semaphore(%run_scoped3A_12 : memref<!tpu.dma_semaphore, #tpu.memory_space<semaphore_mem>>) src(%dma_wait3A_70 : memref<10000x128xf32, #tpu.memory_space<hbm>>) dst(%run_scoped3A_8 : memref<50x128xf32, #tpu.memory_space<vmem>>)
          %ge3A = arith.constant 1 : i32
          %ge3A_71 = arith.cmpi sge, %add3A_60, %ge3A : i32
          %convert_element_type3A_72 = arith.extui %ge3A_71 : i1 to i32
          %cond3A_73 = arith.constant 0 : i32
          %cond3A_74 = arith.cmpi ne, %convert_element_type3A_72, %cond3A_73 : i32
          scf.if %cond3A_74 {
            %sub3A = arith.constant 1 : i32
            %sub3A_159 = arith.subi %add3A_60, %sub3A : i32
            %dma_wait3A_160 = arith.constant 0 : i32
            %dma_wait3A_161 = tpu.memref_slice %run_scoped3A_7[%sub3A_159, %dma_wait3A_160] : memref<40x50xi32, #tpu.memory_space<vmem>> -> memref<1x50xi32, #tpu.memory_space<vmem>>
            %dma_wait3A_162 = tpu.memref_squeeze %dma_wait3A_161 : memref<1x50xi32, #tpu.memory_space<vmem>> -> memref<50xi32, #tpu.memory_space<vmem>>
            %dma_wait3A_163 = arith.constant 0 : i32
            %dma_wait3A_164 = arith.constant 0 : i32
            %dma_wait3A_165 = tpu.memref_slice %arg7[%dma_wait3A_163, %dma_wait3A_164] : memref<10240x128xf32, #tpu.memory_space<vmem_shared>> -> memref<10240x128xf32, #tpu.memory_space<vmem_shared>>
            tpu.wait_indirect_dma semaphore(%run_scoped3A_19 : memref<!tpu.dma_semaphore, #tpu.memory_space<semaphore_mem>>) src(%run_scoped3A_11 : memref<50x128xf32, #tpu.memory_space<vmem>>) dst(%dma_wait3A_165 : memref<10240x128xf32, #tpu.memory_space<vmem_shared>>)
          } else {
          }
          %dma_start3A_75 = arith.constant 0 : i32
          %dma_start3A_76 = tpu.memref_slice %run_scoped3A_7[%add3A_60, %dma_start3A_75] : memref<40x50xi32, #tpu.memory_space<vmem>> -> memref<1x50xi32, #tpu.memory_space<vmem>>
          %dma_start3A_77 = tpu.memref_squeeze %dma_start3A_76 : memref<1x50xi32, #tpu.memory_space<vmem>> -> memref<50xi32, #tpu.memory_space<vmem>>
          %dma_start3A_78 = arith.constant 0 : i32
          %dma_start3A_79 = arith.constant 0 : i32
          %dma_start3A_80 = tpu.memref_slice %arg7[%dma_start3A_78, %dma_start3A_79] : memref<10240x128xf32, #tpu.memory_space<vmem_shared>> -> memref<10240x128xf32, #tpu.memory_space<vmem_shared>>
          tpu.enqueue_indirect_dma source(%run_scoped3A_8 : memref<50x128xf32, #tpu.memory_space<vmem>>) target(%dma_start3A_80 : memref<10240x128xf32, #tpu.memory_space<vmem_shared>>) offsets(%dma_start3A_77 : memref<50xi32, #tpu.memory_space<vmem>>) semaphore(%run_scoped3A_16 : memref<!tpu.dma_semaphore, #tpu.memory_space<semaphore_mem>>) {add = true}
          %add3A_81 = arith.constant 1 : i32
          %add3A_82 = arith.addi %mul3A_58, %add3A_81 : i32
          %add3A_83 = arith.constant 2 : i32
          %add3A_84 = arith.addi %add3A_82, %add3A_83 : i32
          %lt3A_85 = arith.constant 40 : i32
          %lt3A_86 = arith.cmpi slt, %add3A_84, %lt3A_85 : i32
          %convert_element_type3A_87 = arith.extui %lt3A_86 : i1 to i32
          %cond3A_88 = arith.constant 0 : i32
          %cond3A_89 = arith.cmpi ne, %convert_element_type3A_87, %cond3A_88 : i32
          scf.if %cond3A_89 {
            %add3A_159 = arith.constant 2 : i32
            %add3A_160 = arith.addi %add3A_82, %add3A_159 : i32
            %dma_start3A_161 = arith.constant 0 : i32
            %dma_start3A_162 = tpu.memref_slice %run_scoped3A[%add3A_160, %dma_start3A_161] : memref<40x50xi32, #tpu.memory_space<vmem>> -> memref<1x50xi32, #tpu.memory_space<vmem>>
            %dma_start3A_163 = tpu.memref_squeeze %dma_start3A_162 : memref<1x50xi32, #tpu.memory_space<vmem>> -> memref<50xi32, #tpu.memory_space<vmem>>
            %dma_start3A_164 = arith.constant 0 : i32
            %dma_start3A_165 = arith.constant 0 : i32
            %dma_start3A_166 = tpu.memref_slice %arg2[%dma_start3A_164, %dma_start3A_165] : memref<10000x128xf32, #tpu.memory_space<hbm>> -> memref<10000x128xf32, #tpu.memory_space<hbm>>
            tpu.enqueue_indirect_dma source(%dma_start3A_166 : memref<10000x128xf32, #tpu.memory_space<hbm>>) target(%run_scoped3A_11 : memref<50x128xf32, #tpu.memory_space<vmem>>) offsets(%dma_start3A_163 : memref<50xi32, #tpu.memory_space<vmem>>) semaphore(%run_scoped3A_15 : memref<!tpu.dma_semaphore, #tpu.memory_space<semaphore_mem>>)
          } else {
          }
          %dma_wait3A_90 = arith.constant 0 : i32
          %dma_wait3A_91 = tpu.memref_slice %run_scoped3A[%add3A_82, %dma_wait3A_90] : memref<40x50xi32, #tpu.memory_space<vmem>> -> memref<1x50xi32, #tpu.memory_space<vmem>>
          %dma_wait3A_92 = tpu.memref_squeeze %dma_wait3A_91 : memref<1x50xi32, #tpu.memory_space<vmem>> -> memref<50xi32, #tpu.memory_space<vmem>>
          %dma_wait3A_93 = arith.constant 0 : i32
          %dma_wait3A_94 = arith.constant 0 : i32
          %dma_wait3A_95 = tpu.memref_slice %arg2[%dma_wait3A_93, %dma_wait3A_94] : memref<10000x128xf32, #tpu.memory_space<hbm>> -> memref<10000x128xf32, #tpu.memory_space<hbm>>
          tpu.wait_indirect_dma semaphore(%run_scoped3A_13 : memref<!tpu.dma_semaphore, #tpu.memory_space<semaphore_mem>>) src(%dma_wait3A_95 : memref<10000x128xf32, #tpu.memory_space<hbm>>) dst(%run_scoped3A_9 : memref<50x128xf32, #tpu.memory_space<vmem>>)
          %ge3A_96 = arith.constant 1 : i32
          %ge3A_97 = arith.cmpi sge, %add3A_82, %ge3A_96 : i32
          %convert_element_type3A_98 = arith.extui %ge3A_97 : i1 to i32
          %cond3A_99 = arith.constant 0 : i32
          %cond3A_100 = arith.cmpi ne, %convert_element_type3A_98, %cond3A_99 : i32
          scf.if %cond3A_100 {
            %sub3A = arith.constant 1 : i32
            %sub3A_159 = arith.subi %add3A_82, %sub3A : i32
            %dma_wait3A_160 = arith.constant 0 : i32
            %dma_wait3A_161 = tpu.memref_slice %run_scoped3A_7[%sub3A_159, %dma_wait3A_160] : memref<40x50xi32, #tpu.memory_space<vmem>> -> memref<1x50xi32, #tpu.memory_space<vmem>>
            %dma_wait3A_162 = tpu.memref_squeeze %dma_wait3A_161 : memref<1x50xi32, #tpu.memory_space<vmem>> -> memref<50xi32, #tpu.memory_space<vmem>>
            %dma_wait3A_163 = arith.constant 0 : i32
            %dma_wait3A_164 = arith.constant 0 : i32
            %dma_wait3A_165 = tpu.memref_slice %arg7[%dma_wait3A_163, %dma_wait3A_164] : memref<10240x128xf32, #tpu.memory_space<vmem_shared>> -> memref<10240x128xf32, #tpu.memory_space<vmem_shared>>
            tpu.wait_indirect_dma semaphore(%run_scoped3A_16 : memref<!tpu.dma_semaphore, #tpu.memory_space<semaphore_mem>>) src(%run_scoped3A_8 : memref<50x128xf32, #tpu.memory_space<vmem>>) dst(%dma_wait3A_165 : memref<10240x128xf32, #tpu.memory_space<vmem_shared>>)
          } else {
          }
          %dma_start3A_101 = arith.constant 0 : i32
          %dma_start3A_102 = tpu.memref_slice %run_scoped3A_7[%add3A_82, %dma_start3A_101] : memref<40x50xi32, #tpu.memory_space<vmem>> -> memref<1x50xi32, #tpu.memory_space<vmem>>
          %dma_start3A_103 = tpu.memref_squeeze %dma_start3A_102 : memref<1x50xi32, #tpu.memory_space<vmem>> -> memref<50xi32, #tpu.memory_space<vmem>>
          %dma_start3A_104 = arith.constant 0 : i32
          %dma_start3A_105 = arith.constant 0 : i32
          %dma_start3A_106 = tpu.memref_slice %arg7[%dma_start3A_104, %dma_start3A_105] : memref<10240x128xf32, #tpu.memory_space<vmem_shared>> -> memref<10240x128xf32, #tpu.memory_space<vmem_shared>>
          tpu.enqueue_indirect_dma source(%run_scoped3A_9 : memref<50x128xf32, #tpu.memory_space<vmem>>) target(%dma_start3A_106 : memref<10240x128xf32, #tpu.memory_space<vmem_shared>>) offsets(%dma_start3A_103 : memref<50xi32, #tpu.memory_space<vmem>>) semaphore(%run_scoped3A_17 : memref<!tpu.dma_semaphore, #tpu.memory_space<semaphore_mem>>) {add = true}
          %add3A_107 = arith.constant 2 : i32
          %add3A_108 = arith.addi %mul3A_58, %add3A_107 : i32
          %add3A_109 = arith.constant 2 : i32
          %add3A_110 = arith.addi %add3A_108, %add3A_109 : i32
          %lt3A_111 = arith.constant 40 : i32
          %lt3A_112 = arith.cmpi slt, %add3A_110, %lt3A_111 : i32
          %convert_element_type3A_113 = arith.extui %lt3A_112 : i1 to i32
          %cond3A_114 = arith.constant 0 : i32
          %cond3A_115 = arith.cmpi ne, %convert_element_type3A_113, %cond3A_114 : i32
          scf.if %cond3A_115 {
            %add3A_159 = arith.constant 2 : i32
            %add3A_160 = arith.addi %add3A_108, %add3A_159 : i32
            %dma_start3A_161 = arith.constant 0 : i32
            %dma_start3A_162 = tpu.memref_slice %run_scoped3A[%add3A_160, %dma_start3A_161] : memref<40x50xi32, #tpu.memory_space<vmem>> -> memref<1x50xi32, #tpu.memory_space<vmem>>
            %dma_start3A_163 = tpu.memref_squeeze %dma_start3A_162 : memref<1x50xi32, #tpu.memory_space<vmem>> -> memref<50xi32, #tpu.memory_space<vmem>>
            %dma_start3A_164 = arith.constant 0 : i32
            %dma_start3A_165 = arith.constant 0 : i32
            %dma_start3A_166 = tpu.memref_slice %arg2[%dma_start3A_164, %dma_start3A_165] : memref<10000x128xf32, #tpu.memory_space<hbm>> -> memref<10000x128xf32, #tpu.memory_space<hbm>>
            tpu.enqueue_indirect_dma source(%dma_start3A_166 : memref<10000x128xf32, #tpu.memory_space<hbm>>) target(%run_scoped3A_8 : memref<50x128xf32, #tpu.memory_space<vmem>>) offsets(%dma_start3A_163 : memref<50xi32, #tpu.memory_space<vmem>>) semaphore(%run_scoped3A_12 : memref<!tpu.dma_semaphore, #tpu.memory_space<semaphore_mem>>)
          } else {
          }
          %dma_wait3A_116 = arith.constant 0 : i32
          %dma_wait3A_117 = tpu.memref_slice %run_scoped3A[%add3A_108, %dma_wait3A_116] : memref<40x50xi32, #tpu.memory_space<vmem>> -> memref<1x50xi32, #tpu.memory_space<vmem>>
          %dma_wait3A_118 = tpu.memref_squeeze %dma_wait3A_117 : memref<1x50xi32, #tpu.memory_space<vmem>> -> memref<50xi32, #tpu.memory_space<vmem>>
          %dma_wait3A_119 = arith.constant 0 : i32
          %dma_wait3A_120 = arith.constant 0 : i32
          %dma_wait3A_121 = tpu.memref_slice %arg2[%dma_wait3A_119, %dma_wait3A_120] : memref<10000x128xf32, #tpu.memory_space<hbm>> -> memref<10000x128xf32, #tpu.memory_space<hbm>>
          tpu.wait_indirect_dma semaphore(%run_scoped3A_14 : memref<!tpu.dma_semaphore, #tpu.memory_space<semaphore_mem>>) src(%dma_wait3A_121 : memref<10000x128xf32, #tpu.memory_space<hbm>>) dst(%run_scoped3A_10 : memref<50x128xf32, #tpu.memory_space<vmem>>)
          %ge3A_122 = arith.constant 1 : i32
          %ge3A_123 = arith.cmpi sge, %add3A_108, %ge3A_122 : i32
          %convert_element_type3A_124 = arith.extui %ge3A_123 : i1 to i32
          %cond3A_125 = arith.constant 0 : i32
          %cond3A_126 = arith.cmpi ne, %convert_element_type3A_124, %cond3A_125 : i32
          scf.if %cond3A_126 {
            %sub3A = arith.constant 1 : i32
            %sub3A_159 = arith.subi %add3A_108, %sub3A : i32
            %dma_wait3A_160 = arith.constant 0 : i32
            %dma_wait3A_161 = tpu.memref_slice %run_scoped3A_7[%sub3A_159, %dma_wait3A_160] : memref<40x50xi32, #tpu.memory_space<vmem>> -> memref<1x50xi32, #tpu.memory_space<vmem>>
            %dma_wait3A_162 = tpu.memref_squeeze %dma_wait3A_161 : memref<1x50xi32, #tpu.memory_space<vmem>> -> memref<50xi32, #tpu.memory_space<vmem>>
            %dma_wait3A_163 = arith.constant 0 : i32
            %dma_wait3A_164 = arith.constant 0 : i32
            %dma_wait3A_165 = tpu.memref_slice %arg7[%dma_wait3A_163, %dma_wait3A_164] : memref<10240x128xf32, #tpu.memory_space<vmem_shared>> -> memref<10240x128xf32, #tpu.memory_space<vmem_shared>>
            tpu.wait_indirect_dma semaphore(%run_scoped3A_17 : memref<!tpu.dma_semaphore, #tpu.memory_space<semaphore_mem>>) src(%run_scoped3A_9 : memref<50x128xf32, #tpu.memory_space<vmem>>) dst(%dma_wait3A_165 : memref<10240x128xf32, #tpu.memory_space<vmem_shared>>)
          } else {
          }
          %dma_start3A_127 = arith.constant 0 : i32
          %dma_start3A_128 = tpu.memref_slice %run_scoped3A_7[%add3A_108, %dma_start3A_127] : memref<40x50xi32, #tpu.memory_space<vmem>> -> memref<1x50xi32, #tpu.memory_space<vmem>>
          %dma_start3A_129 = tpu.memref_squeeze %dma_start3A_128 : memref<1x50xi32, #tpu.memory_space<vmem>> -> memref<50xi32, #tpu.memory_space<vmem>>
          %dma_start3A_130 = arith.constant 0 : i32
          %dma_start3A_131 = arith.constant 0 : i32
          %dma_start3A_132 = tpu.memref_slice %arg7[%dma_start3A_130, %dma_start3A_131] : memref<10240x128xf32, #tpu.memory_space<vmem_shared>> -> memref<10240x128xf32, #tpu.memory_space<vmem_shared>>
          tpu.enqueue_indirect_dma source(%run_scoped3A_10 : memref<50x128xf32, #tpu.memory_space<vmem>>) target(%dma_start3A_132 : memref<10240x128xf32, #tpu.memory_space<vmem_shared>>) offsets(%dma_start3A_129 : memref<50xi32, #tpu.memory_space<vmem>>) semaphore(%run_scoped3A_18 : memref<!tpu.dma_semaphore, #tpu.memory_space<semaphore_mem>>) {add = true}
          %add3A_133 = arith.constant 3 : i32
          %add3A_134 = arith.addi %mul3A_58, %add3A_133 : i32
          %add3A_135 = arith.constant 2 : i32
          %add3A_136 = arith.addi %add3A_134, %add3A_135 : i32
          %lt3A_137 = arith.constant 40 : i32
          %lt3A_138 = arith.cmpi slt, %add3A_136, %lt3A_137 : i32
          %convert_element_type3A_139 = arith.extui %lt3A_138 : i1 to i32
          %cond3A_140 = arith.constant 0 : i32
          %cond3A_141 = arith.cmpi ne, %convert_element_type3A_139, %cond3A_140 : i32
          scf.if %cond3A_141 {
            %add3A_159 = arith.constant 2 : i32
            %add3A_160 = arith.addi %add3A_134, %add3A_159 : i32
            %dma_start3A_161 = arith.constant 0 : i32
            %dma_start3A_162 = tpu.memref_slice %run_scoped3A[%add3A_160, %dma_start3A_161] : memref<40x50xi32, #tpu.memory_space<vmem>> -> memref<1x50xi32, #tpu.memory_space<vmem>>
            %dma_start3A_163 = tpu.memref_squeeze %dma_start3A_162 : memref<1x50xi32, #tpu.memory_space<vmem>> -> memref<50xi32, #tpu.memory_space<vmem>>
            %dma_start3A_164 = arith.constant 0 : i32
            %dma_start3A_165 = arith.constant 0 : i32
            %dma_start3A_166 = tpu.memref_slice %arg2[%dma_start3A_164, %dma_start3A_165] : memref<10000x128xf32, #tpu.memory_space<hbm>> -> memref<10000x128xf32, #tpu.memory_space<hbm>>
            tpu.enqueue_indirect_dma source(%dma_start3A_166 : memref<10000x128xf32, #tpu.memory_space<hbm>>) target(%run_scoped3A_9 : memref<50x128xf32, #tpu.memory_space<vmem>>) offsets(%dma_start3A_163 : memref<50xi32, #tpu.memory_space<vmem>>) semaphore(%run_scoped3A_13 : memref<!tpu.dma_semaphore, #tpu.memory_space<semaphore_mem>>)
          } else {
          }
          %dma_wait3A_142 = arith.constant 0 : i32
          %dma_wait3A_143 = tpu.memref_slice %run_scoped3A[%add3A_134, %dma_wait3A_142] : memref<40x50xi32, #tpu.memory_space<vmem>> -> memref<1x50xi32, #tpu.memory_space<vmem>>
          %dma_wait3A_144 = tpu.memref_squeeze %dma_wait3A_143 : memref<1x50xi32, #tpu.memory_space<vmem>> -> memref<50xi32, #tpu.memory_space<vmem>>
          %dma_wait3A_145 = arith.constant 0 : i32
          %dma_wait3A_146 = arith.constant 0 : i32
          %dma_wait3A_147 = tpu.memref_slice %arg2[%dma_wait3A_145, %dma_wait3A_146] : memref<10000x128xf32, #tpu.memory_space<hbm>> -> memref<10000x128xf32, #tpu.memory_space<hbm>>
          tpu.wait_indirect_dma semaphore(%run_scoped3A_15 : memref<!tpu.dma_semaphore, #tpu.memory_space<semaphore_mem>>) src(%dma_wait3A_147 : memref<10000x128xf32, #tpu.memory_space<hbm>>) dst(%run_scoped3A_11 : memref<50x128xf32, #tpu.memory_space<vmem>>)
          %ge3A_148 = arith.constant 1 : i32
          %ge3A_149 = arith.cmpi sge, %add3A_134, %ge3A_148 : i32
          %convert_element_type3A_150 = arith.extui %ge3A_149 : i1 to i32
          %cond3A_151 = arith.constant 0 : i32
          %cond3A_152 = arith.cmpi ne, %convert_element_type3A_150, %cond3A_151 : i32
          scf.if %cond3A_152 {
            %sub3A = arith.constant 1 : i32
            %sub3A_159 = arith.subi %add3A_134, %sub3A : i32
            %dma_wait3A_160 = arith.constant 0 : i32
            %dma_wait3A_161 = tpu.memref_slice %run_scoped3A_7[%sub3A_159, %dma_wait3A_160] : memref<40x50xi32, #tpu.memory_space<vmem>> -> memref<1x50xi32, #tpu.memory_space<vmem>>
            %dma_wait3A_162 = tpu.memref_squeeze %dma_wait3A_161 : memref<1x50xi32, #tpu.memory_space<vmem>> -> memref<50xi32, #tpu.memory_space<vmem>>
            %dma_wait3A_163 = arith.constant 0 : i32
            %dma_wait3A_164 = arith.constant 0 : i32
            %dma_wait3A_165 = tpu.memref_slice %arg7[%dma_wait3A_163, %dma_wait3A_164] : memref<10240x128xf32, #tpu.memory_space<vmem_shared>> -> memref<10240x128xf32, #tpu.memory_space<vmem_shared>>
            tpu.wait_indirect_dma semaphore(%run_scoped3A_18 : memref<!tpu.dma_semaphore, #tpu.memory_space<semaphore_mem>>) src(%run_scoped3A_10 : memref<50x128xf32, #tpu.memory_space<vmem>>) dst(%dma_wait3A_165 : memref<10240x128xf32, #tpu.memory_space<vmem_shared>>)
          } else {
          }
          %dma_start3A_153 = arith.constant 0 : i32
          %dma_start3A_154 = tpu.memref_slice %run_scoped3A_7[%add3A_134, %dma_start3A_153] : memref<40x50xi32, #tpu.memory_space<vmem>> -> memref<1x50xi32, #tpu.memory_space<vmem>>
          %dma_start3A_155 = tpu.memref_squeeze %dma_start3A_154 : memref<1x50xi32, #tpu.memory_space<vmem>> -> memref<50xi32, #tpu.memory_space<vmem>>
          %dma_start3A_156 = arith.constant 0 : i32
          %dma_start3A_157 = arith.constant 0 : i32
          %dma_start3A_158 = tpu.memref_slice %arg7[%dma_start3A_156, %dma_start3A_157] : memref<10240x128xf32, #tpu.memory_space<vmem_shared>> -> memref<10240x128xf32, #tpu.memory_space<vmem_shared>>
          tpu.enqueue_indirect_dma source(%run_scoped3A_11 : memref<50x128xf32, #tpu.memory_space<vmem>>) target(%dma_start3A_158 : memref<10240x128xf32, #tpu.memory_space<vmem_shared>>) offsets(%dma_start3A_155 : memref<50xi32, #tpu.memory_space<vmem>>) semaphore(%run_scoped3A_19 : memref<!tpu.dma_semaphore, #tpu.memory_space<semaphore_mem>>) {add = true}
        }
        %scan3A_49 = arith.constant 10 : i32
        %dma_wait3A = arith.constant 39 : i32
        %dma_wait3A_50 = arith.constant 0 : i32
        %dma_wait3A_51 = tpu.memref_slice %run_scoped3A_7[%dma_wait3A, %dma_wait3A_50] : memref<40x50xi32, #tpu.memory_space<vmem>> -> memref<1x50xi32, #tpu.memory_space<vmem>>
        %dma_wait3A_52 = tpu.memref_squeeze %dma_wait3A_51 : memref<1x50xi32, #tpu.memory_space<vmem>> -> memref<50xi32, #tpu.memory_space<vmem>>
        %dma_wait3A_53 = arith.constant 0 : i32
        %dma_wait3A_54 = arith.constant 0 : i32
        %dma_wait3A_55 = tpu.memref_slice %arg7[%dma_wait3A_53, %dma_wait3A_54] : memref<10240x128xf32, #tpu.memory_space<vmem_shared>> -> memref<10240x128xf32, #tpu.memory_space<vmem_shared>>
        tpu.wait_indirect_dma semaphore(%run_scoped3A_19 : memref<!tpu.dma_semaphore, #tpu.memory_space<semaphore_mem>>) src(%run_scoped3A_11 : memref<50x128xf32, #tpu.memory_space<vmem>>) dst(%dma_wait3A_55 : memref<10240x128xf32, #tpu.memory_space<vmem_shared>>)
      }
      %scan3A_24 = arith.constant 5 : i32
      tpu.yield
    }) : () -> ()
    %barrier3A = arith.constant 0 : index
    tpu.barrier barrier_id(%barrier3A)
    %mul3A_3 = arith.constant 640 : i32
    %mul3A_4 = arith.muli %arg1, %mul3A_3 : i32
    %mul3A_5 = arith.constant 640 : i32
    %mul3A_6 = arith.muli %arg1, %mul3A_5 : i32
    "tpu.region"() ({
      %run_scoped3A = tpu.sem_alloc : memref<!tpu.dma_semaphore, #tpu.memory_space<semaphore_mem>>
      %dma_start3A = arith.constant 0 : i32
      %dma_start3A_7 = tpu.memref_slice %arg6[%arg0, %mul3A_6, %dma_start3A] : memref<2x10240x128xf32, #tpu.memory_space<hbm>> -> memref<1x640x128xf32, #tpu.memory_space<hbm>>
      %dma_start3A_8 = tpu.memref_squeeze %dma_start3A_7 : memref<1x640x128xf32, #tpu.memory_space<hbm>> -> memref<640x128xf32, #tpu.memory_space<hbm>>
      %dma_start3A_9 = arith.constant 0 : i32
      %dma_start3A_10 = tpu.memref_slice %arg7[%mul3A_4, %dma_start3A_9] : memref<10240x128xf32, #tpu.memory_space<vmem_shared>> -> memref<640x128xf32, #tpu.memory_space<vmem_shared>>
      tpu.enqueue_dma source(%dma_start3A_10 : memref<640x128xf32, #tpu.memory_space<vmem_shared>>) target(%dma_start3A_8 : memref<640x128xf32, #tpu.memory_space<hbm>>) target_semaphore(%run_scoped3A : memref<!tpu.dma_semaphore, #tpu.memory_space<semaphore_mem>>)
      %dma_wait3A = arith.constant 0 : i32
      %dma_wait3A_11 = tpu.memref_slice %arg6[%arg0, %mul3A_6, %dma_wait3A] : memref<2x10240x128xf32, #tpu.memory_space<hbm>> -> memref<1x640x128xf32, #tpu.memory_space<hbm>>
      %dma_wait3A_12 = tpu.memref_squeeze %dma_wait3A_11 : memref<1x640x128xf32, #tpu.memory_space<hbm>> -> memref<640x128xf32, #tpu.memory_space<hbm>>
      %dma_wait3A_13 = arith.constant 0 : i32
      %dma_wait3A_14 = tpu.memref_slice %arg7[%mul3A_4, %dma_wait3A_13] : memref<10240x128xf32, #tpu.memory_space<vmem_shared>> -> memref<640x128xf32, #tpu.memory_space<vmem_shared>>
      tpu.wait_dma2 semaphore(%run_scoped3A : memref<!tpu.dma_semaphore, #tpu.memory_space<semaphore_mem>>) src(%dma_wait3A_14 : memref<640x128xf32, #tpu.memory_space<vmem_shared>>) dst(%dma_wait3A_12 : memref<640x128xf32, #tpu.memory_space<hbm>>)
      tpu.yield
    }) : () -> ()
    return
  }
}

#map = affine_map<(d0, d1) -> (0, 0)>
#map1 = affine_map<(d0, d1) -> (0, 0, 0)>
module attributes {stable_mosaic.version = 14 : i64} {
  func.func @_prop_body(%arg0: i32, %arg1: i32, %arg2: memref<10000x128xf32, #tpu.memory_space<hbm>>, %arg3: memref<160x40x50xi32, #tpu.memory_space<hbm>>, %arg4: memref<160x40x50xi32, #tpu.memory_space<hbm>>, %arg5: memref<640x128xf32, #tpu.memory_space<hbm>>, %arg6: memref<2x10240x128xf32, #tpu.memory_space<hbm>>, %arg7: memref<10240x128xf32, #tpu.memory_space<vmem_shared>>) attributes {dimension_semantics = [#tpu.dimension_semantics<core_parallel>, #tpu.dimension_semantics<subcore_parallel>], iteration_bounds = array<i64: 2, 16>, scalar_prefetch = 0 : i64, scratch_operands = 1 : i64, tpu.core_type = #tpu.core_type<sc_vector_subcore>, window_params = [{transform_indices = #map}, {transform_indices = #map1}, {transform_indices = #map1}, {transform_indices = #map}, {transform_indices = #map1}]} {
    %mul3A = arith.constant 2 : i32
    %mul3A_0 = arith.muli %arg1, %mul3A : i32
    %add3A = arith.addi %mul3A_0, %arg0 : i32
    %mul3A_1 = arith.constant 640 : i32
    %mul3A_2 = arith.muli %arg1, %mul3A_1 : i32
    "tpu.region"() ({
      %run_scoped3A = tpu.sem_alloc : memref<!tpu.dma_semaphore, #tpu.memory_space<semaphore_mem>>
      %dma_start3A = arith.constant 0 : i32
      %dma_start3A_7 = tpu.memref_slice %arg7[%mul3A_2, %dma_start3A] : memref<10240x128xf32, #tpu.memory_space<vmem_shared>> -> memref<640x128xf32, #tpu.memory_space<vmem_shared>>
      tpu.enqueue_dma source(%arg5 : memref<640x128xf32, #tpu.memory_space<hbm>>) target(%dma_start3A_7 : memref<640x128xf32, #tpu.memory_space<vmem_shared>>) target_semaphore(%run_scoped3A : memref<!tpu.dma_semaphore, #tpu.memory_space<semaphore_mem>>)
      %dma_wait3A = arith.constant 0 : i32
      %dma_wait3A_8 = tpu.memref_slice %arg7[%mul3A_2, %dma_wait3A] : memref<10240x128xf32, #tpu.memory_space<vmem_shared>> -> memref<640x128xf32, #tpu.memory_space<vmem_shared>>
      tpu.wait_dma2 semaphore(%run_scoped3A : memref<!tpu.dma_semaphore, #tpu.memory_space<semaphore_mem>>) src(%arg5 : memref<640x128xf32, #tpu.memory_space<hbm>>) dst(%dma_wait3A_8 : memref<640x128xf32, #tpu.memory_space<vmem_shared>>)
      tpu.yield
    }) : () -> ()
    "tpu.region"() ({
      %run_scoped3A = memref.alloca() : memref<40x50xi32, #tpu.memory_space<vmem>>
      %run_scoped3A_7 = memref.alloca() : memref<40x50xi32, #tpu.memory_space<vmem>>
      %run_scoped3A_8 = memref.alloca() : memref<50x128xf32, #tpu.memory_space<vmem>>
      %run_scoped3A_9 = memref.alloca() : memref<50x128xf32, #tpu.memory_space<vmem>>
      %run_scoped3A_10 = memref.alloca() : memref<50x128xf32, #tpu.memory_space<vmem>>
      %run_scoped3A_11 = memref.alloca() : memref<50x128xf32, #tpu.memory_space<vmem>>
      %run_scoped3A_12 = tpu.sem_alloc : memref<!tpu.dma_semaphore, #tpu.memory_space<semaphore_mem>>
      %run_scoped3A_13 = tpu.sem_alloc : memref<!tpu.dma_semaphore, #tpu.memory_space<semaphore_mem>>
      %run_scoped3A_14 = tpu.sem_alloc : memref<!tpu.dma_semaphore, #tpu.memory_space<semaphore_mem>>
      %run_scoped3A_15 = tpu.sem_alloc : memref<!tpu.dma_semaphore, #tpu.memory_space<semaphore_mem>>
      %run_scoped3A_16 = tpu.sem_alloc : memref<!tpu.dma_semaphore, #tpu.memory_space<semaphore_mem>>
      %run_scoped3A_17 = tpu.sem_alloc : memref<!tpu.dma_semaphore, #tpu.memory_space<semaphore_mem>>
      %run_scoped3A_18 = tpu.sem_alloc : memref<!tpu.dma_semaphore, #tpu.memory_space<semaphore_mem>>
      %run_scoped3A_19 = tpu.sem_alloc : memref<!tpu.dma_semaphore, #tpu.memory_space<semaphore_mem>>
      %barrier3A_20 = arith.constant 0 : index
      tpu.barrier barrier_id(%barrier3A_20)
      %scan3A = arith.constant 0 : i32
      %scan3A_21 = arith.constant 5 : i32
      %scan3A_22 = arith.addi %scan3A, %scan3A_21 : i32
      %scan3A_23 = arith.constant 1 : i32
      scf.for %scan3A_25 = %scan3A to %scan3A_22 step %scan3A_23  : i32 {
        %mul3A_26 = arith.constant 5 : i32
        %mul3A_27 = arith.muli %add3A, %mul3A_26 : i32
        %add3A_28 = arith.addi %mul3A_27, %scan3A_25 : i32
        "tpu.region"() ({
          %run_scoped3A_56 = tpu.sem_alloc : memref<!tpu.dma_semaphore, #tpu.memory_space<semaphore_mem>>
          %dma_start3A_57 = arith.constant 0 : i32
          %dma_start3A_58 = arith.constant 0 : i32
          %dma_start3A_59 = tpu.memref_slice %arg3[%add3A_28, %dma_start3A_57, %dma_start3A_58] : memref<160x40x50xi32, #tpu.memory_space<hbm>> -> memref<1x40x50xi32, #tpu.memory_space<hbm>>
          %dma_start3A_60 = tpu.memref_squeeze %dma_start3A_59 : memref<1x40x50xi32, #tpu.memory_space<hbm>> -> memref<40x50xi32, #tpu.memory_space<hbm>>
          %dma_start3A_61 = arith.constant 0 : i32
          %dma_start3A_62 = arith.constant 0 : i32
          %dma_start3A_63 = tpu.memref_slice %arg3[%add3A_28, %dma_start3A_61, %dma_start3A_62] : memref<160x40x50xi32, #tpu.memory_space<hbm>> -> memref<1x40x50xi32, #tpu.memory_space<hbm>>
          %dma_start3A_64 = tpu.memref_squeeze %dma_start3A_63 : memref<1x40x50xi32, #tpu.memory_space<hbm>> -> memref<40x50xi32, #tpu.memory_space<hbm>>
          tpu.enqueue_dma source(%dma_start3A_64 : memref<40x50xi32, #tpu.memory_space<hbm>>) target(%run_scoped3A : memref<40x50xi32, #tpu.memory_space<vmem>>) target_semaphore(%run_scoped3A_56 : memref<!tpu.dma_semaphore, #tpu.memory_space<semaphore_mem>>)
          %dma_wait3A_65 = arith.constant 0 : i32
          %dma_wait3A_66 = arith.constant 0 : i32
          %dma_wait3A_67 = tpu.memref_slice %arg3[%add3A_28, %dma_wait3A_65, %dma_wait3A_66] : memref<160x40x50xi32, #tpu.memory_space<hbm>> -> memref<1x40x50xi32, #tpu.memory_space<hbm>>
          %dma_wait3A_68 = tpu.memref_squeeze %dma_wait3A_67 : memref<1x40x50xi32, #tpu.memory_space<hbm>> -> memref<40x50xi32, #tpu.memory_space<hbm>>
          %dma_wait3A_69 = arith.constant 0 : i32
          %dma_wait3A_70 = arith.constant 0 : i32
          %dma_wait3A_71 = tpu.memref_slice %arg3[%add3A_28, %dma_wait3A_69, %dma_wait3A_70] : memref<160x40x50xi32, #tpu.memory_space<hbm>> -> memref<1x40x50xi32, #tpu.memory_space<hbm>>
          %dma_wait3A_72 = tpu.memref_squeeze %dma_wait3A_71 : memref<1x40x50xi32, #tpu.memory_space<hbm>> -> memref<40x50xi32, #tpu.memory_space<hbm>>
          tpu.wait_dma2 semaphore(%run_scoped3A_56 : memref<!tpu.dma_semaphore, #tpu.memory_space<semaphore_mem>>) src(%dma_wait3A_72 : memref<40x50xi32, #tpu.memory_space<hbm>>) dst(%run_scoped3A : memref<40x50xi32, #tpu.memory_space<vmem>>)
          tpu.yield
        }) : () -> ()
        %mul3A_29 = arith.constant 5 : i32
        %mul3A_30 = arith.muli %add3A, %mul3A_29 : i32
        %add3A_31 = arith.addi %mul3A_30, %scan3A_25 : i32
        "tpu.region"() ({
          %run_scoped3A_56 = tpu.sem_alloc : memref<!tpu.dma_semaphore, #tpu.memory_space<semaphore_mem>>
          %dma_start3A_57 = arith.constant 0 : i32
          %dma_start3A_58 = arith.constant 0 : i32
          %dma_start3A_59 = tpu.memref_slice %arg4[%add3A_31, %dma_start3A_57, %dma_start3A_58] : memref<160x40x50xi32, #tpu.memory_space<hbm>> -> memref<1x40x50xi32, #tpu.memory_space<hbm>>
          %dma_start3A_60 = tpu.memref_squeeze %dma_start3A_59 : memref<1x40x50xi32, #tpu.memory_space<hbm>> -> memref<40x50xi32, #tpu.memory_space<hbm>>
          %dma_start3A_61 = arith.constant 0 : i32
          %dma_start3A_62 = arith.constant 0 : i32
          %dma_start3A_63 = tpu.memref_slice %arg4[%add3A_31, %dma_start3A_61, %dma_start3A_62] : memref<160x40x50xi32, #tpu.memory_space<hbm>> -> memref<1x40x50xi32, #tpu.memory_space<hbm>>
          %dma_start3A_64 = tpu.memref_squeeze %dma_start3A_63 : memref<1x40x50xi32, #tpu.memory_space<hbm>> -> memref<40x50xi32, #tpu.memory_space<hbm>>
          tpu.enqueue_dma source(%dma_start3A_64 : memref<40x50xi32, #tpu.memory_space<hbm>>) target(%run_scoped3A_7 : memref<40x50xi32, #tpu.memory_space<vmem>>) target_semaphore(%run_scoped3A_56 : memref<!tpu.dma_semaphore, #tpu.memory_space<semaphore_mem>>)
          %dma_wait3A_65 = arith.constant 0 : i32
          %dma_wait3A_66 = arith.constant 0 : i32
          %dma_wait3A_67 = tpu.memref_slice %arg4[%add3A_31, %dma_wait3A_65, %dma_wait3A_66] : memref<160x40x50xi32, #tpu.memory_space<hbm>> -> memref<1x40x50xi32, #tpu.memory_space<hbm>>
          %dma_wait3A_68 = tpu.memref_squeeze %dma_wait3A_67 : memref<1x40x50xi32, #tpu.memory_space<hbm>> -> memref<40x50xi32, #tpu.memory_space<hbm>>
          %dma_wait3A_69 = arith.constant 0 : i32
          %dma_wait3A_70 = arith.constant 0 : i32
          %dma_wait3A_71 = tpu.memref_slice %arg4[%add3A_31, %dma_wait3A_69, %dma_wait3A_70] : memref<160x40x50xi32, #tpu.memory_space<hbm>> -> memref<1x40x50xi32, #tpu.memory_space<hbm>>
          %dma_wait3A_72 = tpu.memref_squeeze %dma_wait3A_71 : memref<1x40x50xi32, #tpu.memory_space<hbm>> -> memref<40x50xi32, #tpu.memory_space<hbm>>
          tpu.wait_dma2 semaphore(%run_scoped3A_56 : memref<!tpu.dma_semaphore, #tpu.memory_space<semaphore_mem>>) src(%dma_wait3A_72 : memref<40x50xi32, #tpu.memory_space<hbm>>) dst(%run_scoped3A_7 : memref<40x50xi32, #tpu.memory_space<vmem>>)
          tpu.yield
        }) : () -> ()
        %dma_start3A = arith.constant 0 : i32
        %dma_start3A_32 = arith.constant 0 : i32
        %dma_start3A_33 = tpu.memref_slice %run_scoped3A[%dma_start3A, %dma_start3A_32] : memref<40x50xi32, #tpu.memory_space<vmem>> -> memref<1x50xi32, #tpu.memory_space<vmem>>
        %dma_start3A_34 = tpu.memref_squeeze %dma_start3A_33 : memref<1x50xi32, #tpu.memory_space<vmem>> -> memref<50xi32, #tpu.memory_space<vmem>>
        %dma_start3A_35 = arith.constant 0 : i32
        %dma_start3A_36 = arith.constant 0 : i32
        %dma_start3A_37 = tpu.memref_slice %arg2[%dma_start3A_35, %dma_start3A_36] : memref<10000x128xf32, #tpu.memory_space<hbm>> -> memref<10000x128xf32, #tpu.memory_space<hbm>>
        tpu.enqueue_indirect_dma source(%dma_start3A_37 : memref<10000x128xf32, #tpu.memory_space<hbm>>) target(%run_scoped3A_8 : memref<50x128xf32, #tpu.memory_space<vmem>>) offsets(%dma_start3A_34 : memref<50xi32, #tpu.memory_space<vmem>>) semaphore(%run_scoped3A_12 : memref<!tpu.dma_semaphore, #tpu.memory_space<semaphore_mem>>)
        %dma_start3A_38 = arith.constant 1 : i32
        %dma_start3A_39 = arith.constant 0 : i32
        %dma_start3A_40 = tpu.memref_slice %run_scoped3A[%dma_start3A_38, %dma_start3A_39] : memref<40x50xi32, #tpu.memory_space<vmem>> -> memref<1x50xi32, #tpu.memory_space<vmem>>
        %dma_start3A_41 = tpu.memref_squeeze %dma_start3A_40 : memref<1x50xi32, #tpu.memory_space<vmem>> -> memref<50xi32, #tpu.memory_space<vmem>>
        %dma_start3A_42 = arith.constant 0 : i32
        %dma_start3A_43 = arith.constant 0 : i32
        %dma_start3A_44 = tpu.memref_slice %arg2[%dma_start3A_42, %dma_start3A_43] : memref<10000x128xf32, #tpu.memory_space<hbm>> -> memref<10000x128xf32, #tpu.memory_space<hbm>>
        tpu.enqueue_indirect_dma source(%dma_start3A_44 : memref<10000x128xf32, #tpu.memory_space<hbm>>) target(%run_scoped3A_9 : memref<50x128xf32, #tpu.memory_space<vmem>>) offsets(%dma_start3A_41 : memref<50xi32, #tpu.memory_space<vmem>>) semaphore(%run_scoped3A_13 : memref<!tpu.dma_semaphore, #tpu.memory_space<semaphore_mem>>)
        %scan3A_45 = arith.constant 0 : i32
        %scan3A_46 = arith.constant 10 : i32
        %scan3A_47 = arith.addi %scan3A_45, %scan3A_46 : i32
        %scan3A_48 = arith.constant 1 : i32
        scf.for %scan3A_56 = %scan3A_45 to %scan3A_47 step %scan3A_48  : i32 {
          %mul3A_57 = arith.constant 4 : i32
          %mul3A_58 = arith.muli %mul3A_57, %scan3A_56 : i32
          %add3A_59 = arith.constant 0 : i32
          %add3A_60 = arith.addi %mul3A_58, %add3A_59 : i32
          %add3A_61 = arith.constant 2 : i32
          %add3A_62 = arith.addi %add3A_60, %add3A_61 : i32
          %lt3A = arith.constant 40 : i32
          %lt3A_63 = arith.cmpi slt, %add3A_62, %lt3A : i32
          %convert_element_type3A = arith.extui %lt3A_63 : i1 to i32
          %cond3A = arith.constant 0 : i32
          %cond3A_64 = arith.cmpi ne, %convert_element_type3A, %cond3A : i32
          scf.if %cond3A_64 {
            %add3A_159 = arith.constant 2 : i32
            %add3A_160 = arith.addi %add3A_60, %add3A_159 : i32
            %dma_start3A_161 = arith.constant 0 : i32
            %dma_start3A_162 = tpu.memref_slice %run_scoped3A[%add3A_160, %dma_start3A_161] : memref<40x50xi32, #tpu.memory_space<vmem>> -> memref<1x50xi32, #tpu.memory_space<vmem>>
            %dma_start3A_163 = tpu.memref_squeeze %dma_start3A_162 : memref<1x50xi32, #tpu.memory_space<vmem>> -> memref<50xi32, #tpu.memory_space<vmem>>
            %dma_start3A_164 = arith.constant 0 : i32
            %dma_start3A_165 = arith.constant 0 : i32
            %dma_start3A_166 = tpu.memref_slice %arg2[%dma_start3A_164, %dma_start3A_165] : memref<10000x128xf32, #tpu.memory_space<hbm>> -> memref<10000x128xf32, #tpu.memory_space<hbm>>
            tpu.enqueue_indirect_dma source(%dma_start3A_166 : memref<10000x128xf32, #tpu.memory_space<hbm>>) target(%run_scoped3A_10 : memref<50x128xf32, #tpu.memory_space<vmem>>) offsets(%dma_start3A_163 : memref<50xi32, #tpu.memory_space<vmem>>) semaphore(%run_scoped3A_14 : memref<!tpu.dma_semaphore, #tpu.memory_space<semaphore_mem>>)
          } else {
          }
          %dma_wait3A_65 = arith.constant 0 : i32
          %dma_wait3A_66 = tpu.memref_slice %run_scoped3A[%add3A_60, %dma_wait3A_65] : memref<40x50xi32, #tpu.memory_space<vmem>> -> memref<1x50xi32, #tpu.memory_space<vmem>>
          %dma_wait3A_67 = tpu.memref_squeeze %dma_wait3A_66 : memref<1x50xi32, #tpu.memory_space<vmem>> -> memref<50xi32, #tpu.memory_space<vmem>>
          %dma_wait3A_68 = arith.constant 0 : i32
          %dma_wait3A_69 = arith.constant 0 : i32
          %dma_wait3A_70 = tpu.memref_slice %arg2[%dma_wait3A_68, %dma_wait3A_69] : memref<10000x128xf32, #tpu.memory_space<hbm>> -> memref<10000x128xf32, #tpu.memory_space<hbm>>
          tpu.wait_indirect_dma semaphore(%run_scoped3A_12 : memref<!tpu.dma_semaphore, #tpu.memory_space<semaphore_mem>>) src(%dma_wait3A_70 : memref<10000x128xf32, #tpu.memory_space<hbm>>) dst(%run_scoped3A_8 : memref<50x128xf32, #tpu.memory_space<vmem>>)
          %ge3A = arith.constant 1 : i32
          %ge3A_71 = arith.cmpi sge, %add3A_60, %ge3A : i32
          %convert_element_type3A_72 = arith.extui %ge3A_71 : i1 to i32
          %cond3A_73 = arith.constant 0 : i32
          %cond3A_74 = arith.cmpi ne, %convert_element_type3A_72, %cond3A_73 : i32
          scf.if %cond3A_74 {
            %sub3A = arith.constant 1 : i32
            %sub3A_159 = arith.subi %add3A_60, %sub3A : i32
            %dma_wait3A_160 = arith.constant 0 : i32
            %dma_wait3A_161 = tpu.memref_slice %run_scoped3A_7[%sub3A_159, %dma_wait3A_160] : memref<40x50xi32, #tpu.memory_space<vmem>> -> memref<1x50xi32, #tpu.memory_space<vmem>>
            %dma_wait3A_162 = tpu.memref_squeeze %dma_wait3A_161 : memref<1x50xi32, #tpu.memory_space<vmem>> -> memref<50xi32, #tpu.memory_space<vmem>>
            %dma_wait3A_163 = arith.constant 0 : i32
            %dma_wait3A_164 = arith.constant 0 : i32
            %dma_wait3A_165 = tpu.memref_slice %arg7[%dma_wait3A_163, %dma_wait3A_164] : memref<10240x128xf32, #tpu.memory_space<vmem_shared>> -> memref<10240x128xf32, #tpu.memory_space<vmem_shared>>
            tpu.wait_indirect_dma semaphore(%run_scoped3A_19 : memref<!tpu.dma_semaphore, #tpu.memory_space<semaphore_mem>>) src(%run_scoped3A_11 : memref<50x128xf32, #tpu.memory_space<vmem>>) dst(%dma_wait3A_165 : memref<10240x128xf32, #tpu.memory_space<vmem_shared>>)
          } else {
          }
          %dma_start3A_75 = arith.constant 0 : i32
          %dma_start3A_76 = tpu.memref_slice %run_scoped3A_7[%add3A_60, %dma_start3A_75] : memref<40x50xi32, #tpu.memory_space<vmem>> -> memref<1x50xi32, #tpu.memory_space<vmem>>
          %dma_start3A_77 = tpu.memref_squeeze %dma_start3A_76 : memref<1x50xi32, #tpu.memory_space<vmem>> -> memref<50xi32, #tpu.memory_space<vmem>>
          %dma_start3A_78 = arith.constant 0 : i32
          %dma_start3A_79 = arith.constant 0 : i32
          %dma_start3A_80 = tpu.memref_slice %arg7[%dma_start3A_78, %dma_start3A_79] : memref<10240x128xf32, #tpu.memory_space<vmem_shared>> -> memref<10240x128xf32, #tpu.memory_space<vmem_shared>>
          tpu.enqueue_indirect_dma source(%run_scoped3A_8 : memref<50x128xf32, #tpu.memory_space<vmem>>) target(%dma_start3A_80 : memref<10240x128xf32, #tpu.memory_space<vmem_shared>>) offsets(%dma_start3A_77 : memref<50xi32, #tpu.memory_space<vmem>>) semaphore(%run_scoped3A_16 : memref<!tpu.dma_semaphore, #tpu.memory_space<semaphore_mem>>) {add = true}
          %add3A_81 = arith.constant 1 : i32
          %add3A_82 = arith.addi %mul3A_58, %add3A_81 : i32
          %add3A_83 = arith.constant 2 : i32
          %add3A_84 = arith.addi %add3A_82, %add3A_83 : i32
          %lt3A_85 = arith.constant 40 : i32
          %lt3A_86 = arith.cmpi slt, %add3A_84, %lt3A_85 : i32
          %convert_element_type3A_87 = arith.extui %lt3A_86 : i1 to i32
          %cond3A_88 = arith.constant 0 : i32
          %cond3A_89 = arith.cmpi ne, %convert_element_type3A_87, %cond3A_88 : i32
          scf.if %cond3A_89 {
            %add3A_159 = arith.constant 2 : i32
            %add3A_160 = arith.addi %add3A_82, %add3A_159 : i32
            %dma_start3A_161 = arith.constant 0 : i32
            %dma_start3A_162 = tpu.memref_slice %run_scoped3A[%add3A_160, %dma_start3A_161] : memref<40x50xi32, #tpu.memory_space<vmem>> -> memref<1x50xi32, #tpu.memory_space<vmem>>
            %dma_start3A_163 = tpu.memref_squeeze %dma_start3A_162 : memref<1x50xi32, #tpu.memory_space<vmem>> -> memref<50xi32, #tpu.memory_space<vmem>>
            %dma_start3A_164 = arith.constant 0 : i32
            %dma_start3A_165 = arith.constant 0 : i32
            %dma_start3A_166 = tpu.memref_slice %arg2[%dma_start3A_164, %dma_start3A_165] : memref<10000x128xf32, #tpu.memory_space<hbm>> -> memref<10000x128xf32, #tpu.memory_space<hbm>>
            tpu.enqueue_indirect_dma source(%dma_start3A_166 : memref<10000x128xf32, #tpu.memory_space<hbm>>) target(%run_scoped3A_11 : memref<50x128xf32, #tpu.memory_space<vmem>>) offsets(%dma_start3A_163 : memref<50xi32, #tpu.memory_space<vmem>>) semaphore(%run_scoped3A_15 : memref<!tpu.dma_semaphore, #tpu.memory_space<semaphore_mem>>)
          } else {
          }
          %dma_wait3A_90 = arith.constant 0 : i32
          %dma_wait3A_91 = tpu.memref_slice %run_scoped3A[%add3A_82, %dma_wait3A_90] : memref<40x50xi32, #tpu.memory_space<vmem>> -> memref<1x50xi32, #tpu.memory_space<vmem>>
          %dma_wait3A_92 = tpu.memref_squeeze %dma_wait3A_91 : memref<1x50xi32, #tpu.memory_space<vmem>> -> memref<50xi32, #tpu.memory_space<vmem>>
          %dma_wait3A_93 = arith.constant 0 : i32
          %dma_wait3A_94 = arith.constant 0 : i32
          %dma_wait3A_95 = tpu.memref_slice %arg2[%dma_wait3A_93, %dma_wait3A_94] : memref<10000x128xf32, #tpu.memory_space<hbm>> -> memref<10000x128xf32, #tpu.memory_space<hbm>>
          tpu.wait_indirect_dma semaphore(%run_scoped3A_13 : memref<!tpu.dma_semaphore, #tpu.memory_space<semaphore_mem>>) src(%dma_wait3A_95 : memref<10000x128xf32, #tpu.memory_space<hbm>>) dst(%run_scoped3A_9 : memref<50x128xf32, #tpu.memory_space<vmem>>)
          %ge3A_96 = arith.constant 1 : i32
          %ge3A_97 = arith.cmpi sge, %add3A_82, %ge3A_96 : i32
          %convert_element_type3A_98 = arith.extui %ge3A_97 : i1 to i32
          %cond3A_99 = arith.constant 0 : i32
          %cond3A_100 = arith.cmpi ne, %convert_element_type3A_98, %cond3A_99 : i32
          scf.if %cond3A_100 {
            %sub3A = arith.constant 1 : i32
            %sub3A_159 = arith.subi %add3A_82, %sub3A : i32
            %dma_wait3A_160 = arith.constant 0 : i32
            %dma_wait3A_161 = tpu.memref_slice %run_scoped3A_7[%sub3A_159, %dma_wait3A_160] : memref<40x50xi32, #tpu.memory_space<vmem>> -> memref<1x50xi32, #tpu.memory_space<vmem>>
            %dma_wait3A_162 = tpu.memref_squeeze %dma_wait3A_161 : memref<1x50xi32, #tpu.memory_space<vmem>> -> memref<50xi32, #tpu.memory_space<vmem>>
            %dma_wait3A_163 = arith.constant 0 : i32
            %dma_wait3A_164 = arith.constant 0 : i32
            %dma_wait3A_165 = tpu.memref_slice %arg7[%dma_wait3A_163, %dma_wait3A_164] : memref<10240x128xf32, #tpu.memory_space<vmem_shared>> -> memref<10240x128xf32, #tpu.memory_space<vmem_shared>>
            tpu.wait_indirect_dma semaphore(%run_scoped3A_16 : memref<!tpu.dma_semaphore, #tpu.memory_space<semaphore_mem>>) src(%run_scoped3A_8 : memref<50x128xf32, #tpu.memory_space<vmem>>) dst(%dma_wait3A_165 : memref<10240x128xf32, #tpu.memory_space<vmem_shared>>)
          } else {
          }
          %dma_start3A_101 = arith.constant 0 : i32
          %dma_start3A_102 = tpu.memref_slice %run_scoped3A_7[%add3A_82, %dma_start3A_101] : memref<40x50xi32, #tpu.memory_space<vmem>> -> memref<1x50xi32, #tpu.memory_space<vmem>>
          %dma_start3A_103 = tpu.memref_squeeze %dma_start3A_102 : memref<1x50xi32, #tpu.memory_space<vmem>> -> memref<50xi32, #tpu.memory_space<vmem>>
          %dma_start3A_104 = arith.constant 0 : i32
          %dma_start3A_105 = arith.constant 0 : i32
          %dma_start3A_106 = tpu.memref_slice %arg7[%dma_start3A_104, %dma_start3A_105] : memref<10240x128xf32, #tpu.memory_space<vmem_shared>> -> memref<10240x128xf32, #tpu.memory_space<vmem_shared>>
          tpu.enqueue_indirect_dma source(%run_scoped3A_9 : memref<50x128xf32, #tpu.memory_space<vmem>>) target(%dma_start3A_106 : memref<10240x128xf32, #tpu.memory_space<vmem_shared>>) offsets(%dma_start3A_103 : memref<50xi32, #tpu.memory_space<vmem>>) semaphore(%run_scoped3A_17 : memref<!tpu.dma_semaphore, #tpu.memory_space<semaphore_mem>>) {add = true}
          %add3A_107 = arith.constant 2 : i32
          %add3A_108 = arith.addi %mul3A_58, %add3A_107 : i32
          %add3A_109 = arith.constant 2 : i32
          %add3A_110 = arith.addi %add3A_108, %add3A_109 : i32
          %lt3A_111 = arith.constant 40 : i32
          %lt3A_112 = arith.cmpi slt, %add3A_110, %lt3A_111 : i32
          %convert_element_type3A_113 = arith.extui %lt3A_112 : i1 to i32
          %cond3A_114 = arith.constant 0 : i32
          %cond3A_115 = arith.cmpi ne, %convert_element_type3A_113, %cond3A_114 : i32
          scf.if %cond3A_115 {
            %add3A_159 = arith.constant 2 : i32
            %add3A_160 = arith.addi %add3A_108, %add3A_159 : i32
            %dma_start3A_161 = arith.constant 0 : i32
            %dma_start3A_162 = tpu.memref_slice %run_scoped3A[%add3A_160, %dma_start3A_161] : memref<40x50xi32, #tpu.memory_space<vmem>> -> memref<1x50xi32, #tpu.memory_space<vmem>>
            %dma_start3A_163 = tpu.memref_squeeze %dma_start3A_162 : memref<1x50xi32, #tpu.memory_space<vmem>> -> memref<50xi32, #tpu.memory_space<vmem>>
            %dma_start3A_164 = arith.constant 0 : i32
            %dma_start3A_165 = arith.constant 0 : i32
            %dma_start3A_166 = tpu.memref_slice %arg2[%dma_start3A_164, %dma_start3A_165] : memref<10000x128xf32, #tpu.memory_space<hbm>> -> memref<10000x128xf32, #tpu.memory_space<hbm>>
            tpu.enqueue_indirect_dma source(%dma_start3A_166 : memref<10000x128xf32, #tpu.memory_space<hbm>>) target(%run_scoped3A_8 : memref<50x128xf32, #tpu.memory_space<vmem>>) offsets(%dma_start3A_163 : memref<50xi32, #tpu.memory_space<vmem>>) semaphore(%run_scoped3A_12 : memref<!tpu.dma_semaphore, #tpu.memory_space<semaphore_mem>>)
          } else {
          }
          %dma_wait3A_116 = arith.constant 0 : i32
          %dma_wait3A_117 = tpu.memref_slice %run_scoped3A[%add3A_108, %dma_wait3A_116] : memref<40x50xi32, #tpu.memory_space<vmem>> -> memref<1x50xi32, #tpu.memory_space<vmem>>
          %dma_wait3A_118 = tpu.memref_squeeze %dma_wait3A_117 : memref<1x50xi32, #tpu.memory_space<vmem>> -> memref<50xi32, #tpu.memory_space<vmem>>
          %dma_wait3A_119 = arith.constant 0 : i32
          %dma_wait3A_120 = arith.constant 0 : i32
          %dma_wait3A_121 = tpu.memref_slice %arg2[%dma_wait3A_119, %dma_wait3A_120] : memref<10000x128xf32, #tpu.memory_space<hbm>> -> memref<10000x128xf32, #tpu.memory_space<hbm>>
          tpu.wait_indirect_dma semaphore(%run_scoped3A_14 : memref<!tpu.dma_semaphore, #tpu.memory_space<semaphore_mem>>) src(%dma_wait3A_121 : memref<10000x128xf32, #tpu.memory_space<hbm>>) dst(%run_scoped3A_10 : memref<50x128xf32, #tpu.memory_space<vmem>>)
          %ge3A_122 = arith.constant 1 : i32
          %ge3A_123 = arith.cmpi sge, %add3A_108, %ge3A_122 : i32
          %convert_element_type3A_124 = arith.extui %ge3A_123 : i1 to i32
          %cond3A_125 = arith.constant 0 : i32
          %cond3A_126 = arith.cmpi ne, %convert_element_type3A_124, %cond3A_125 : i32
          scf.if %cond3A_126 {
            %sub3A = arith.constant 1 : i32
            %sub3A_159 = arith.subi %add3A_108, %sub3A : i32
            %dma_wait3A_160 = arith.constant 0 : i32
            %dma_wait3A_161 = tpu.memref_slice %run_scoped3A_7[%sub3A_159, %dma_wait3A_160] : memref<40x50xi32, #tpu.memory_space<vmem>> -> memref<1x50xi32, #tpu.memory_space<vmem>>
            %dma_wait3A_162 = tpu.memref_squeeze %dma_wait3A_161 : memref<1x50xi32, #tpu.memory_space<vmem>> -> memref<50xi32, #tpu.memory_space<vmem>>
            %dma_wait3A_163 = arith.constant 0 : i32
            %dma_wait3A_164 = arith.constant 0 : i32
            %dma_wait3A_165 = tpu.memref_slice %arg7[%dma_wait3A_163, %dma_wait3A_164] : memref<10240x128xf32, #tpu.memory_space<vmem_shared>> -> memref<10240x128xf32, #tpu.memory_space<vmem_shared>>
            tpu.wait_indirect_dma semaphore(%run_scoped3A_17 : memref<!tpu.dma_semaphore, #tpu.memory_space<semaphore_mem>>) src(%run_scoped3A_9 : memref<50x128xf32, #tpu.memory_space<vmem>>) dst(%dma_wait3A_165 : memref<10240x128xf32, #tpu.memory_space<vmem_shared>>)
          } else {
          }
          %dma_start3A_127 = arith.constant 0 : i32
          %dma_start3A_128 = tpu.memref_slice %run_scoped3A_7[%add3A_108, %dma_start3A_127] : memref<40x50xi32, #tpu.memory_space<vmem>> -> memref<1x50xi32, #tpu.memory_space<vmem>>
          %dma_start3A_129 = tpu.memref_squeeze %dma_start3A_128 : memref<1x50xi32, #tpu.memory_space<vmem>> -> memref<50xi32, #tpu.memory_space<vmem>>
          %dma_start3A_130 = arith.constant 0 : i32
          %dma_start3A_131 = arith.constant 0 : i32
          %dma_start3A_132 = tpu.memref_slice %arg7[%dma_start3A_130, %dma_start3A_131] : memref<10240x128xf32, #tpu.memory_space<vmem_shared>> -> memref<10240x128xf32, #tpu.memory_space<vmem_shared>>
          tpu.enqueue_indirect_dma source(%run_scoped3A_10 : memref<50x128xf32, #tpu.memory_space<vmem>>) target(%dma_start3A_132 : memref<10240x128xf32, #tpu.memory_space<vmem_shared>>) offsets(%dma_start3A_129 : memref<50xi32, #tpu.memory_space<vmem>>) semaphore(%run_scoped3A_18 : memref<!tpu.dma_semaphore, #tpu.memory_space<semaphore_mem>>) {add = true}
          %add3A_133 = arith.constant 3 : i32
          %add3A_134 = arith.addi %mul3A_58, %add3A_133 : i32
          %add3A_135 = arith.constant 2 : i32
          %add3A_136 = arith.addi %add3A_134, %add3A_135 : i32
          %lt3A_137 = arith.constant 40 : i32
          %lt3A_138 = arith.cmpi slt, %add3A_136, %lt3A_137 : i32
          %convert_element_type3A_139 = arith.extui %lt3A_138 : i1 to i32
          %cond3A_140 = arith.constant 0 : i32
          %cond3A_141 = arith.cmpi ne, %convert_element_type3A_139, %cond3A_140 : i32
          scf.if %cond3A_141 {
            %add3A_159 = arith.constant 2 : i32
            %add3A_160 = arith.addi %add3A_134, %add3A_159 : i32
            %dma_start3A_161 = arith.constant 0 : i32
            %dma_start3A_162 = tpu.memref_slice %run_scoped3A[%add3A_160, %dma_start3A_161] : memref<40x50xi32, #tpu.memory_space<vmem>> -> memref<1x50xi32, #tpu.memory_space<vmem>>
            %dma_start3A_163 = tpu.memref_squeeze %dma_start3A_162 : memref<1x50xi32, #tpu.memory_space<vmem>> -> memref<50xi32, #tpu.memory_space<vmem>>
            %dma_start3A_164 = arith.constant 0 : i32
            %dma_start3A_165 = arith.constant 0 : i32
            %dma_start3A_166 = tpu.memref_slice %arg2[%dma_start3A_164, %dma_start3A_165] : memref<10000x128xf32, #tpu.memory_space<hbm>> -> memref<10000x128xf32, #tpu.memory_space<hbm>>
            tpu.enqueue_indirect_dma source(%dma_start3A_166 : memref<10000x128xf32, #tpu.memory_space<hbm>>) target(%run_scoped3A_9 : memref<50x128xf32, #tpu.memory_space<vmem>>) offsets(%dma_start3A_163 : memref<50xi32, #tpu.memory_space<vmem>>) semaphore(%run_scoped3A_13 : memref<!tpu.dma_semaphore, #tpu.memory_space<semaphore_mem>>)
          } else {
          }
          %dma_wait3A_142 = arith.constant 0 : i32
          %dma_wait3A_143 = tpu.memref_slice %run_scoped3A[%add3A_134, %dma_wait3A_142] : memref<40x50xi32, #tpu.memory_space<vmem>> -> memref<1x50xi32, #tpu.memory_space<vmem>>
          %dma_wait3A_144 = tpu.memref_squeeze %dma_wait3A_143 : memref<1x50xi32, #tpu.memory_space<vmem>> -> memref<50xi32, #tpu.memory_space<vmem>>
          %dma_wait3A_145 = arith.constant 0 : i32
          %dma_wait3A_146 = arith.constant 0 : i32
          %dma_wait3A_147 = tpu.memref_slice %arg2[%dma_wait3A_145, %dma_wait3A_146] : memref<10000x128xf32, #tpu.memory_space<hbm>> -> memref<10000x128xf32, #tpu.memory_space<hbm>>
          tpu.wait_indirect_dma semaphore(%run_scoped3A_15 : memref<!tpu.dma_semaphore, #tpu.memory_space<semaphore_mem>>) src(%dma_wait3A_147 : memref<10000x128xf32, #tpu.memory_space<hbm>>) dst(%run_scoped3A_11 : memref<50x128xf32, #tpu.memory_space<vmem>>)
          %ge3A_148 = arith.constant 1 : i32
          %ge3A_149 = arith.cmpi sge, %add3A_134, %ge3A_148 : i32
          %convert_element_type3A_150 = arith.extui %ge3A_149 : i1 to i32
          %cond3A_151 = arith.constant 0 : i32
          %cond3A_152 = arith.cmpi ne, %convert_element_type3A_150, %cond3A_151 : i32
          scf.if %cond3A_152 {
            %sub3A = arith.constant 1 : i32
            %sub3A_159 = arith.subi %add3A_134, %sub3A : i32
            %dma_wait3A_160 = arith.constant 0 : i32
            %dma_wait3A_161 = tpu.memref_slice %run_scoped3A_7[%sub3A_159, %dma_wait3A_160] : memref<40x50xi32, #tpu.memory_space<vmem>> -> memref<1x50xi32, #tpu.memory_space<vmem>>
            %dma_wait3A_162 = tpu.memref_squeeze %dma_wait3A_161 : memref<1x50xi32, #tpu.memory_space<vmem>> -> memref<50xi32, #tpu.memory_space<vmem>>
            %dma_wait3A_163 = arith.constant 0 : i32
            %dma_wait3A_164 = arith.constant 0 : i32
            %dma_wait3A_165 = tpu.memref_slice %arg7[%dma_wait3A_163, %dma_wait3A_164] : memref<10240x128xf32, #tpu.memory_space<vmem_shared>> -> memref<10240x128xf32, #tpu.memory_space<vmem_shared>>
            tpu.wait_indirect_dma semaphore(%run_scoped3A_18 : memref<!tpu.dma_semaphore, #tpu.memory_space<semaphore_mem>>) src(%run_scoped3A_10 : memref<50x128xf32, #tpu.memory_space<vmem>>) dst(%dma_wait3A_165 : memref<10240x128xf32, #tpu.memory_space<vmem_shared>>)
          } else {
          }
          %dma_start3A_153 = arith.constant 0 : i32
          %dma_start3A_154 = tpu.memref_slice %run_scoped3A_7[%add3A_134, %dma_start3A_153] : memref<40x50xi32, #tpu.memory_space<vmem>> -> memref<1x50xi32, #tpu.memory_space<vmem>>
          %dma_start3A_155 = tpu.memref_squeeze %dma_start3A_154 : memref<1x50xi32, #tpu.memory_space<vmem>> -> memref<50xi32, #tpu.memory_space<vmem>>
          %dma_start3A_156 = arith.constant 0 : i32
          %dma_start3A_157 = arith.constant 0 : i32
          %dma_start3A_158 = tpu.memref_slice %arg7[%dma_start3A_156, %dma_start3A_157] : memref<10240x128xf32, #tpu.memory_space<vmem_shared>> -> memref<10240x128xf32, #tpu.memory_space<vmem_shared>>
          tpu.enqueue_indirect_dma source(%run_scoped3A_11 : memref<50x128xf32, #tpu.memory_space<vmem>>) target(%dma_start3A_158 : memref<10240x128xf32, #tpu.memory_space<vmem_shared>>) offsets(%dma_start3A_155 : memref<50xi32, #tpu.memory_space<vmem>>) semaphore(%run_scoped3A_19 : memref<!tpu.dma_semaphore, #tpu.memory_space<semaphore_mem>>) {add = true}
        }
        %scan3A_49 = arith.constant 10 : i32
        %dma_wait3A = arith.constant 39 : i32
        %dma_wait3A_50 = arith.constant 0 : i32
        %dma_wait3A_51 = tpu.memref_slice %run_scoped3A_7[%dma_wait3A, %dma_wait3A_50] : memref<40x50xi32, #tpu.memory_space<vmem>> -> memref<1x50xi32, #tpu.memory_space<vmem>>
        %dma_wait3A_52 = tpu.memref_squeeze %dma_wait3A_51 : memref<1x50xi32, #tpu.memory_space<vmem>> -> memref<50xi32, #tpu.memory_space<vmem>>
        %dma_wait3A_53 = arith.constant 0 : i32
        %dma_wait3A_54 = arith.constant 0 : i32
        %dma_wait3A_55 = tpu.memref_slice %arg7[%dma_wait3A_53, %dma_wait3A_54] : memref<10240x128xf32, #tpu.memory_space<vmem_shared>> -> memref<10240x128xf32, #tpu.memory_space<vmem_shared>>
        tpu.wait_indirect_dma semaphore(%run_scoped3A_19 : memref<!tpu.dma_semaphore, #tpu.memory_space<semaphore_mem>>) src(%run_scoped3A_11 : memref<50x128xf32, #tpu.memory_space<vmem>>) dst(%dma_wait3A_55 : memref<10240x128xf32, #tpu.memory_space<vmem_shared>>)
      }
      %scan3A_24 = arith.constant 5 : i32
      tpu.yield
    }) : () -> ()
    %barrier3A = arith.constant 0 : index
    tpu.barrier barrier_id(%barrier3A)
    %mul3A_3 = arith.constant 640 : i32
    %mul3A_4 = arith.muli %arg1, %mul3A_3 : i32
    %mul3A_5 = arith.constant 640 : i32
    %mul3A_6 = arith.muli %arg1, %mul3A_5 : i32
    "tpu.region"() ({
      %run_scoped3A = tpu.sem_alloc : memref<!tpu.dma_semaphore, #tpu.memory_space<semaphore_mem>>
      %dma_start3A = arith.constant 0 : i32
      %dma_start3A_7 = tpu.memref_slice %arg6[%arg0, %mul3A_6, %dma_start3A] : memref<2x10240x128xf32, #tpu.memory_space<hbm>> -> memref<1x640x128xf32, #tpu.memory_space<hbm>>
      %dma_start3A_8 = tpu.memref_squeeze %dma_start3A_7 : memref<1x640x128xf32, #tpu.memory_space<hbm>> -> memref<640x128xf32, #tpu.memory_space<hbm>>
      %dma_start3A_9 = arith.constant 0 : i32
      %dma_start3A_10 = tpu.memref_slice %arg7[%mul3A_4, %dma_start3A_9] : memref<10240x128xf32, #tpu.memory_space<vmem_shared>> -> memref<640x128xf32, #tpu.memory_space<vmem_shared>>
      tpu.enqueue_dma source(%dma_start3A_10 : memref<640x128xf32, #tpu.memory_space<vmem_shared>>) target(%dma_start3A_8 : memref<640x128xf32, #tpu.memory_space<hbm>>) target_semaphore(%run_scoped3A : memref<!tpu.dma_semaphore, #tpu.memory_space<semaphore_mem>>)
      %dma_wait3A = arith.constant 0 : i32
      %dma_wait3A_11 = tpu.memref_slice %arg6[%arg0, %mul3A_6, %dma_wait3A] : memref<2x10240x128xf32, #tpu.memory_space<hbm>> -> memref<1x640x128xf32, #tpu.memory_space<hbm>>
      %dma_wait3A_12 = tpu.memref_squeeze %dma_wait3A_11 : memref<1x640x128xf32, #tpu.memory_space<hbm>> -> memref<640x128xf32, #tpu.memory_space<hbm>>
      %dma_wait3A_13 = arith.constant 0 : i32
      %dma_wait3A_14 = tpu.memref_slice %arg7[%mul3A_4, %dma_wait3A_13] : memref<10240x128xf32, #tpu.memory_space<vmem_shared>> -> memref<640x128xf32, #tpu.memory_space<vmem_shared>>
      tpu.wait_dma2 semaphore(%run_scoped3A : memref<!tpu.dma_semaphore, #tpu.memory_space<semaphore_mem>>) src(%dma_wait3A_14 : memref<640x128xf32, #tpu.memory_space<vmem_shared>>) dst(%dma_wait3A_12 : memref<640x128xf32, #tpu.memory_space<hbm>>)
      tpu.yield
    }) : () -> ()
    return
  }
}

module attributes {stable_mosaic.version = 14 : i64} {
  func.func @_k0_body(%arg0: i32, %arg1: memref<1x1x1024xf32, #tpu.memory_space<vmem>>, %arg2: memref<1x1x1024xf32, #tpu.memory_space<vmem>>, %arg3: memref<1x1x1024xf32, #tpu.memory_space<vmem>>, %arg4: memref<1x1x1024xf32, #tpu.memory_space<vmem>>, %arg5: memref<1024x1xf32, #tpu.memory_space<vmem>>, %arg6: memref<1024x1xf32, #tpu.memory_space<vmem>>) attributes {dimension_semantics = [#tpu.dimension_semantics<arbitrary>], iteration_bounds = array<i64: 16>, scalar_prefetch = 0 : i64, scratch_operands = 0 : i64, tpu.core_type = #tpu.core_type<tc>, window_params = [{transform_indices = @transform_0, window_bounds = array<i64: 1, 1, 1024>}, {transform_indices = @transform_1, window_bounds = array<i64: 1, 1, 1024>}, {transform_indices = @transform_2, window_bounds = array<i64: 1, 1, 1024>}, {transform_indices = @transform_3, window_bounds = array<i64: 1, 1, 1024>}, {transform_indices = @transform_4, window_bounds = array<i64: 1024, 1>}, {transform_indices = @transform_5, window_bounds = array<i64: 1024, 1>}]} {
    %get3A = arith.constant 0 : index
    %get3A_0 = arith.constant 0 : index
    %get3A_1 = arith.constant 0 : index
    %get3A_2 = vector.load %arg1[%get3A, %get3A_0, %get3A_1] : memref<1x1x1024xf32, #tpu.memory_space<vmem>>, vector<1x1x1024xf32>
    %get3A_3 = vector.shape_cast %get3A_2 : vector<1x1x1024xf32> to vector<1x1024xf32>
    %get3A_4 = arith.constant 0 : index
    %get3A_5 = arith.constant 0 : index
    %get3A_6 = arith.constant 0 : index
    %get3A_7 = vector.load %arg2[%get3A_4, %get3A_5, %get3A_6] : memref<1x1x1024xf32, #tpu.memory_space<vmem>>, vector<1x1x1024xf32>
    %get3A_8 = vector.shape_cast %get3A_7 : vector<1x1x1024xf32> to vector<1x1024xf32>
    %add3A = arith.addf %get3A_3, %get3A_8 : vector<1x1024xf32>
    %get3A_9 = arith.constant 0 : index
    %get3A_10 = arith.constant 0 : index
    %get3A_11 = arith.constant 0 : index
    %get3A_12 = vector.load %arg3[%get3A_9, %get3A_10, %get3A_11] : memref<1x1x1024xf32, #tpu.memory_space<vmem>>, vector<1x1x1024xf32>
    %get3A_13 = vector.shape_cast %get3A_12 : vector<1x1x1024xf32> to vector<1x1024xf32>
    %get3A_14 = arith.constant 0 : index
    %get3A_15 = arith.constant 0 : index
    %get3A_16 = arith.constant 0 : index
    %get3A_17 = vector.load %arg4[%get3A_14, %get3A_15, %get3A_16] : memref<1x1x1024xf32, #tpu.memory_space<vmem>>, vector<1x1x1024xf32>
    %get3A_18 = vector.shape_cast %get3A_17 : vector<1x1x1024xf32> to vector<1x1024xf32>
    %add3A_19 = arith.addf %get3A_13, %get3A_18 : vector<1x1024xf32>
    %max3A = arith.constant 1.000000e+00 : f32
    %max3A_20 = vector.broadcast %max3A : f32 to vector<1x1024xf32>
    %max3A_21 = arith.maximumf %add3A, %max3A_20 : vector<1x1024xf32>
    %rsqrt3A = math.rsqrt %max3A_21 : vector<1x1024xf32>
    %transpose3A = tpu.transpose %rsqrt3A, [1, 0] : vector<1x1024xf32> -> vector<1024x1xf32>
    %swap3A = arith.constant 0 : index
    %swap3A_22 = arith.constant 0 : index
    %swap3A_23 = vector.load %arg5[%swap3A, %swap3A_22] : memref<1024x1xf32, #tpu.memory_space<vmem>>, vector<1024x1xf32>
    tpu.vector_store %arg5[%swap3A, %swap3A_22], %transpose3A {strides = array<i32>} : memref<1024x1xf32, #tpu.memory_space<vmem>>, vector<1024x1xf32>,
    %max3A_24 = arith.constant 1.000000e+00 : f32
    %max3A_25 = vector.broadcast %max3A_24 : f32 to vector<1x1024xf32>
    %max3A_26 = arith.maximumf %add3A_19, %max3A_25 : vector<1x1024xf32>
    %rsqrt3A_27 = math.rsqrt %max3A_26 : vector<1x1024xf32>
    %transpose3A_28 = tpu.transpose %rsqrt3A_27, [1, 0] : vector<1x1024xf32> -> vector<1024x1xf32>
    %swap3A_29 = arith.constant 0 : index
    %swap3A_30 = arith.constant 0 : index
    %swap3A_31 = vector.load %arg6[%swap3A_29, %swap3A_30] : memref<1024x1xf32, #tpu.memory_space<vmem>>, vector<1024x1xf32>
    tpu.vector_store %arg6[%swap3A_29, %swap3A_30], %transpose3A_28 {strides = array<i32>} : memref<1024x1xf32, #tpu.memory_space<vmem>>, vector<1024x1xf32>,
    return
  }
  func.func @transform_0(%arg0: i32) -> (i32, i32, i32) {
    %c0_i32 = arith.constant 0 : i32
    %c0_i32_0 = arith.constant 0 : i32
    %c0_i32_1 = arith.constant 0 : i32
    return %c0_i32, %c0_i32_0, %arg0 : i32, i32, i32
  }
  func.func @transform_1(%arg0: i32) -> (i32, i32, i32) {
    %c1_i32 = arith.constant 1 : i32
    %c0_i32 = arith.constant 0 : i32
    %c0_i32_0 = arith.constant 0 : i32
    return %c1_i32, %c0_i32, %arg0 : i32, i32, i32
  }
  func.func @transform_2(%arg0: i32) -> (i32, i32, i32) {
    %c0_i32 = arith.constant 0 : i32
    %c0_i32_0 = arith.constant 0 : i32
    %c0_i32_1 = arith.constant 0 : i32
    return %c0_i32, %c0_i32_0, %arg0 : i32, i32, i32
  }
  func.func @transform_3(%arg0: i32) -> (i32, i32, i32) {
    %c1_i32 = arith.constant 1 : i32
    %c0_i32 = arith.constant 0 : i32
    %c0_i32_0 = arith.constant 0 : i32
    return %c1_i32, %c0_i32, %arg0 : i32, i32, i32
  }
  func.func @transform_4(%arg0: i32) -> (i32, i32) {
    %c0_i32 = arith.constant 0 : i32
    %c0_i32_0 = arith.constant 0 : i32
    return %arg0, %c0_i32 : i32, i32
  }
  func.func @transform_5(%arg0: i32) -> (i32, i32) {
    %c0_i32 = arith.constant 0 : i32
    %c0_i32_0 = arith.constant 0 : i32
    return %arg0, %c0_i32 : i32, i32
  }
}

module attributes {stable_mosaic.version = 14 : i64} {
  func.func @_k1_body(%arg0: i32, %arg1: memref<1000x128xf32, #tpu.memory_space<vmem>>, %arg2: memref<128x128xf32, #tpu.memory_space<vmem>>, %arg3: memref<1000x1xf32, #tpu.memory_space<vmem>>, %arg4: memref<1000x128xf32, #tpu.memory_space<vmem>>) attributes {dimension_semantics = [#tpu.dimension_semantics<arbitrary>], iteration_bounds = array<i64: 10>, scalar_prefetch = 0 : i64, scratch_operands = 0 : i64, tpu.core_type = #tpu.core_type<tc>, window_params = [{transform_indices = @transform_0, window_bounds = array<i64: 1000, 128>}, {pipeline_mode = #tpu.pipeline_mode<synchronous>, transform_indices = @transform_1, window_bounds = array<i64: 128, 128>}, {transform_indices = @transform_2, window_bounds = array<i64: 1000, 1>}, {transform_indices = @transform_3, window_bounds = array<i64: 1000, 128>}]} {
    %get3A = arith.constant 0 : index
    %get3A_0 = arith.constant 0 : index
    %get3A_1 = vector.load %arg1[%get3A, %get3A_0] : memref<1000x128xf32, #tpu.memory_space<vmem>>, vector<1000x128xf32>
    %get3A_2 = arith.constant 0 : index
    %get3A_3 = arith.constant 0 : index
    %get3A_4 = vector.load %arg2[%get3A_2, %get3A_3] : memref<128x128xf32, #tpu.memory_space<vmem>>, vector<128x128xf32>
    %dot_general3A = arith.constant dense<0.000000e+00> : vector<1000x128xf32>
    %dot_general3A_5 = tpu.matmul %get3A_1, %get3A_4, %dot_general3A {dimension_numbers = #tpu.dot_dimension_numbers<[1], [0], [0], [1], [0, 0, 1, 1], [], []>, precision = #tpu.contract_precision<fp32>, transpose_lhs_hint = false} : vector<1000x128xf32>, vector<128x128xf32>, vector<1000x128xf32> -> vector<1000x128xf32>
    %get3A_6 = arith.constant 0 : index
    %get3A_7 = arith.constant 0 : index
    %get3A_8 = vector.load %arg3[%get3A_6, %get3A_7] : memref<1000x1xf32, #tpu.memory_space<vmem>>, vector<1000x1xf32>
    %mul3A = vector.broadcast %get3A_8 : vector<1000x1xf32> to vector<1000x128xf32>
    %mul3A_9 = arith.mulf %dot_general3A_5, %mul3A : vector<1000x128xf32>
    %swap3A = arith.constant 0 : index
    %swap3A_10 = arith.constant 0 : index
    %swap3A_11 = vector.load %arg4[%swap3A, %swap3A_10] : memref<1000x128xf32, #tpu.memory_space<vmem>>, vector<1000x128xf32>
    tpu.vector_store %arg4[%swap3A, %swap3A_10], %mul3A_9 {strides = array<i32>} : memref<1000x128xf32, #tpu.memory_space<vmem>>, vector<1000x128xf32>,
    return
  }
  func.func @transform_0(%arg0: i32) -> (i32, i32) {
    %c0_i32 = arith.constant 0 : i32
    %c0_i32_0 = arith.constant 0 : i32
    return %arg0, %c0_i32 : i32, i32
  }
  func.func @transform_1(%arg0: i32) -> (i32, i32) {
    %c0_i32 = arith.constant 0 : i32
    %c0_i32_0 = arith.constant 0 : i32
    %c0_i32_1 = arith.constant 0 : i32
    return %c0_i32, %c0_i32_0 : i32, i32
  }
  func.func @transform_2(%arg0: i32) -> (i32, i32) {
    %c0_i32 = arith.constant 0 : i32
    %c0_i32_0 = arith.constant 0 : i32
    return %arg0, %c0_i32 : i32, i32
  }
  func.func @transform_3(%arg0: i32) -> (i32, i32) {
    %c0_i32 = arith.constant 0 : i32
    %c0_i32_0 = arith.constant 0 : i32
    return %arg0, %c0_i32 : i32, i32
  }
}

module attributes {stable_mosaic.version = 14 : i64} {
  func.func @_k2_body(%arg0: i32, %arg1: memref<1x1000x128xf32, #tpu.memory_space<vmem>>, %arg2: memref<1x1000x128xf32, #tpu.memory_space<vmem>>, %arg3: memref<1000x1xf32, #tpu.memory_space<vmem>>, %arg4: memref<1x128xf32, #tpu.memory_space<vmem>>, %arg5: memref<128x128xf32, #tpu.memory_space<vmem>>, %arg6: memref<1000x1xf32, #tpu.memory_space<vmem>>, %arg7: memref<1000x128xf32, #tpu.memory_space<vmem>>) attributes {dimension_semantics = [#tpu.dimension_semantics<arbitrary>], iteration_bounds = array<i64: 10>, scalar_prefetch = 0 : i64, scratch_operands = 0 : i64, tpu.core_type = #tpu.core_type<tc>, window_params = [{transform_indices = @transform_0, window_bounds = array<i64: 1, 1000, 128>}, {transform_indices = @transform_1, window_bounds = array<i64: 1, 1000, 128>}, {transform_indices = @transform_2, window_bounds = array<i64: 1000, 1>}, {pipeline_mode = #tpu.pipeline_mode<synchronous>, transform_indices = @transform_3, window_bounds = array<i64: 1, 128>}, {pipeline_mode = #tpu.pipeline_mode<synchronous>, transform_indices = @transform_4, window_bounds = array<i64: 128, 128>}, {transform_indices = @transform_5, window_bounds = array<i64: 1000, 1>}, {transform_indices = @transform_6, window_bounds = array<i64: 1000, 128>}]} {
    %get3A = arith.constant 0 : index
    %get3A_0 = arith.constant 0 : index
    %get3A_1 = arith.constant 0 : index
    %get3A_2 = vector.load %arg1[%get3A, %get3A_0, %get3A_1] : memref<1x1000x128xf32, #tpu.memory_space<vmem>>, vector<1x1000x128xf32>
    %get3A_3 = vector.shape_cast %get3A_2 : vector<1x1000x128xf32> to vector<1000x128xf32>
    %get3A_4 = arith.constant 0 : index
    %get3A_5 = arith.constant 0 : index
    %get3A_6 = arith.constant 0 : index
    %get3A_7 = vector.load %arg2[%get3A_4, %get3A_5, %get3A_6] : memref<1x1000x128xf32, #tpu.memory_space<vmem>>, vector<1x1000x128xf32>
    %get3A_8 = vector.shape_cast %get3A_7 : vector<1x1000x128xf32> to vector<1000x128xf32>
    %add3A = arith.addf %get3A_3, %get3A_8 : vector<1000x128xf32>
    %get3A_9 = arith.constant 0 : index
    %get3A_10 = arith.constant 0 : index
    %get3A_11 = vector.load %arg3[%get3A_9, %get3A_10] : memref<1000x1xf32, #tpu.memory_space<vmem>>, vector<1000x1xf32>
    %mul3A = vector.broadcast %get3A_11 : vector<1000x1xf32> to vector<1000x128xf32>
    %mul3A_12 = arith.mulf %add3A, %mul3A : vector<1000x128xf32>
    %get3A_13 = arith.constant 0 : index
    %get3A_14 = arith.constant 0 : index
    %get3A_15 = vector.load %arg4[%get3A_13, %get3A_14] : memref<1x128xf32, #tpu.memory_space<vmem>>, vector<1x128xf32>
    %add3A_16 = vector.broadcast %get3A_15 : vector<1x128xf32> to vector<1000x128xf32>
    %add3A_17 = arith.addf %mul3A_12, %add3A_16 : vector<1000x128xf32>
    %max3A = arith.constant 0.000000e+00 : f32
    %max3A_18 = vector.broadcast %max3A : f32 to vector<1000x128xf32>
    %max3A_19 = arith.maximumf %add3A_17, %max3A_18 : vector<1000x128xf32>
    %get3A_20 = arith.constant 0 : index
    %get3A_21 = arith.constant 0 : index
    %get3A_22 = vector.load %arg5[%get3A_20, %get3A_21] : memref<128x128xf32, #tpu.memory_space<vmem>>, vector<128x128xf32>
    %dot_general3A = arith.constant dense<0.000000e+00> : vector<1000x128xf32>
    %dot_general3A_23 = tpu.matmul %max3A_19, %get3A_22, %dot_general3A {dimension_numbers = #tpu.dot_dimension_numbers<[1], [0], [0], [1], [0, 0, 1, 1], [], []>, precision = #tpu.contract_precision<fp32>, transpose_lhs_hint = false} : vector<1000x128xf32>, vector<128x128xf32>, vector<1000x128xf32> -> vector<1000x128xf32>
    %get3A_24 = arith.constant 0 : index
    %get3A_25 = arith.constant 0 : index
    %get3A_26 = vector.load %arg6[%get3A_24, %get3A_25] : memref<1000x1xf32, #tpu.memory_space<vmem>>, vector<1000x1xf32>
    %mul3A_27 = vector.broadcast %get3A_26 : vector<1000x1xf32> to vector<1000x128xf32>
    %mul3A_28 = arith.mulf %dot_general3A_23, %mul3A_27 : vector<1000x128xf32>
    %swap3A = arith.constant 0 : index
    %swap3A_29 = arith.constant 0 : index
    %swap3A_30 = vector.load %arg7[%swap3A, %swap3A_29] : memref<1000x128xf32, #tpu.memory_space<vmem>>, vector<1000x128xf32>
    tpu.vector_store %arg7[%swap3A, %swap3A_29], %mul3A_28 {strides = array<i32>} : memref<1000x128xf32, #tpu.memory_space<vmem>>, vector<1000x128xf32>,
    return
  }
  func.func @transform_0(%arg0: i32) -> (i32, i32, i32) {
    %c0_i32 = arith.constant 0 : i32
    %c0_i32_0 = arith.constant 0 : i32
    %c0_i32_1 = arith.constant 0 : i32
    return %c0_i32, %arg0, %c0_i32_0 : i32, i32, i32
  }
  func.func @transform_1(%arg0: i32) -> (i32, i32, i32) {
    %c1_i32 = arith.constant 1 : i32
    %c0_i32 = arith.constant 0 : i32
    %c0_i32_0 = arith.constant 0 : i32
    return %c1_i32, %arg0, %c0_i32 : i32, i32, i32
  }
  func.func @transform_2(%arg0: i32) -> (i32, i32) {
    %c0_i32 = arith.constant 0 : i32
    %c0_i32_0 = arith.constant 0 : i32
    return %arg0, %c0_i32 : i32, i32
  }
  func.func @transform_3(%arg0: i32) -> (i32, i32) {
    %c0_i32 = arith.constant 0 : i32
    %c0_i32_0 = arith.constant 0 : i32
    %c0_i32_1 = arith.constant 0 : i32
    return %c0_i32, %c0_i32_0 : i32, i32
  }
  func.func @transform_4(%arg0: i32) -> (i32, i32) {
    %c0_i32 = arith.constant 0 : i32
    %c0_i32_0 = arith.constant 0 : i32
    %c0_i32_1 = arith.constant 0 : i32
    return %c0_i32, %c0_i32_0 : i32, i32
  }
  func.func @transform_5(%arg0: i32) -> (i32, i32) {
    %c0_i32 = arith.constant 0 : i32
    %c0_i32_0 = arith.constant 0 : i32
    return %arg0, %c0_i32 : i32, i32
  }
  func.func @transform_6(%arg0: i32) -> (i32, i32) {
    %c0_i32 = arith.constant 0 : i32
    %c0_i32_0 = arith.constant 0 : i32
    return %arg0, %c0_i32 : i32, i32
  }
}

module attributes {stable_mosaic.version = 14 : i64} {
  func.func @_k2b_body(%arg0: i32, %arg1: memref<1x1000x128xf32, #tpu.memory_space<vmem>>, %arg2: memref<1x1000x128xf32, #tpu.memory_space<vmem>>, %arg3: memref<1000x1xf32, #tpu.memory_space<vmem>>, %arg4: memref<1x128xf32, #tpu.memory_space<vmem>>, %arg5: memref<1000x1xf32, #tpu.memory_space<vmem>>, %arg6: memref<1000x128xf32, #tpu.memory_space<vmem>>) attributes {dimension_semantics = [#tpu.dimension_semantics<arbitrary>], iteration_bounds = array<i64: 10>, scalar_prefetch = 0 : i64, scratch_operands = 0 : i64, tpu.core_type = #tpu.core_type<tc>, window_params = [{transform_indices = @transform_0, window_bounds = array<i64: 1, 1000, 128>}, {transform_indices = @transform_1, window_bounds = array<i64: 1, 1000, 128>}, {transform_indices = @transform_2, window_bounds = array<i64: 1000, 1>}, {pipeline_mode = #tpu.pipeline_mode<synchronous>, transform_indices = @transform_3, window_bounds = array<i64: 1, 128>}, {transform_indices = @transform_4, window_bounds = array<i64: 1000, 1>}, {transform_indices = @transform_5, window_bounds = array<i64: 1000, 128>}]} {
    %get3A = arith.constant 0 : index
    %get3A_0 = arith.constant 0 : index
    %get3A_1 = arith.constant 0 : index
    %get3A_2 = vector.load %arg1[%get3A, %get3A_0, %get3A_1] : memref<1x1000x128xf32, #tpu.memory_space<vmem>>, vector<1x1000x128xf32>
    %get3A_3 = vector.shape_cast %get3A_2 : vector<1x1000x128xf32> to vector<1000x128xf32>
    %get3A_4 = arith.constant 0 : index
    %get3A_5 = arith.constant 0 : index
    %get3A_6 = arith.constant 0 : index
    %get3A_7 = vector.load %arg2[%get3A_4, %get3A_5, %get3A_6] : memref<1x1000x128xf32, #tpu.memory_space<vmem>>, vector<1x1000x128xf32>
    %get3A_8 = vector.shape_cast %get3A_7 : vector<1x1000x128xf32> to vector<1000x128xf32>
    %add3A = arith.addf %get3A_3, %get3A_8 : vector<1000x128xf32>
    %get3A_9 = arith.constant 0 : index
    %get3A_10 = arith.constant 0 : index
    %get3A_11 = vector.load %arg3[%get3A_9, %get3A_10] : memref<1000x1xf32, #tpu.memory_space<vmem>>, vector<1000x1xf32>
    %mul3A = vector.broadcast %get3A_11 : vector<1000x1xf32> to vector<1000x128xf32>
    %mul3A_12 = arith.mulf %add3A, %mul3A : vector<1000x128xf32>
    %get3A_13 = arith.constant 0 : index
    %get3A_14 = arith.constant 0 : index
    %get3A_15 = vector.load %arg4[%get3A_13, %get3A_14] : memref<1x128xf32, #tpu.memory_space<vmem>>, vector<1x128xf32>
    %add3A_16 = vector.broadcast %get3A_15 : vector<1x128xf32> to vector<1000x128xf32>
    %add3A_17 = arith.addf %mul3A_12, %add3A_16 : vector<1000x128xf32>
    %max3A = arith.constant 0.000000e+00 : f32
    %max3A_18 = vector.broadcast %max3A : f32 to vector<1000x128xf32>
    %max3A_19 = arith.maximumf %add3A_17, %max3A_18 : vector<1000x128xf32>
    %get3A_20 = arith.constant 0 : index
    %get3A_21 = arith.constant 0 : index
    %get3A_22 = vector.load %arg5[%get3A_20, %get3A_21] : memref<1000x1xf32, #tpu.memory_space<vmem>>, vector<1000x1xf32>
    %mul3A_23 = vector.broadcast %get3A_22 : vector<1000x1xf32> to vector<1000x128xf32>
    %mul3A_24 = arith.mulf %max3A_19, %mul3A_23 : vector<1000x128xf32>
    %swap3A = arith.constant 0 : index
    %swap3A_25 = arith.constant 0 : index
    %swap3A_26 = vector.load %arg6[%swap3A, %swap3A_25] : memref<1000x128xf32, #tpu.memory_space<vmem>>, vector<1000x128xf32>
    tpu.vector_store %arg6[%swap3A, %swap3A_25], %mul3A_24 {strides = array<i32>} : memref<1000x128xf32, #tpu.memory_space<vmem>>, vector<1000x128xf32>,
    return
  }
  func.func @transform_0(%arg0: i32) -> (i32, i32, i32) {
    %c0_i32 = arith.constant 0 : i32
    %c0_i32_0 = arith.constant 0 : i32
    %c0_i32_1 = arith.constant 0 : i32
    return %c0_i32, %arg0, %c0_i32_0 : i32, i32, i32
  }
  func.func @transform_1(%arg0: i32) -> (i32, i32, i32) {
    %c1_i32 = arith.constant 1 : i32
    %c0_i32 = arith.constant 0 : i32
    %c0_i32_0 = arith.constant 0 : i32
    return %c1_i32, %arg0, %c0_i32 : i32, i32, i32
  }
  func.func @transform_2(%arg0: i32) -> (i32, i32) {
    %c0_i32 = arith.constant 0 : i32
    %c0_i32_0 = arith.constant 0 : i32
    return %arg0, %c0_i32 : i32, i32
  }
  func.func @transform_3(%arg0: i32) -> (i32, i32) {
    %c0_i32 = arith.constant 0 : i32
    %c0_i32_0 = arith.constant 0 : i32
    %c0_i32_1 = arith.constant 0 : i32
    return %c0_i32, %c0_i32_0 : i32, i32
  }
  func.func @transform_4(%arg0: i32) -> (i32, i32) {
    %c0_i32 = arith.constant 0 : i32
    %c0_i32_0 = arith.constant 0 : i32
    return %arg0, %c0_i32 : i32, i32
  }
  func.func @transform_5(%arg0: i32) -> (i32, i32) {
    %c0_i32 = arith.constant 0 : i32
    %c0_i32_0 = arith.constant 0 : i32
    return %arg0, %c0_i32 : i32, i32
  }
}

module attributes {stable_mosaic.version = 14 : i64} {
  func.func @_k3_body(%arg0: i32, %arg1: memref<1x1000x128xf32, #tpu.memory_space<vmem>>, %arg2: memref<1x1000x128xf32, #tpu.memory_space<vmem>>, %arg3: memref<1000x1xf32, #tpu.memory_space<vmem>>, %arg4: memref<128x40xf32, #tpu.memory_space<vmem>>, %arg5: memref<1x40xf32, #tpu.memory_space<vmem>>, %arg6: memref<1000x40xf32, #tpu.memory_space<vmem>>) attributes {dimension_semantics = [#tpu.dimension_semantics<arbitrary>], iteration_bounds = array<i64: 10>, scalar_prefetch = 0 : i64, scratch_operands = 0 : i64, tpu.core_type = #tpu.core_type<tc>, window_params = [{transform_indices = @transform_0, window_bounds = array<i64: 1, 1000, 128>}, {transform_indices = @transform_1, window_bounds = array<i64: 1, 1000, 128>}, {transform_indices = @transform_2, window_bounds = array<i64: 1000, 1>}, {pipeline_mode = #tpu.pipeline_mode<synchronous>, transform_indices = @transform_3, window_bounds = array<i64: 128, 40>}, {pipeline_mode = #tpu.pipeline_mode<synchronous>, transform_indices = @transform_4, window_bounds = array<i64: 1, 40>}, {transform_indices = @transform_5, window_bounds = array<i64: 1000, 40>}]} {
    %get3A = arith.constant 0 : index
    %get3A_0 = arith.constant 0 : index
    %get3A_1 = arith.constant 0 : index
    %get3A_2 = vector.load %arg1[%get3A, %get3A_0, %get3A_1] : memref<1x1000x128xf32, #tpu.memory_space<vmem>>, vector<1x1000x128xf32>
    %get3A_3 = vector.shape_cast %get3A_2 : vector<1x1000x128xf32> to vector<1000x128xf32>
    %get3A_4 = arith.constant 0 : index
    %get3A_5 = arith.constant 0 : index
    %get3A_6 = arith.constant 0 : index
    %get3A_7 = vector.load %arg2[%get3A_4, %get3A_5, %get3A_6] : memref<1x1000x128xf32, #tpu.memory_space<vmem>>, vector<1x1000x128xf32>
    %get3A_8 = vector.shape_cast %get3A_7 : vector<1x1000x128xf32> to vector<1000x128xf32>
    %add3A = arith.addf %get3A_3, %get3A_8 : vector<1000x128xf32>
    %get3A_9 = arith.constant 0 : index
    %get3A_10 = arith.constant 0 : index
    %get3A_11 = vector.load %arg3[%get3A_9, %get3A_10] : memref<1000x1xf32, #tpu.memory_space<vmem>>, vector<1000x1xf32>
    %mul3A = vector.broadcast %get3A_11 : vector<1000x1xf32> to vector<1000x128xf32>
    %mul3A_12 = arith.mulf %add3A, %mul3A : vector<1000x128xf32>
    %get3A_13 = arith.constant 0 : index
    %get3A_14 = arith.constant 0 : index
    %get3A_15 = vector.load %arg4[%get3A_13, %get3A_14] : memref<128x40xf32, #tpu.memory_space<vmem>>, vector<128x40xf32>
    %dot_general3A = arith.constant dense<0.000000e+00> : vector<1000x40xf32>
    %dot_general3A_16 = tpu.matmul %mul3A_12, %get3A_15, %dot_general3A {dimension_numbers = #tpu.dot_dimension_numbers<[1], [0], [0], [1], [0, 0, 1, 1], [], []>, precision = #tpu.contract_precision<fp32>, transpose_lhs_hint = false} : vector<1000x128xf32>, vector<128x40xf32>, vector<1000x40xf32> -> vector<1000x40xf32>
    %get3A_17 = arith.constant 0 : index
    %get3A_18 = arith.constant 0 : index
    %get3A_19 = vector.load %arg5[%get3A_17, %get3A_18] : memref<1x40xf32, #tpu.memory_space<vmem>>, vector<1x40xf32>
    %add3A_20 = vector.broadcast %get3A_19 : vector<1x40xf32> to vector<1000x40xf32>
    %add3A_21 = arith.addf %dot_general3A_16, %add3A_20 : vector<1000x40xf32>
    %swap3A = arith.constant 0 : index
    %swap3A_22 = arith.constant 0 : index
    %swap3A_23 = vector.load %arg6[%swap3A, %swap3A_22] : memref<1000x40xf32, #tpu.memory_space<vmem>>, vector<1000x40xf32>
    tpu.vector_store %arg6[%swap3A, %swap3A_22], %add3A_21 {strides = array<i32>} : memref<1000x40xf32, #tpu.memory_space<vmem>>, vector<1000x40xf32>,
    return
  }
  func.func @transform_0(%arg0: i32) -> (i32, i32, i32) {
    %c0_i32 = arith.constant 0 : i32
    %c0_i32_0 = arith.constant 0 : i32
    %c0_i32_1 = arith.constant 0 : i32
    return %c0_i32, %arg0, %c0_i32_0 : i32, i32, i32
  }
  func.func @transform_1(%arg0: i32) -> (i32, i32, i32) {
    %c1_i32 = arith.constant 1 : i32
    %c0_i32 = arith.constant 0 : i32
    %c0_i32_0 = arith.constant 0 : i32
    return %c1_i32, %arg0, %c0_i32 : i32, i32, i32
  }
  func.func @transform_2(%arg0: i32) -> (i32, i32) {
    %c0_i32 = arith.constant 0 : i32
    %c0_i32_0 = arith.constant 0 : i32
    return %arg0, %c0_i32 : i32, i32
  }
  func.func @transform_3(%arg0: i32) -> (i32, i32) {
    %c0_i32 = arith.constant 0 : i32
    %c0_i32_0 = arith.constant 0 : i32
    %c0_i32_1 = arith.constant 0 : i32
    return %c0_i32, %c0_i32_0 : i32, i32
  }
  func.func @transform_4(%arg0: i32) -> (i32, i32) {
    %c0_i32 = arith.constant 0 : i32
    %c0_i32_0 = arith.constant 0 : i32
    %c0_i32_1 = arith.constant 0 : i32
    return %c0_i32, %c0_i32_0 : i32, i32
  }
  func.func @transform_5(%arg0: i32) -> (i32, i32) {
    %c0_i32 = arith.constant 0 : i32
    %c0_i32_0 = arith.constant 0 : i32
    return %arg0, %c0_i32 : i32, i32
  }
}

</mosaic_0001>

<sc_bundles>
// kernel: kernel.11.cloned.1.call-start
scs
__scs_entry_jumppad:
0x0: {  	(pc) =	sbr.rel $0x88, $3  }
0x1: {  	(tag) =	ssettag $0x0;
	lr =	simm.s32 $0x1  }
0x2: {  	[smem:$0x3F99] =	sst lr;
	_ =	strace $0xD0000000  }
0x3: {  	_ = 	snop  }
0x4: {  	_ = 	snop  }
0x5: {  	_ = 	snop  }
0x6: {  	_ = 	snop  }
0x7: {  	_ = 	snop  }
__scs_overlays_trampoline_lowered:
0x8: {  	[smem:$0x3FA8] =	sst s0  }
0x9: {  	[smem:$0x3FA9] =	sst s1  }
0xa: {  	[smem:$0x3FAA] =	sst s2  }
0xb: {  	[smem:$0x3FAB] =	sst s3  }
0xc: {  	[smem:$0x3FAC] =	sst s4  }
0xd: {  	[smem:$0x3FAD] =	sst s5  }
0xe: {  	[smem:$0x3FAE] =	sst s6  }
0xf: {  	[smem:$0x3FAF] =	sst s7  }
0x10: {  	[smem:$0x3FB0] =	sst s8  }
0x11: {  	[smem:$0x3FB1] =	sst s9;
	s0 =	simm.s32 @!p0 $0x0  }
0x12: {  	s1 =	sld [smem:$0x3F97];
	s0 =	simm.s32 @p0 $0x1  }
0x13: {  	[smem:$0x3FB2] =	sst s0;
	s0 =	simm.s32 @!p1 $0x0  }
0x14: {  	s2 =	sld [smem:$0x3F96];
	s0 =	simm.s32 @p1 $0x1  }
0x15: {  	[smem:$0x3FB3] =	sst s0;
	s0 =	simm.s32 @!p2 $0x0  }
0x16: {  	s3 =	sld [smem:$0x3FDB];
	s0 =	simm.s32 @p2 $0x1  }
0x17: {  	s4 =	simm.s32 $0x1BF5;
	[smem:$0x3FB5] =	sst s0  }
0x18: {  	s0 =	sld [smem:$0x3F98];
	_ =	swait.ge [sflag:s4], $0x0  }
0x19: {  	s7 =	sld [smem:$0x3F99]  }
0x1a: {  	s8 =	sadd.s32 $0xFFFFE003, lr  }
0x1b: {  	s9 =	sadd.s32 $0xFFFFFEF7, lr;
	s5 =	simm.s32 $0xFFFFFFFF;
	p2 =	slt.u32 s8, $0xFFFFF086  }
0x1c: {  	p1 =	slt.u32 s9, $0xF7A;
	s5 =	simm.s32 @!p2 $0x0  }
0x1d: {  	s5 =	simm.s32 @p1 $0x1;
	p0 =	seq.s32 s7, s2  }
0x1e: {  	s7 =	smul.u32 @!p0 $0xF7A, s2;
	p2 =	seq.s32 @!p0 s5, $0x0  }
0x1f: {  	s9 =	smul.u32 $0xF7A, s1;
	s8 =	simm.s32 @!p0 $0x1BF5;
	p2 =	por !p2, p0  }
0x20: {  	[sflag:s8] =	ssyncset.s32 @!p0 $0xFFFFF086;
	s6 =	sadd.s32 @!p0 s3, s7;
	s7 =	simm.s32 @!p0 $0x108  }
0x21: {  	s3 =	sadd.s32 s3, s9;
	s6 =	sadd.s32 @!p0 $0x88, s6;
	s7 =	simm.s32 @p2 $0x1082  }
0x22: {  	[simem:s7], [sflag:s8] =	dma.local @!p0 [hbm:s6], $0xF7A  }
0x23: {  	s9 =	sor.u32 $0xD0000000, s2;
	s6 =	simm.s32 $0x108;
	_ =	swait.ge @!p0 [sflag:s8], $0x0  }
0x24: {  	s3 =	sadd.s32 $0x88, s3;
	s6 =	simm.s32 @!p1 $0x1082;
	[sflag:s4] =	ssyncset.s32 $0xFFFFF086  }
0x25: {  	[simem:s6], [sflag:s4] =	dma.local [hbm:s3], $0xF7A  }
0x26: {  	[smem:$0x3F99] =	sst s1;
	(tag) =	ssettag s2;
	_ =	strace s9  }
0x27: {  	s1 =	sld [smem:$0x3FA9]  }
0x28: {  	s2 =	sld [smem:$0x3FAA]  }
0x29: {  	s4 =	sld [smem:$0x3FAC]  }
0x2a: {  	p0 =	seq.s32 s5, $0x0;
	s5 =	sld [smem:$0x3FAD]  }
0x2b: {  	s6 =	sld [smem:$0x3FAE]  }
0x2c: {  	s7 =	sld [smem:$0x3FAF]  }
0x2d: {  	s3 =	simm.s32 $0x108;
	s8 =	sld [smem:$0x3FB0]  }
0x2e: {  	s3 =	simm.s32 @!p0 $0x1082;
	s9 =	sld [smem:$0x3FB1]  }
0x2f: {  	lr =	sadd.s32 s0, s3;
	s0 =	sld [smem:$0x3FA8]  }
0x30: {  	s3 =	sld [smem:$0x3FAB]  }
0x31: {  	[smem:$0x3FB4] =	sst s10  }
0x32: {  	s10 =	sld [smem:$0x3FB2];
	_ =	sdelay $0x3  }
0x33: {  	p0 =	seq.s32 s10, $0x1;
	s10 =	sld [smem:$0x3FB4];
	_ =	sdelay $0x3  }
0x34: {  	[smem:$0x3FB4] =	sst s10  }
0x35: {  	s10 =	sld [smem:$0x3FB3];
	_ =	sdelay $0x3  }
0x36: {  	p1 =	seq.s32 s10, $0x1;
	s10 =	sld [smem:$0x3FB4];
	_ =	sdelay $0x3  }
0x37: {  	[smem:$0x3FB4] =	sst s10  }
0x38: {  	s10 =	sld [smem:$0x3FB5]  }
0x39: {  	_ = 	snop;
	(pc) =	sbr.ind lr, $3  }
0x3a: {  	_ = 	snop  }
0x3b: {  	_ = 	snop  }
0x3c: {  	p2 =	seq.s32 s10, $0x1;
	s10 =	sld [smem:$0x3FB4]  }
0x3d: {  	_ =	shalt  }
0x3e: {  	_ =	shalt  }
0x3f: {  	_ =	shalt  }
0x40: {  	_ =	shalt  }
0x41: {  	_ =	shalt  }
0x42: {  	_ =	shalt  }
0x43: {  	_ =	shalt  }
0x44: {  	_ =	shalt  }
0x45: {  	_ =	shalt  }
0x46: {  	_ =	shalt  }
0x47: {  	_ =	shalt  }
0x48: {  	_ =	shalt  }
0x49: {  	_ =	shalt  }
0x4a: {  	_ =	shalt  }
0x4b: {  	_ =	shalt  }
0x4c: {  	_ =	shalt  }
0x4d: {  	_ =	shalt  }
0x4e: {  	_ =	shalt  }
0x4f: {  	_ =	shalt  }
0x50: {  	_ =	shalt  }
0x51: {  	_ =	shalt  }
0x52: {  	_ =	shalt  }
0x53: {  	_ =	shalt  }
0x54: {  	_ =	shalt  }
0x55: {  	_ =	shalt  }
0x56: {  	_ =	shalt  }
0x57: {  	_ =	shalt  }
0x58: {  	_ =	shalt  }
0x59: {  	_ =	shalt  }
0x5a: {  	_ =	shalt  }
0x5b: {  	_ =	shalt  }
0x5c: {  	_ =	shalt  }
0x5d: {  	_ =	shalt  }
0x5e: {  	_ =	shalt  }
0x5f: {  	_ =	shalt  }
0x60: {  	_ =	shalt  }
0x61: {  	_ =	shalt  }
0x62: {  	_ =	shalt  }
0x63: {  	_ =	shalt  }
0x64: {  	_ =	shalt  }
0x65: {  	_ =	shalt  }
0x66: {  	_ =	shalt  }
0x67: {  	_ =	shalt  }
0x68: {  	_ =	shalt  }
0x69: {  	_ =	shalt  }
0x6a: {  	_ =	shalt  }
0x6b: {  	_ =	shalt  }
0x6c: {  	_ =	shalt  }
0x6d: {  	_ =	shalt  }
0x6e: {  	_ =	shalt  }
0x6f: {  	_ =	shalt  }
0x70: {  	_ =	shalt  }
0x71: {  	_ =	shalt  }
0x72: {  	_ =	shalt  }
0x73: {  	_ =	shalt  }
0x74: {  	_ =	shalt  }
0x75: {  	_ =	shalt  }
0x76: {  	_ =	shalt  }
0x77: {  	_ =	shalt  }
0x78: {  	_ =	shalt  }
0x79: {  	_ =	shalt  }
0x7a: {  	_ =	shalt  }
0x7b: {  	_ =	shalt  }
0x7c: {  	_ =	shalt  }
0x7d: {  	_ =	shalt  }
0x7e: {  	_ =	shalt  }
0x7f: {  	_ =	shalt  }
0x80: {  	_ =	shalt  }
0x81: {  	_ =	shalt  }
0x82: {  	_ =	shalt  }
0x83: {  	_ =	shalt  }
0x84: {  	_ =	shalt  }
0x85: {  	_ =	shalt  }
0x86: {  	_ =	shalt  }
0x87: {  	_ =	shalt  }
.Lfunc_end0:
.L_simem_size_0:
called_computation_lowered:
.L_overlay_start_0:
0x88: {  	s2 =	sld [smem:$0x3FD9]  }
0x89: {  	s3 =	sld [smem:$0x3FFE];
	_ =	sdelay $0x1  }
0x8a: {  	s1 =	srdreg.scid  }
0x8b: {  	s0 =	sand.u32 $0x1, s1  }
0x8c: {  	s17 =	sshll.u32 s0, $0xA;
	s2 =	sadd.s32 s3, s2  }
0x8d: {  	s2 =	sadd.s32 s2, s17  }
0x8e: {  	[smem:$0x3FC0] =	sst s2  }
0x8f: {  	_ = 	snop  }
0x90: {  	s2 =	sld [smem:$0x3FD0];
	(tm) =	ssettm $0x1  }
0x91: {  	s18 =	sld [smem:$0x3FFB];
	_ =	sdelay $0x3  }
0x92: {  	_ =	strace s18  }
0x93: {  	s3 =	sld [smem:$0x3FFC];
	_ =	sdelay $0x3  }
0x94: {  	_ =	strace s3  }
0x95: {  	s3 =	sld [smem:$0x3FFD];
	_ =	sdelay $0x3  }
0x96: {  	_ =	strace s3  }
0x97: {  	_ =	strace $0x8FFFFFFF  }
0x98: {  	s19 =	sld [smem:$0x3FDB];
	_ =	sdelay $0x1  }
0x99: {  	s4 =	simm.s32 $_scs_section_size  }
0x9a: {  	s5 =	simm.s32 $_size__tile_overlayer_lowered;
	s6 =	simm.s32 $_tile_overlayer_lowered  }
0x9b: {  	s22 =	simm.s32 $0x1BFF;
	s21 =	sshll.u32 s6, $0x1;
	s3 =	sadd.s32 s4, s19  }
0x9c: {  	s7 =	simm.s32 $0x0;
	s20 =	sshll.u32 s5, $0x1;
	s5 =	sadd.s32 s21, s3  }
0x9d: {  	[timem:s7], [sflag:s22] =	dma.local [hbm:s5], s20  }
0x9e: {  	_ =	swait.ge [sflag:s22], s20  }
0x9f: {  	s4 =	ssub.s32 $0x0, s20;
	[sflag:s22] =	ssyncset.done $0x0  }
0xa0: {  	[sflag:s22] =	ssyncadd.s32 s4;
	_ =	sdelay $0x1  }
0xa1: {  	s23 =	simm.s32 $0x1B8B  }
0xa2: {  	_ =	swait.ge [sflag:s23], $0x1  }
0xa3: {  	[sflag:s23] =	ssyncset.done $0x0  }
0xa4: {  	s25 =	simm.s32 $0x1B8E;
	s24 =	sld [smem:$0x3FFE];
	[sflag:s23] =	ssyncadd.s32 $0xFFFFFFFF  }
0xa5: {  	s26 =	simm.s32 $execute0_lowered;
	[smem:$0x3FD2] =	sst s25  }
0xa6: {  	s5 =	sshll.u32 s26, $0x1;
	_ =	strace $0x80000046;
	[dreg:$0x1] =	wrdreg $0xFFFFFFFF  }
0xa7: {  	s28 =	simm.s32 $_size_execute0_lowered;
	s3 =	sadd.s32 s3, s5;
	[dreg:$0x0] =	wrdreg $0x0  }
0xa8: {  	s5 =	sshll.u32 s28, $0x1;
	[dreg:$0x2] =	wrdreg s3  }
0xa9: {  	[dreg:$0x3] =	wrdreg s5  }
0xaa: {  	[dreg:$0x4] =	wrdreg $0xC0  }
0xab: {  	_ =	task [dreg:s7], $0x5FFFF  }
0xac: {  	[dreg:$0x1] =	wrdreg $0xFFFFFFFF  }
0xad: {  	[dreg:$0x0] =	wrdreg $0x60  }
0xae: {  	[dreg:$0x2] =	wrdreg s2  }
0xaf: {  	[dreg:$0x3] =	wrdreg s24  }
0xb0: {  	[dreg:$0x4] =	wrdreg $0x0  }
0xb1: {  	[dreg:$0x5] =	wrdreg $0x40000  }
0xb2: {  	[dreg:$0x6] =	wrdreg $0x9  }
0xb3: {  	_ =	task.clear_ibuf [dreg:s7], $0x7FFFF;
	_ =	strace $0x90000046  }
0xb4: {  	s29 =	simm.s32 $0x9;
	_ =	strace $0x80000048  }
0xb5: {  	_ =	swait.ge [sflag:s29], $0x1  }
0xb6: {  	[sflag:s29] =	ssyncadd.s32 $0xFFFFFFFF  }
0xb7: {  	_ =	strace $0x90000048  }
0xb8: {  	_ =	sfence  }
0xb9: {  	s30 =	sld [smem:$0x0];
	_ =	sdelay $0x2  }
0xba: {  	s31 =	sshll.u32 s1, $0xD;
	s1 =	sshrl.u32 s1, $0x2  }
0xbb: {  	s3 =	sand.u32 $0x4000, s31;
	s1 =	sadd.s32 s1, s30  }
0xbc: {  	s0 =	sor.u32 s3, s0;
	s1 =	sshll.u32 s1, $0x11  }
0xbd: {  	s0 =	sor.u32 s1, s0  }
0xbe: {  	s0 =	sadd.s32 $0x8F2B, s0  }
0xbf: {  	[sflag:s0] =	ssyncadd.remote.s32 $0x1  }
0xc0: {  	_ =	sfence.sel $0xFFFF  }
0xc1: {  	[dreg:$0x0] =	wrdreg $0xFFFFFFFF;
	(pc) =	sbr.abs _section_cstart, $3  }
0xc2: {  	[dreg:$0x1] =	wrdreg $0xFFFFFFFF  }
0xc3: {  	_ =	task.clear_ibuf [dreg:s7], $0x2FFFF;
	_ =	strace $0x9FFFFFFF  }
0xc4: {  	(tm) =	ssettm $0x7FFFFFFF  }
0xc5: {  	_ =	shalt  }
tec
execute0_lowered:
.L_overlay_start_1:
0x0: {  	(tag) =	ssettag $0x1  }
0x1: {  	s5 =	rddreg [dreg:$0x0]  }
0x2: {  	s6 =	rddreg [dreg:$0x1]  }
0x3: {  	s1 =	rddreg [dreg:$0x2]  }
0x4: {  	s2 =	rddreg [dreg:$0x3];
	s4 =	simm.s32 $0x0  }
0x5: {  	s7 =	srdreg.scid;
	s3 =	stileid.u32;
	s15 =	simm.s32 $0x80  }
0x6: {  	s16 =	simm.s32 $0x400;
	s17 =	simm.s32 $0x8000;
	s18 =	simm.s32 $0x1  }
0x7: {  	s19 =	simm.s32 $0xA780;
	s20 =	simm.s32 $0xE780;
	s21 =	simm.s32 $0x12780  }
0x8: {  	s22 =	simm.s32 $0x12B80;
	s23 =	simm.s32 $0x12F80;
	[smem:$0x7FF] =	sst s4  }
0x9: {  	s7 =	sand.u32 $0x1, s7;
	s8 =	sshrl.u32 s3, $0x2;
	s9 =	sshll.u32 s3, $0x8  }
0xa: {  	s24 =	sshll.u32 s3, $0xA;
	s29 =	sshll.u32 s3, $0x7;
	s30 =	sshll.u32 s3, $0xE  }
0xb: {  	s8 =	smul.u32 $0x13C00, s8;
	s10 =	sshll.u32 s7, $0x7;
	s9 =	sand.u32 $0x300, s9  }
0xc: {  	s11 =	sshll.u32 s7, $0xE;
	_ =	strace $0x80000047;
	s7 =	ssub.s32 $0x2, s7  }
0xd: {  	s31 =	sor.u32 s29, s24;
	s9 =	sor.u32 s10, s9;
	s25 =	sor.u32 s24, s11  }
0xe: {  	s28 =	sshrl.u32 s7, $0x1;
	s24 =	simm.s32 $0x0;
	s8 =	sor.u32 s8, s9  }
0xf: {  	s9 =	sshrl.u32 s25, $0x3;
	s14 =	ssub.s32 s7, s28;
	s7 =	sadd.s32 s30, s1  }
0x10: {  	s8 =	sshrl.u32 s8, $0x3;
	s13 =	sadd.s32 s9, s6;
	s9 =	sand.u32 $0x2380, s31  }
0x11: {  	s14 =	smax.u32 s14, $0x1;
	s26 =	sadd.s32 s8, s6;
	s5 =	sadd.s32 s5, s8  }
0x12: {  	s8 =	sadd.s32 s30, s2;
	s10 =	sadd.s32 s9, s1;
	s11 =	sadd.s32 s9, s2  }
0x13: {  	v0 =	vimm.f32 $0.0e+00;
	v1 =	vimm.f32 $1.000000000e+00;
	s12 =	sadd.s32 $0xCA00, s13;
	s13 =	sadd.s32 $0xDA00, s13;
	s6 =	sadd.s32 $0x2C00, s26  }
.LBB2_1:
0x14: {  	s25 =	sand.u32 $0x70, s4;
	s26 =	simm.s32 $0x0;
	s28 =	sand.u32 $0x1C00, s4  }
0x15: {  	s29 =	simm.s32 $0x0;
	s26 =	sand.u32 $0x2000, s26;
	s25 =	sor.u32 s28, s25  }
0x16: {  	s28 =	sand.u32 $0x380, s29;
	s25 =	sor.u32 s26, s25  }
0x17: {  	s29 =	sor.u32 s28, s25  }
0x18: {  	s26 =	simm.s32 $0x10;
	s25 =	simm.s32 $0x1;
	s28 =	simm.s32 $0x0;
	[tilespmem:s29+$0xE780] =	vst v0  }
.LBB2_2:
0x19: {  	s30 =	sand.u32 $0x70, s26;
	s31 =	sshll.u32 s25, $0x4  }
0x1a: {  	[tilespmem:s29+$0xA780] =	vst v0;
	s28 =	sadd.s32 $0x80, s28;
	s29 =	smov.u32 s25;
	p0 =	sne.s32 s25, $0x3FF  }
.Ltmp0:
0x1b: {  	s25 =	sadd.s32 $0x1, s25;
	s0 =	sand.u32 $0x1C00, s28;
	(pc) =	sbr.rel @p0 .LBB2_2-.Ltmp0, $4  }
0x1c: {  	s31 =	sand.u32 $0x2000, s31;
	s29 =	sshll.u32 s29, $0x1;
	s0 =	sor.u32 s0, s30  }
0x1d: {  	s29 =	sand.u32 $0x380, s29;
	s0 =	sor.u32 s31, s0  }
0x1e: {  	s29 =	sor.u32 s29, s0  }
0x1f: {  	s26 =	sadd.s32 $0x10, s26;
	[tilespmem:s29+$0xE780] =	vst v0  }
0x20: {  	[tilespmem:s29+$0xA780] =	vst v0  }
0x21: {  	[tilespmem:s17], [sflag:$0x1] =	stream.strided.gather [hbm4b:s5+s15], $0x2780, s16, s15, $0x38;
	[tilespmem:$0x13380] =	vst v63  }
0x22: {  	_ =	swait.ge [sflag:s18], $0x2780  }
0x23: {  	[sflag:s18] =	ssyncset.done $0x0  }
0x24: {  	s0 =	simm.s32 $0x0;
	[sflag:s18] =	ssyncadd.s32 $0xFFFFD880  }
0x25: {  	v2 =	vld [tilespmem:s0+$0x8000];
	_ =	sdelay $0x4  }
0x26: {  	v3 =	vshll.u32 v2, $0x3  }
0x27: {  	v4 =	vshrl.u32 v2, $0x3;
	v2 =	vand.u32 $0xFFFFE07F, v2;
	v3 =	vand.u32 $0x1C00, v3  }
0x28: {  	s31 =	simm.s32 $0x10;
	v4 =	vand.u32 $0x380, v4;
	v2 =	vor.u32 v3, v2  }
0x29: {  	s25 =	simm.s32 $0x80;
	v3 =	vld [tilespmem:s31+$0x8000];
	v2 =	vor.u32 v4, v2  }
.LBB2_4:
0x2a: {  	_ =	sdelay $0x1  }
0x2b: {  	p0 =	sne.s32 s25, $0x9C00  }
.Ltmp1:
0x2c: {  	_ = 	snop;
	(pc) =	sbr.rel @p0 .LBB2_4-.Ltmp1, $4  }
0x2d: {  	v4 =	vshll.u32 v3, $0x3  }
0x2e: {  	v5 =	vshrl.u32 v3, $0x3;
	v6 =	vand.u32 $0xFFFFE07F, v3;
	v4 =	vand.u32 $0x1C00, v4  }
0x2f: {  	s0 =	sshra.s32 s25, $0x2;
	[tilespmem:v2+s19+$0x0] =	vst.idx.add.f32.msk $0xffff, v1;
	v5 =	vand.u32 $0x380, v5;
	v4 =	vor.u32 v4, v6  }
0x30: {  	s25 =	sadd.s32 $0x40, s25;
	v3 =	vld [tilespmem:s0+$0x8000];
	v2 =	vor.u32 v5, v4  }
0x31: {  	_ =	sdelay $0x3  }
0x32: {  	v4 =	vshll.u32 v3, $0x3  }
0x33: {  	v5 =	vshrl.u32 v3, $0x3;
	v3 =	vand.u32 $0xFFFFE07F, v3;
	v4 =	vand.u32 $0x1C00, v4  }
0x34: {  	v5 =	vand.u32 $0x380, v5;
	v3 =	vor.u32 v4, v3  }
0x35: {  	v3 =	vor.u32 v5, v3;
	_ =	sdelay $0x3  }
0x36: {  	[tilespmem:v2+s19+$0x0] =	vst.idx.add.f32.msk $0xffff, v1  }
0x37: {  	[tilespmem:v3+s19+$0x0] =	vst.idx.add.f32.msk $0xffff, v1  }
0x38: {  	[tilespmem:s17], [sflag:$0x1] =	stream.strided.gather [hbm4b:s6+s15], $0x2780, s16, s15, $0x38;
	[tilespmem:$0x13380] =	vst v63  }
0x39: {  	_ =	swait.ge [sflag:s18], $0x2780  }
0x3a: {  	[sflag:s18] =	ssyncset.done $0x0  }
0x3b: {  	s0 =	simm.s32 $0x0;
	[sflag:s18] =	ssyncadd.s32 $0xFFFFD880  }
0x3c: {  	v2 =	vld [tilespmem:s0+$0x8000];
	_ =	sdelay $0x4  }
0x3d: {  	v3 =	vshll.u32 v2, $0x3  }
0x3e: {  	v4 =	vshrl.u32 v2, $0x3;
	v2 =	vand.u32 $0xFFFFE07F, v2;
	v3 =	vand.u32 $0x1C00, v3  }
0x3f: {  	s31 =	simm.s32 $0x10;
	v4 =	vand.u32 $0x380, v4;
	v2 =	vor.u32 v3, v2  }
0x40: {  	s25 =	simm.s32 $0x80;
	v3 =	vld [tilespmem:s31+$0x8000];
	v2 =	vor.u32 v4, v2  }
.LBB2_6:
0x41: {  	_ =	sdelay $0x1  }
0x42: {  	p0 =	sne.s32 s25, $0x9C00  }
.Ltmp2:
0x43: {  	_ = 	snop;
	(pc) =	sbr.rel @p0 .LBB2_6-.Ltmp2, $4  }
0x44: {  	v4 =	vshll.u32 v3, $0x3  }
0x45: {  	v5 =	vshrl.u32 v3, $0x3;
	v6 =	vand.u32 $0xFFFFE07F, v3;
	v4 =	vand.u32 $0x1C00, v4  }
0x46: {  	s0 =	sshra.s32 s25, $0x2;
	[tilespmem:v2+s20+$0x0] =	vst.idx.add.f32.msk $0xffff, v1;
	v5 =	vand.u32 $0x380, v5;
	v4 =	vor.u32 v4, v6  }
0x47: {  	s25 =	sadd.s32 $0x40, s25;
	v3 =	vld [tilespmem:s0+$0x8000];
	v2 =	vor.u32 v5, v4  }
0x48: {  	_ =	sdelay $0x3  }
0x49: {  	v4 =	vshll.u32 v3, $0x3  }
0x4a: {  	v5 =	vshrl.u32 v3, $0x3;
	v3 =	vand.u32 $0xFFFFE07F, v3;
	v4 =	vand.u32 $0x1C00, v4  }
0x4b: {  	v5 =	vand.u32 $0x380, v5;
	v3 =	vor.u32 v4, v3  }
0x4c: {  	v3 =	vor.u32 v5, v3;
	_ =	sdelay $0x3  }
0x4d: {  	[tilespmem:v2+s20+$0x0] =	vst.idx.add.f32.msk $0xffff, v1  }
0x4e: {  	s25 =	simm.s32 $0x1;
	[tilespmem:v3+s20+$0x0] =	vst.idx.add.f32.msk $0xffff, v1  }
0x4f: {  	[spmem:s7] =	stream.linear.scatter [tilespmem:s19], [sflag:$0x1], $0x4000, $0x38;
	[tilespmem:$0x13380] =	vst v63  }
0x50: {  	_ =	swait.ge [sflag:s25], $0x4000  }
0x51: {  	[sflag:s25] =	ssyncset.done $0x0  }
0x52: {  	[sflag:s25] =	ssyncadd.s32 $0xFFFFC000  }
0x53: {  	[spmem:s8] =	stream.linear.scatter [tilespmem:s20], [sflag:$0x1], $0x4000, $0x38;
	[tilespmem:$0x13380] =	vst v63  }
0x54: {  	_ =	swait.ge [sflag:s25], $0x4000  }
0x55: {  	[sflag:s25] =	ssyncset.done $0x0  }
0x56: {  	[sflag:s25] =	ssyncadd.s32 $0xFFFFC000  }
0x57: {  	[bflag:$0x0] =	sbarrier.arrive $0xFFFF  }
0x58: {  	[tilespmem:s21], [sflag:$0x1] =	stream.strided.gather [spmem:s10], $0x400, s16, s15, $0x38;
	[tilespmem:$0x13380] =	vst v63  }
0x59: {  	_ =	swait.ge [sflag:s25], $0x400  }
0x5a: {  	[sflag:s25] =	ssyncset.done $0x0  }
0x5b: {  	[sflag:s25] =	ssyncadd.s32 $0xFFFFFC00  }
0x5c: {  	[tilespmem:s22], [sflag:$0x1] =	stream.strided.gather [spmem:s11], $0x400, s16, s15, $0x38;
	[tilespmem:$0x13380] =	vst v63  }
0x5d: {  	_ =	swait.ge [sflag:s25], $0x400  }
0x5e: {  	[sflag:s25] =	ssyncset.done $0x0  }
0x5f: {  	[sflag:s25] =	ssyncadd.s32 $0xFFFFFC00  }
.LBB2_8:
0x60: {  	s0 =	sshll.u32 s25, $0xE  }
0x61: {  	s26 =	sor.u32 s9, s0  }
0x62: {  	s0 =	sadd.s32 s26, s1  }
0x63: {  	[tilespmem:s23], [sflag:$0x1] =	stream.strided.gather [spmem:s0], $0x400, s16, s15, $0x38;
	[tilespmem:$0x13380] =	vst v63  }
0x64: {  	_ =	swait.ge [sflag:s18], $0x400  }
0x65: {  	[sflag:s18] =	ssyncset.done $0x0  }
0x66: {  	s28 =	simm.s32 $0x0;
	[sflag:s18] =	ssyncadd.s32 $0xFFFFFC00  }
0x67: {  	s29 =	simm.s32 $0x40;
	v2 =	vld [tilespmem:s28+$0x12F80]  }
.LBB2_9:
0x68: {  	p0 =	sne.s32 s29, $0xFC0;
	v3 =	vld [tilespmem:s28+$0x12780];
	_ =	sdelay $0x2  }
.Ltmp3:
0x69: {  	(pc) =	sbr.rel @p0 .LBB2_9-.Ltmp3, $4  }
0x6a: {  	_ = 	snop  }
0x6b: {  	v3 =	vadd.f32 v2, v3  }
0x6c: {  	s0 =	sshra.s32 s29, $0x2  }
0x6d: {  	s29 =	sadd.s32 $0x40, s29;
	v2 =	vld [tilespmem:s0+$0x12F80];
	[tilespmem:s28+$0x12780] =	vst v3;
	s28 =	smov.u32 s0  }
0x6e: {  	v3 =	vld [tilespmem:s28+$0x12780];
	_ =	sdelay $0x4  }
0x6f: {  	v2 =	vadd.f32 v2, v3;
	_ =	sdelay $0x1  }
0x70: {  	s0 =	sadd.s32 s26, s2;
	[tilespmem:s28+$0x12780] =	vst v2  }
0x71: {  	[tilespmem:s23], [sflag:$0x1] =	stream.strided.gather [spmem:s0], $0x400, s16, s15, $0x38;
	[tilespmem:$0x13380] =	vst v63  }
0x72: {  	_ =	swait.ge [sflag:s18], $0x400  }
0x73: {  	[sflag:s18] =	ssyncset.done $0x0  }
0x74: {  	s26 =	simm.s32 $0x0;
	[sflag:s18] =	ssyncadd.s32 $0xFFFFFC00  }
0x75: {  	s28 =	simm.s32 $0x40;
	v2 =	vld [tilespmem:s26+$0x12F80]  }
.LBB2_11:
0x76: {  	p0 =	sne.s32 s28, $0xFC0;
	v3 =	vld [tilespmem:s26+$0x12B80];
	_ =	sdelay $0x2  }
.Ltmp4:
0x77: {  	(pc) =	sbr.rel @p0 .LBB2_11-.Ltmp4, $4  }
0x78: {  	_ = 	snop  }
0x79: {  	v3 =	vadd.f32 v2, v3  }
0x7a: {  	s0 =	sshra.s32 s28, $0x2  }
0x7b: {  	s28 =	sadd.s32 $0x40, s28;
	v2 =	vld [tilespmem:s0+$0x12F80];
	[tilespmem:s26+$0x12B80] =	vst v3;
	s26 =	smov.u32 s0  }
0x7c: {  	v3 =	vld [tilespmem:s26+$0x12B80]  }
0x7d: {  	s25 =	sadd.s32 $0x1, s25  }
0x7e: {  	p0 =	sne.s32 s25, $0x10  }
.Ltmp5:
0x7f: {  	_ = 	snop;
	(pc) =	sbr.rel @p0 .LBB2_8-.Ltmp5, $3  }
0x80: {  	_ = 	snop  }
0x81: {  	v2 =	vadd.f32 v2, v3;
	_ =	sdelay $0x1  }
0x82: {  	[tilespmem:s26+$0x12B80] =	vst v2  }
0x83: {  	[hbm4b:s12+s4] =	stream.linear.scatter [tilespmem:s21], [sflag:$0x1], $0x400, $0x38;
	[tilespmem:$0x13380] =	vst v63  }
0x84: {  	s24 =	sadd.s32 $0x1, s24;
	_ =	swait.ge [sflag:s18], $0x400  }
0x85: {  	p0 =	sne.s32 s24, s14;
	[sflag:s18] =	ssyncset.done $0x0  }
.Ltmp6:
0x86: {  	[sflag:s18] =	ssyncadd.s32 $0xFFFFFC00;
	(pc) =	sbr.rel @p0 .LBB2_1-.Ltmp6, $4  }
0x87: {  	[hbm4b:s13+s4] =	stream.linear.scatter [tilespmem:s22], [sflag:$0x1], $0x400, $0x38;
	[tilespmem:$0x13380] =	vst v63  }
0x88: {  	_ =	swait.ge [sflag:s18], $0x400  }
0x89: {  	[sflag:s18] =	ssyncset.done $0x0  }
0x8a: {  	[sflag:s18] =	ssyncadd.s32 $0xFFFFFC00  }
0x8b: {  	_ =	sfence.sel $0x180000  }
0x8c: {  	[bflag:$0x0] =	sbarrier.arrive $0xFFFF  }
0x8d: {  	_ =	strace $0x90000047  }
0x8e: {  	[bflag:$0x2] =	sbarrier.arrive $0xFFFF  }
0x8f: {  	p0 =	sne.s32 s3, $0x0;
	s0 =	rddreg [dreg:$0x4]  }
0x90: {  	s0 =	sadd.s32 @!p0 $0x100000, s0  }
0x91: {  	[sflag:s0] =	ssyncadd.tile.s32 @!p0 $0x1;
	_ =	shalt  }
.Lfunc_end2:
_tile_overlayer_lowered:
.L_overlay_start_2:
0x92: {  	(tag) =	ssettag $0x2  }
0x93: {  	s0 =	rddreg [dreg:$0x0];
	s2 =	stileid.u32  }
0x94: {  	s1 =	rddreg [dreg:$0x1];
	p0 =	sne.s32 s2, $0x0  }
0x95: {  	s3 =	rddreg [dreg:$0x2];
	[bflag:$0x3] =	sbarrier.arrive $0xFFFF;
	s2 =	simm.s32 @!p0 $0x1C01  }
0x96: {  	[timem:s3], [sflag:s2] =	dma.local @!p0 [hbm:s0], s1  }
0x97: {  	s0 =	simm.s32 @!p0 $0x1  }
0x98: {  	_ =	swait.ge @!p0 [sflag:s0], s1  }
0x99: {  	s1 =	ssub.s32 @!p0 $0x0, s1;
	[sflag:s0] =	ssyncset.done @!p0 $0x0  }
0x9a: {  	[sflag:s0] =	ssyncadd.s32 @!p0 s1  }
0x9b: {  	[bflag:$0x3] =	sbarrier.arrive $0xFFFF  }
0x9c: {  	_ =	shalt  }

// kernel: kernel.14.cloned.1.call-start
scs
__scs_entry_jumppad:
0x0: {  	(pc) =	sbr.rel $0x88, $3  }
0x1: {  	(tag) =	ssettag $0x0;
	lr =	simm.s32 $0x1  }
0x2: {  	[smem:$0x3F99] =	sst lr;
	_ =	strace $0xD0000000  }
0x3: {  	_ = 	snop  }
0x4: {  	_ = 	snop  }
0x5: {  	_ = 	snop  }
0x6: {  	_ = 	snop  }
0x7: {  	_ = 	snop  }
__scs_overlays_trampoline_lowered:
0x8: {  	[smem:$0x3FA8] =	sst s0  }
0x9: {  	[smem:$0x3FA9] =	sst s1  }
0xa: {  	[smem:$0x3FAA] =	sst s2  }
0xb: {  	[smem:$0x3FAB] =	sst s3  }
0xc: {  	[smem:$0x3FAC] =	sst s4  }
0xd: {  	[smem:$0x3FAD] =	sst s5  }
0xe: {  	[smem:$0x3FAE] =	sst s6  }
0xf: {  	[smem:$0x3FAF] =	sst s7  }
0x10: {  	[smem:$0x3FB0] =	sst s8  }
0x11: {  	[smem:$0x3FB1] =	sst s9;
	s0 =	simm.s32 @!p0 $0x0  }
0x12: {  	s1 =	sld [smem:$0x3F97];
	s0 =	simm.s32 @p0 $0x1  }
0x13: {  	[smem:$0x3FB2] =	sst s0;
	s0 =	simm.s32 @!p1 $0x0  }
0x14: {  	s2 =	sld [smem:$0x3F96];
	s0 =	simm.s32 @p1 $0x1  }
0x15: {  	[smem:$0x3FB3] =	sst s0;
	s0 =	simm.s32 @!p2 $0x0  }
0x16: {  	s3 =	sld [smem:$0x3FDB];
	s0 =	simm.s32 @p2 $0x1  }
0x17: {  	s4 =	simm.s32 $0x1BF5;
	[smem:$0x3FB5] =	sst s0  }
0x18: {  	s0 =	sld [smem:$0x3F98];
	_ =	swait.ge [sflag:s4], $0x0  }
0x19: {  	s7 =	sld [smem:$0x3F99]  }
0x1a: {  	s8 =	sadd.s32 $0xFFFFE003, lr  }
0x1b: {  	s9 =	sadd.s32 $0xFFFFFEF7, lr;
	s5 =	simm.s32 $0xFFFFFFFF;
	p2 =	slt.u32 s8, $0xFFFFF086  }
0x1c: {  	p1 =	slt.u32 s9, $0xF7A;
	s5 =	simm.s32 @!p2 $0x0  }
0x1d: {  	s5 =	simm.s32 @p1 $0x1;
	p0 =	seq.s32 s7, s2  }
0x1e: {  	s7 =	smul.u32 @!p0 $0xF7A, s2;
	p2 =	seq.s32 @!p0 s5, $0x0  }
0x1f: {  	s9 =	smul.u32 $0xF7A, s1;
	s8 =	simm.s32 @!p0 $0x1BF5;
	p2 =	por !p2, p0  }
0x20: {  	[sflag:s8] =	ssyncset.s32 @!p0 $0xFFFFF086;
	s6 =	sadd.s32 @!p0 s3, s7;
	s7 =	simm.s32 @!p0 $0x108  }
0x21: {  	s3 =	sadd.s32 s3, s9;
	s6 =	sadd.s32 @!p0 $0x88, s6;
	s7 =	simm.s32 @p2 $0x1082  }
0x22: {  	[simem:s7], [sflag:s8] =	dma.local @!p0 [hbm:s6], $0xF7A  }
0x23: {  	s9 =	sor.u32 $0xD0000000, s2;
	s6 =	simm.s32 $0x108;
	_ =	swait.ge @!p0 [sflag:s8], $0x0  }
0x24: {  	s3 =	sadd.s32 $0x88, s3;
	s6 =	simm.s32 @!p1 $0x1082;
	[sflag:s4] =	ssyncset.s32 $0xFFFFF086  }
0x25: {  	[simem:s6], [sflag:s4] =	dma.local [hbm:s3], $0xF7A  }
0x26: {  	[smem:$0x3F99] =	sst s1;
	(tag) =	ssettag s2;
	_ =	strace s9  }
0x27: {  	s1 =	sld [smem:$0x3FA9]  }
0x28: {  	s2 =	sld [smem:$0x3FAA]  }
0x29: {  	s4 =	sld [smem:$0x3FAC]  }
0x2a: {  	p0 =	seq.s32 s5, $0x0;
	s5 =	sld [smem:$0x3FAD]  }
0x2b: {  	s6 =	sld [smem:$0x3FAE]  }
0x2c: {  	s7 =	sld [smem:$0x3FAF]  }
0x2d: {  	s3 =	simm.s32 $0x108;
	s8 =	sld [smem:$0x3FB0]  }
0x2e: {  	s3 =	simm.s32 @!p0 $0x1082;
	s9 =	sld [smem:$0x3FB1]  }
0x2f: {  	lr =	sadd.s32 s0, s3;
	s0 =	sld [smem:$0x3FA8]  }
0x30: {  	s3 =	sld [smem:$0x3FAB]  }
0x31: {  	[smem:$0x3FB4] =	sst s10  }
0x32: {  	s10 =	sld [smem:$0x3FB2];
	_ =	sdelay $0x3  }
0x33: {  	p0 =	seq.s32 s10, $0x1;
	s10 =	sld [smem:$0x3FB4];
	_ =	sdelay $0x3  }
0x34: {  	[smem:$0x3FB4] =	sst s10  }
0x35: {  	s10 =	sld [smem:$0x3FB3];
	_ =	sdelay $0x3  }
0x36: {  	p1 =	seq.s32 s10, $0x1;
	s10 =	sld [smem:$0x3FB4];
	_ =	sdelay $0x3  }
0x37: {  	[smem:$0x3FB4] =	sst s10  }
0x38: {  	s10 =	sld [smem:$0x3FB5]  }
0x39: {  	_ = 	snop;
	(pc) =	sbr.ind lr, $3  }
0x3a: {  	_ = 	snop  }
0x3b: {  	_ = 	snop  }
0x3c: {  	p2 =	seq.s32 s10, $0x1;
	s10 =	sld [smem:$0x3FB4]  }
0x3d: {  	_ =	shalt  }
0x3e: {  	_ =	shalt  }
0x3f: {  	_ =	shalt  }
0x40: {  	_ =	shalt  }
0x41: {  	_ =	shalt  }
0x42: {  	_ =	shalt  }
0x43: {  	_ =	shalt  }
0x44: {  	_ =	shalt  }
0x45: {  	_ =	shalt  }
0x46: {  	_ =	shalt  }
0x47: {  	_ =	shalt  }
0x48: {  	_ =	shalt  }
0x49: {  	_ =	shalt  }
0x4a: {  	_ =	shalt  }
0x4b: {  	_ =	shalt  }
0x4c: {  	_ =	shalt  }
0x4d: {  	_ =	shalt  }
0x4e: {  	_ =	shalt  }
0x4f: {  	_ =	shalt  }
0x50: {  	_ =	shalt  }
0x51: {  	_ =	shalt  }
0x52: {  	_ =	shalt  }
0x53: {  	_ =	shalt  }
0x54: {  	_ =	shalt  }
0x55: {  	_ =	shalt  }
0x56: {  	_ =	shalt  }
0x57: {  	_ =	shalt  }
0x58: {  	_ =	shalt  }
0x59: {  	_ =	shalt  }
0x5a: {  	_ =	shalt  }
0x5b: {  	_ =	shalt  }
0x5c: {  	_ =	shalt  }
0x5d: {  	_ =	shalt  }
0x5e: {  	_ =	shalt  }
0x5f: {  	_ =	shalt  }
0x60: {  	_ =	shalt  }
0x61: {  	_ =	shalt  }
0x62: {  	_ =	shalt  }
0x63: {  	_ =	shalt  }
0x64: {  	_ =	shalt  }
0x65: {  	_ =	shalt  }
0x66: {  	_ =	shalt  }
0x67: {  	_ =	shalt  }
0x68: {  	_ =	shalt  }
0x69: {  	_ =	shalt  }
0x6a: {  	_ =	shalt  }
0x6b: {  	_ =	shalt  }
0x6c: {  	_ =	shalt  }
0x6d: {  	_ =	shalt  }
0x6e: {  	_ =	shalt  }
0x6f: {  	_ =	shalt  }
0x70: {  	_ =	shalt  }
0x71: {  	_ =	shalt  }
0x72: {  	_ =	shalt  }
0x73: {  	_ =	shalt  }
0x74: {  	_ =	shalt  }
0x75: {  	_ =	shalt  }
0x76: {  	_ =	shalt  }
0x77: {  	_ =	shalt  }
0x78: {  	_ =	shalt  }
0x79: {  	_ =	shalt  }
0x7a: {  	_ =	shalt  }
0x7b: {  	_ =	shalt  }
0x7c: {  	_ =	shalt  }
0x7d: {  	_ =	shalt  }
0x7e: {  	_ =	shalt  }
0x7f: {  	_ =	shalt  }
0x80: {  	_ =	shalt  }
0x81: {  	_ =	shalt  }
0x82: {  	_ =	shalt  }
0x83: {  	_ =	shalt  }
0x84: {  	_ =	shalt  }
0x85: {  	_ =	shalt  }
0x86: {  	_ =	shalt  }
0x87: {  	_ =	shalt  }
.Lfunc_end0:
.L_simem_size_0:
called_computation.1_lowered:
.L_overlay_start_0:
0x88: {  	s2 =	sld [smem:$0x3FD9]  }
0x89: {  	s3 =	sld [smem:$0x3FFE];
	_ =	sdelay $0x1  }
0x8a: {  	s1 =	srdreg.scid  }
0x8b: {  	s0 =	sand.u32 $0x1, s1  }
0x8c: {  	s17 =	sshll.u32 s0, $0xA;
	s2 =	sadd.s32 s3, s2  }
0x8d: {  	s2 =	sadd.s32 s2, s17  }
0x8e: {  	[smem:$0x3FC0] =	sst s2  }
0x8f: {  	_ = 	snop  }
0x90: {  	s2 =	sld [smem:$0x3FD0];
	(tm) =	ssettm $0x1  }
0x91: {  	s18 =	sld [smem:$0x3FFB];
	_ =	sdelay $0x3  }
0x92: {  	_ =	strace s18  }
0x93: {  	s3 =	sld [smem:$0x3FFC];
	_ =	sdelay $0x3  }
0x94: {  	_ =	strace s3  }
0x95: {  	s3 =	sld [smem:$0x3FFD];
	_ =	sdelay $0x3  }
0x96: {  	_ =	strace s3  }
0x97: {  	_ =	strace $0x8FFFFFFF  }
0x98: {  	s19 =	sld [smem:$0x3FDB];
	_ =	sdelay $0x1  }
0x99: {  	s4 =	simm.s32 $_scs_section_size  }
0x9a: {  	s5 =	simm.s32 $_size__tile_overlayer_lowered;
	s6 =	simm.s32 $_tile_overlayer_lowered  }
0x9b: {  	s22 =	simm.s32 $0x1BFF;
	s21 =	sshll.u32 s6, $0x1;
	s3 =	sadd.s32 s4, s19  }
0x9c: {  	s7 =	simm.s32 $0x0;
	s20 =	sshll.u32 s5, $0x1;
	s5 =	sadd.s32 s21, s3  }
0x9d: {  	[timem:s7], [sflag:s22] =	dma.local [hbm:s5], s20  }
0x9e: {  	_ =	swait.ge [sflag:s22], s20  }
0x9f: {  	s4 =	ssub.s32 $0x0, s20;
	[sflag:s22] =	ssyncset.done $0x0  }
0xa0: {  	[sflag:s22] =	ssyncadd.s32 s4;
	_ =	sdelay $0x1  }
0xa1: {  	s23 =	simm.s32 $0x1B8B  }
0xa2: {  	_ =	swait.ge [sflag:s23], $0x1  }
0xa3: {  	[sflag:s23] =	ssyncset.done $0x0  }
0xa4: {  	s25 =	simm.s32 $0x1B8E;
	s24 =	sld [smem:$0x3FFE];
	[sflag:s23] =	ssyncadd.s32 $0xFFFFFFFF  }
0xa5: {  	s26 =	simm.s32 $execute0_lowered;
	[smem:$0x3FD2] =	sst s25  }
0xa6: {  	s5 =	sshll.u32 s26, $0x1;
	_ =	strace $0x80000049;
	[dreg:$0x1] =	wrdreg $0xFFFFFFFF  }
0xa7: {  	s28 =	simm.s32 $_size_execute0_lowered;
	s3 =	sadd.s32 s3, s5;
	[dreg:$0x0] =	wrdreg $0x0  }
0xa8: {  	s5 =	sshll.u32 s28, $0x1;
	[dreg:$0x2] =	wrdreg s3  }
0xa9: {  	[dreg:$0x3] =	wrdreg s5  }
0xaa: {  	[dreg:$0x4] =	wrdreg $0xC0  }
0xab: {  	_ =	task [dreg:s7], $0x5FFFF  }
0xac: {  	[dreg:$0x1] =	wrdreg $0xFFFFFFFF  }
0xad: {  	[dreg:$0x0] =	wrdreg $0x60  }
0xae: {  	[dreg:$0x2] =	wrdreg s24  }
0xaf: {  	[dreg:$0x3] =	wrdreg s2  }
0xb0: {  	[dreg:$0x4] =	wrdreg $0x0  }
0xb1: {  	[dreg:$0x5] =	wrdreg $0x9  }
0xb2: {  	_ =	task.clear_ibuf [dreg:s7], $0x6FFFF;
	_ =	strace $0x90000049  }
0xb3: {  	s29 =	simm.s32 $0x9;
	_ =	strace $0x8000004B  }
0xb4: {  	_ =	swait.ge [sflag:s29], $0x1  }
0xb5: {  	[sflag:s29] =	ssyncadd.s32 $0xFFFFFFFF  }
0xb6: {  	_ =	strace $0x9000004B  }
0xb7: {  	_ =	sfence  }
0xb8: {  	s30 =	sld [smem:$0x0];
	_ =	sdelay $0x2  }
0xb9: {  	s31 =	sshll.u32 s1, $0xD;
	s1 =	sshrl.u32 s1, $0x2  }
0xba: {  	s3 =	sand.u32 $0x4000, s31;
	s1 =	sadd.s32 s1, s30  }
0xbb: {  	s0 =	sor.u32 s3, s0;
	s1 =	sshll.u32 s1, $0x11  }
0xbc: {  	s0 =	sor.u32 s1, s0  }
0xbd: {  	s0 =	sadd.s32 $0x8F2B, s0  }
0xbe: {  	[sflag:s0] =	ssyncadd.remote.s32 $0x1  }
0xbf: {  	_ =	sfence.sel $0xFFFF  }
0xc0: {  	[dreg:$0x0] =	wrdreg $0xFFFFFFFF;
	(pc) =	sbr.abs _section_cstart, $3  }
0xc1: {  	[dreg:$0x1] =	wrdreg $0xFFFFFFFF  }
0xc2: {  	_ =	task.clear_ibuf [dreg:s7], $0x2FFFF;
	_ =	strace $0x9FFFFFFF  }
0xc3: {  	(tm) =	ssettm $0x7FFFFFFF  }
tec
execute0_lowered:
.L_overlay_start_1:
0x0: {  	(tag) =	ssettag $0x1  }
0x1: {  	s0 =	rddreg [dreg:$0x0]  }
0x2: {  	s2 =	rddreg [dreg:$0x2];
	s1 =	srdreg.scid  }
0x3: {  	s11 =	simm.s32 $0x0;
	s10 =	stileid.u32;
	s13 =	simm.s32 $0x1  }
0x4: {  	s14 =	simm.s32 $0x14000;
	s15 =	simm.s32 $0x9;
	s16 =	simm.s32 $0x15400  }
0x5: {  	s17 =	simm.s32 $0x32;
	s18 =	simm.s32 $0x16800;
	s20 =	simm.s32 $0x18100  }
0x6: {  	s30 =	simm.s32 $0x3;
	s31 =	simm.s32 $0x6;
	s19 =	simm.s32 $0x15380  }
0x7: {  	s21 =	simm.s32 $0x16680;
	s28 =	simm.s32 $0x16780;
	s1 =	sand.u32 $0x1, s1  }
0x8: {  	[smem:$0x7FF] =	sst s11;
	s4 =	smul.u32 $0x14000, s10;
	s5 =	sadd.s32 $0x40A00, s0  }
0x9: {  	s6 =	sadd.s32 $0xEA00, s0;
	s7 =	sadd.s32 $0x27A00, s0;
	s9 =	smul.u32 $0x50000, s10  }
0xa: {  	s24 =	sshll.u32 s10, $0x1;
	s26 =	sshll.u32 s10, $0x6;
	s10 =	simm.s32 $0x7  }
0xb: {  	s3 =	smul.u32 $0x140000, s1;
	_ =	strace $0x8000004A;
	s22 =	ssub.s32 $0x2, s1  }
0xc: {  	s1 =	sor.u32 s1, s24;
	s12 =	sor.u32 $0x1C01, s26;
	s24 =	simm.s32 $0x1B300  }
0xd: {  	s26 =	simm.s32 $0x5;
	s8 =	sshrl.u32 s22, $0x1;
	s25 =	sshrl.u32 s9, $0x2  }
0xe: {  	s9 =	smul.u32 $0x5, s1;
	s1 =	simm.s32 $0x4;
	[dreg:$0x5] =	wrdreg s12  }
0xf: {  	s3 =	sadd.s32 s4, s3;
	s23 =	ssub.s32 s22, s8;
	s4 =	sadd.s32 s25, s2  }
0x10: {  	s22 =	simm.s32 $0x19A00;
	s3 =	sshrl.u32 s3, $0x3;
	s29 =	smax.u32 s23, $0x1  }
0x11: {  	s0 =	sadd.s32 s3, s0;
	[dreg:$0x7] =	wrdreg s29;
	s3 =	sshrl.u32 s4, $0x3  }
0x12: {  	s25 =	simm.s32 $0x2;
	s0 =	sadd.s32 $0x67C00, s0;
	[dreg:$0x8] =	wrdreg s3  }
0x13: {  	s8 =	simm.s32 $0x8;
	s23 =	simm.s32 $0x16700;
	[dreg:$0x6] =	wrdreg s0  }
.LBB2_1:
0x14: {  	[dreg:$0x4] =	wrdreg s11  }
0x15: {  	s0 =	rddreg [dreg:$0x1]  }
0x16: {  	[spmem:s3], [sflag:s12] =	dma.local [hbm:s0], $0x2800  }
0x17: {  	_ =	swait.ge [sflag:s13], $0x2800  }
0x18: {  	[sflag:s13] =	ssyncset.done $0x0  }
0x19: {  	[sflag:s13] =	ssyncadd.s32 $0xFFFFD800  }
0x1a: {  	s29 =	simm.s32 $0x0;
	[bflag:$0x0] =	sbarrier.arrive $0xFFFF  }
.LBB2_2:
0x1b: {  	s0 =	sadd.s32 s9, s29  }
0x1c: {  	s0 =	smul.u32 $0x280, s0;
	_ =	sdelay $0x1  }
0x1d: {  	s4 =	simm.s32 $0x0;
	s3 =	sadd.s32 s6, s0  }
0x1e: {  	[tilespmem:s14], [sflag:$0x9] =	stream.linear.gather [hbm4b:s3+s4], $0x1400, $0x38;
	[tilespmem:$0x1CC00] =	vst v63  }
0x1f: {  	_ =	swait.ge [sflag:s15], $0x1400  }
0x20: {  	[sflag:s15] =	ssyncset.done $0x0  }
0x21: {  	s0 =	sadd.s32 s7, s0;
	[sflag:s15] =	ssyncadd.s32 $0xFFFFEC00  }
0x22: {  	[tilespmem:s16], [sflag:$0x9] =	stream.linear.gather [hbm4b:s0+s4], $0x1400, $0x38;
	[tilespmem:$0x1CC00] =	vst v63  }
0x23: {  	_ =	swait.ge [sflag:s15], $0x1400  }
0x24: {  	[sflag:s15] =	ssyncset.done $0x0  }
0x25: {  	[sflag:s15] =	ssyncadd.s32 $0xFFFFEC00  }
0x26: {  	[tilespmem:s18], [sflag:$0x1] =	stream.indirect.gather [hbm4b:s5+s17], $0x80, s14, s17, $0xb8;
	[tilespmem:$0x1CC00] =	vst v63  }
0x27: {  	s4 =	simm.s32 $0x14080  }
0x28: {  	[tilespmem:s20], [sflag:$0x2] =	stream.indirect.gather [hbm4b:s5+s17], $0x80, s4, s17, $0xb8;
	[tilespmem:$0x1CC00] =	vst v63  }
0x29: {  	s11 =	simm.s32 $0x14100  }
0x2a: {  	[tilespmem:s22], [sflag:$0x3] =	stream.indirect.gather [hbm4b:s5+s17], $0x80, s11, s17, $0xb8;
	[tilespmem:$0x1CC00] =	vst v63  }
0x2b: {  	_ =	swait.ge [sflag:s13], $0x1900  }
0x2c: {  	[sflag:s13] =	ssyncset.done $0x0  }
0x2d: {  	[sflag:s13] =	ssyncadd.s32 $0xFFFFE700  }
0x2e: {  	[spmem:s2] =	stream.indirect.scatter.add.f32 [tilespmem:s18], [sflag:$0x5], $0x80, s16, s17, $0xb8;
	[tilespmem:$0x1CC00] =	vst v63  }
0x2f: {  	s12 =	simm.s32 $0x14180  }
0x30: {  	[tilespmem:s24], [sflag:$0x4] =	stream.indirect.gather [hbm4b:s5+s17], $0x80, s12, s17, $0xb8;
	[tilespmem:$0x1CC00] =	vst v63  }
0x31: {  	_ =	swait.ge [sflag:s25], $0x1900  }
0x32: {  	[sflag:s25] =	ssyncset.done $0x0  }
0x33: {  	[sflag:s25] =	ssyncadd.s32 $0xFFFFE700  }
0x34: {  	_ =	swait.ge [sflag:s26], $0x1900  }
0x35: {  	[sflag:s26] =	ssyncset.done $0x0  }
0x36: {  	s3 =	simm.s32 $0x15480;
	[sflag:s26] =	ssyncadd.s32 $0xFFFFE700  }
0x37: {  	[spmem:s2] =	stream.indirect.scatter.add.f32 [tilespmem:s20], [sflag:$0x6], $0x80, s3, s17, $0xb8;
	[tilespmem:$0x1CC00] =	vst v63  }
0x38: {  	s4 =	simm.s32 $0x14200  }
0x39: {  	[tilespmem:s18], [sflag:$0x1] =	stream.indirect.gather [hbm4b:s5+s17], $0x80, s4, s17, $0xb8;
	[tilespmem:$0x1CC00] =	vst v63  }
0x3a: {  	_ =	swait.ge [sflag:s30], $0x1900  }
0x3b: {  	[sflag:s30] =	ssyncset.done $0x0  }
0x3c: {  	[sflag:s30] =	ssyncadd.s32 $0xFFFFE700  }
0x3d: {  	_ =	swait.ge [sflag:s31], $0x1900  }
0x3e: {  	[sflag:s31] =	ssyncset.done $0x0  }
0x3f: {  	s11 =	simm.s32 $0x15500;
	[sflag:s31] =	ssyncadd.s32 $0xFFFFE700  }
0x40: {  	[spmem:s2] =	stream.indirect.scatter.add.f32 [tilespmem:s22], [sflag:$0x7], $0x80, s11, s17, $0xb8;
	[tilespmem:$0x1CC00] =	vst v63  }
0x41: {  	s12 =	simm.s32 $0x14280  }
0x42: {  	[tilespmem:s20], [sflag:$0x2] =	stream.indirect.gather [hbm4b:s5+s17], $0x80, s12, s17, $0xb8;
	[tilespmem:$0x1CC00] =	vst v63  }
0x43: {  	_ =	swait.ge [sflag:s1], $0x1900  }
0x44: {  	[sflag:s1] =	ssyncset.done $0x0  }
0x45: {  	[sflag:s1] =	ssyncadd.s32 $0xFFFFE700  }
0x46: {  	_ =	swait.ge [sflag:s10], $0x1900  }
0x47: {  	[sflag:s10] =	ssyncset.done $0x0  }
0x48: {  	s3 =	simm.s32 $0x15580;
	[sflag:s10] =	ssyncadd.s32 $0xFFFFE700  }
0x49: {  	[spmem:s2] =	stream.indirect.scatter.add.f32 [tilespmem:s24], [sflag:$0x8], $0x80, s3, s17, $0xb8;
	[tilespmem:$0x1CC00] =	vst v63  }
0x4a: {  	s4 =	simm.s32 $0x14300  }
0x4b: {  	[tilespmem:s22], [sflag:$0x3] =	stream.indirect.gather [hbm4b:s5+s17], $0x80, s4, s17, $0xb8;
	[tilespmem:$0x1CC00] =	vst v63  }
0x4c: {  	_ =	swait.ge [sflag:s13], $0x1900  }
0x4d: {  	[sflag:s13] =	ssyncset.done $0x0  }
0x4e: {  	[sflag:s13] =	ssyncadd.s32 $0xFFFFE700  }
0x4f: {  	_ =	swait.ge [sflag:s8], $0x1900  }
0x50: {  	[sflag:s8] =	ssyncset.done $0x0  }
0x51: {  	s11 =	simm.s32 $0x15600;
	[sflag:s8] =	ssyncadd.s32 $0xFFFFE700  }
0x52: {  	[spmem:s2] =	stream.indirect.scatter.add.f32 [tilespmem:s18], [sflag:$0x5], $0x80, s11, s17, $0xb8;
	[tilespmem:$0x1CC00] =	vst v63  }
0x53: {  	s12 =	simm.s32 $0x14380  }
0x54: {  	[tilespmem:s24], [sflag:$0x4] =	stream.indirect.gather [hbm4b:s5+s17], $0x80, s12, s17, $0xb8;
	[tilespmem:$0x1CC00] =	vst v63  }
0x55: {  	_ =	swait.ge [sflag:s25], $0x1900  }
0x56: {  	[sflag:s25] =	ssyncset.done $0x0  }
0x57: {  	[sflag:s25] =	ssyncadd.s32 $0xFFFFE700  }
0x58: {  	_ =	swait.ge [sflag:s26], $0x1900  }
0x59: {  	[sflag:s26] =	ssyncset.done $0x0  }
0x5a: {  	s3 =	simm.s32 $0x15680;
	[sflag:s26] =	ssyncadd.s32 $0xFFFFE700  }
0x5b: {  	[spmem:s2] =	stream.indirect.scatter.add.f32 [tilespmem:s20], [sflag:$0x6], $0x80, s3, s17, $0xb8;
	[tilespmem:$0x1CC00] =	vst v63  }
0x5c: {  	s4 =	simm.s32 $0x14400  }
0x5d: {  	[tilespmem:s18], [sflag:$0x1] =	stream.indirect.gather [hbm4b:s5+s17], $0x80, s4, s17, $0xb8;
	[tilespmem:$0x1CC00] =	vst v63  }
0x5e: {  	_ =	swait.ge [sflag:s30], $0x1900  }
0x5f: {  	[sflag:s30] =	ssyncset.done $0x0  }
0x60: {  	[sflag:s30] =	ssyncadd.s32 $0xFFFFE700  }
0x61: {  	_ =	swait.ge [sflag:s31], $0x1900  }
0x62: {  	[sflag:s31] =	ssyncset.done $0x0  }
0x63: {  	s11 =	simm.s32 $0x15700;
	[sflag:s31] =	ssyncadd.s32 $0xFFFFE700  }
0x64: {  	[spmem:s2] =	stream.indirect.scatter.add.f32 [tilespmem:s22], [sflag:$0x7], $0x80, s11, s17, $0xb8;
	[tilespmem:$0x1CC00] =	vst v63  }
0x65: {  	s12 =	simm.s32 $0x14480  }
0x66: {  	[tilespmem:s20], [sflag:$0x2] =	stream.indirect.gather [hbm4b:s5+s17], $0x80, s12, s17, $0xb8;
	[tilespmem:$0x1CC00] =	vst v63  }
0x67: {  	_ =	swait.ge [sflag:s1], $0x1900  }
0x68: {  	[sflag:s1] =	ssyncset.done $0x0  }
0x69: {  	[sflag:s1] =	ssyncadd.s32 $0xFFFFE700  }
0x6a: {  	_ =	swait.ge [sflag:s10], $0x1900  }
0x6b: {  	s0 =	simm.s32 $0x200;
	[sflag:s10] =	ssyncset.done $0x0  }
0x6c: {  	s3 =	simm.s32 $0x1000;
	s4 =	simm.s32 $0x15780;
	[sflag:s10] =	ssyncadd.s32 $0xFFFFE700  }
.LBB2_3:
0x6d: {  	[spmem:s2] =	stream.indirect.scatter.add.f32 [tilespmem:s24], [sflag:$0x8], $0x80, s4, s17, $0xb8;
	[tilespmem:$0x1CC00] =	vst v63  }
0x6e: {  	s4 =	smov.u32 s3  }
0x6f: {  	s12 =	sadd.s32 $0x800, s3;
	s11 =	sshra.s32 s4, $0x2;
	s4 =	sadd.s32 $0x14300, s0  }
0x70: {  	[tilespmem:s22], [sflag:$0x3] =	stream.indirect.gather [hbm4b:s5+s17], $0x80, s4, s17, $0xb8;
	[tilespmem:$0x1CC00] =	vst v63  }
0x71: {  	p0 =	sne.s32 s3, $0x3800;
	_ =	swait.ge [sflag:s13], $0x1900  }
0x72: {  	[sflag:s13] =	ssyncset.done $0x0  }
0x73: {  	[sflag:s13] =	ssyncadd.s32 $0xFFFFE700  }
0x74: {  	_ =	swait.ge [sflag:s8], $0x1900  }
0x75: {  	[sflag:s8] =	ssyncset.done $0x0  }
0x76: {  	s3 =	sadd.s32 $0x15600, s0;
	[sflag:s8] =	ssyncadd.s32 $0xFFFFE700  }
0x77: {  	[spmem:s2] =	stream.indirect.scatter.add.f32 [tilespmem:s18], [sflag:$0x5], $0x80, s3, s17, $0xb8;
	[tilespmem:$0x1CC00] =	vst v63  }
0x78: {  	s3 =	sadd.s32 $0x14380, s0  }
0x79: {  	[tilespmem:s24], [sflag:$0x4] =	stream.indirect.gather [hbm4b:s5+s17], $0x80, s3, s17, $0xb8;
	[tilespmem:$0x1CC00] =	vst v63  }
0x7a: {  	_ =	swait.ge [sflag:s25], $0x1900  }
0x7b: {  	[sflag:s25] =	ssyncset.done $0x0  }
0x7c: {  	[sflag:s25] =	ssyncadd.s32 $0xFFFFE700  }
0x7d: {  	_ =	swait.ge [sflag:s26], $0x1900  }
0x7e: {  	[sflag:s26] =	ssyncset.done $0x0  }
0x7f: {  	s3 =	sadd.s32 $0x15680, s0;
	[sflag:s26] =	ssyncadd.s32 $0xFFFFE700  }
0x80: {  	[spmem:s2] =	stream.indirect.scatter.add.f32 [tilespmem:s20], [sflag:$0x6], $0x80, s3, s17, $0xb8;
	[tilespmem:$0x1CC00] =	vst v63  }
0x81: {  	s3 =	sadd.s32 $0x14400, s0  }
0x82: {  	[tilespmem:s18], [sflag:$0x1] =	stream.indirect.gather [hbm4b:s5+s17], $0x80, s3, s17, $0xb8;
	[tilespmem:$0x1CC00] =	vst v63  }
0x83: {  	_ =	swait.ge [sflag:s30], $0x1900  }
0x84: {  	[sflag:s30] =	ssyncset.done $0x0  }
0x85: {  	[sflag:s30] =	ssyncadd.s32 $0xFFFFE700  }
0x86: {  	_ =	swait.ge [sflag:s31], $0x1900  }
0x87: {  	[sflag:s31] =	ssyncset.done $0x0  }
0x88: {  	s3 =	sadd.s32 $0x15700, s0;
	[sflag:s31] =	ssyncadd.s32 $0xFFFFE700  }
0x89: {  	[spmem:s2] =	stream.indirect.scatter.add.f32 [tilespmem:s22], [sflag:$0x7], $0x80, s3, s17, $0xb8;
	[tilespmem:$0x1CC00] =	vst v63  }
0x8a: {  	s3 =	sadd.s32 $0x14480, s0  }
0x8b: {  	[tilespmem:s20], [sflag:$0x2] =	stream.indirect.gather [hbm4b:s5+s17], $0x80, s3, s17, $0xb8;
	[tilespmem:$0x1CC00] =	vst v63  }
0x8c: {  	_ =	swait.ge [sflag:s1], $0x1900  }
.Ltmp0:
0x8d: {  	[sflag:s1] =	ssyncset.done $0x0;
	(pc) =	sbr.rel @p0 .LBB2_3-.Ltmp0, $4  }
0x8e: {  	[sflag:s1] =	ssyncadd.s32 $0xFFFFE700  }
0x8f: {  	_ =	swait.ge [sflag:s10], $0x1900  }
0x90: {  	s4 =	sadd.s32 $0x15780, s0;
	[sflag:s10] =	ssyncset.done $0x0  }
0x91: {  	s0 =	smov.u32 s11;
	s3 =	smov.u32 s12;
	[sflag:s10] =	ssyncadd.s32 $0xFFFFE700  }
0x92: {  	[spmem:s2] =	stream.indirect.scatter.add.f32 [tilespmem:s24], [sflag:$0x8], $0x80, s4, s17, $0xb8;
	[tilespmem:$0x1CC00] =	vst v63  }
0x93: {  	s3 =	sadd.s32 $0x14300, s0  }
0x94: {  	[tilespmem:s22], [sflag:$0x3] =	stream.indirect.gather [hbm4b:s5+s17], $0x80, s3, s17, $0xb8;
	[tilespmem:$0x1CC00] =	vst v63  }
0x95: {  	_ =	swait.ge [sflag:s13], $0x1900  }
0x96: {  	[sflag:s13] =	ssyncset.done $0x0  }
0x97: {  	[sflag:s13] =	ssyncadd.s32 $0xFFFFE700  }
0x98: {  	_ =	swait.ge [sflag:s8], $0x1900  }
0x99: {  	[sflag:s8] =	ssyncset.done $0x0  }
0x9a: {  	s4 =	sadd.s32 $0x15600, s0;
	[sflag:s8] =	ssyncadd.s32 $0xFFFFE700  }
0x9b: {  	[spmem:s2] =	stream.indirect.scatter.add.f32 [tilespmem:s18], [sflag:$0x5], $0x80, s4, s17, $0xb8;
	[tilespmem:$0x1CC00] =	vst v63  }
0x9c: {  	s11 =	sadd.s32 $0x14380, s0  }
0x9d: {  	[tilespmem:s24], [sflag:$0x4] =	stream.indirect.gather [hbm4b:s5+s17], $0x80, s11, s17, $0xb8;
	[tilespmem:$0x1CC00] =	vst v63  }
0x9e: {  	_ =	swait.ge [sflag:s25], $0x1900  }
0x9f: {  	[sflag:s25] =	ssyncset.done $0x0  }
0xa0: {  	[sflag:s25] =	ssyncadd.s32 $0xFFFFE700  }
0xa1: {  	_ =	swait.ge [sflag:s26], $0x1900  }
0xa2: {  	[sflag:s26] =	ssyncset.done $0x0  }
0xa3: {  	s12 =	sadd.s32 $0x15680, s0;
	[sflag:s26] =	ssyncadd.s32 $0xFFFFE700  }
0xa4: {  	[spmem:s2] =	stream.indirect.scatter.add.f32 [tilespmem:s20], [sflag:$0x6], $0x80, s12, s17, $0xb8;
	[tilespmem:$0x1CC00] =	vst v63  }
0xa5: {  	s4 =	sadd.s32 $0x14400, s0  }
0xa6: {  	[tilespmem:s18], [sflag:$0x1] =	stream.indirect.gather [hbm4b:s5+s17], $0x80, s4, s17, $0xb8;
	[tilespmem:$0x1CC00] =	vst v63  }
0xa7: {  	_ =	swait.ge [sflag:s30], $0x1900  }
0xa8: {  	[sflag:s30] =	ssyncset.done $0x0  }
0xa9: {  	[sflag:s30] =	ssyncadd.s32 $0xFFFFE700  }
0xaa: {  	_ =	swait.ge [sflag:s31], $0x1900  }
0xab: {  	[sflag:s31] =	ssyncset.done $0x0  }
0xac: {  	s11 =	sadd.s32 $0x15700, s0;
	[sflag:s31] =	ssyncadd.s32 $0xFFFFE700  }
0xad: {  	[spmem:s2] =	stream.indirect.scatter.add.f32 [tilespmem:s22], [sflag:$0x7], $0x80, s11, s17, $0xb8;
	[tilespmem:$0x1CC00] =	vst v63  }
0xae: {  	s12 =	sadd.s32 $0x14480, s0  }
0xaf: {  	[tilespmem:s20], [sflag:$0x2] =	stream.indirect.gather [hbm4b:s5+s17], $0x80, s12, s17, $0xb8;
	[tilespmem:$0x1CC00] =	vst v63  }
0xb0: {  	_ =	swait.ge [sflag:s1], $0x1900  }
0xb1: {  	[sflag:s1] =	ssyncset.done $0x0  }
0xb2: {  	[sflag:s1] =	ssyncadd.s32 $0xFFFFE700  }
0xb3: {  	_ =	swait.ge [sflag:s10], $0x1900  }
0xb4: {  	[sflag:s10] =	ssyncset.done $0x0  }
0xb5: {  	s4 =	sadd.s32 $0x15780, s0;
	[sflag:s10] =	ssyncadd.s32 $0xFFFFE700  }
0xb6: {  	[spmem:s2] =	stream.indirect.scatter.add.f32 [tilespmem:s24], [sflag:$0x8], $0x80, s4, s17, $0xb8;
	[tilespmem:$0x1CC00] =	vst v63  }
0xb7: {  	s11 =	simm.s32 $0x15300  }
0xb8: {  	[tilespmem:s22], [sflag:$0x3] =	stream.indirect.gather [hbm4b:s5+s17], $0x80, s11, s17, $0xb8;
	[tilespmem:$0x1CC00] =	vst v63  }
0xb9: {  	_ =	swait.ge [sflag:s13], $0x1900  }
0xba: {  	[sflag:s13] =	ssyncset.done $0x0  }
0xbb: {  	[sflag:s13] =	ssyncadd.s32 $0xFFFFE700  }
0xbc: {  	_ =	swait.ge [sflag:s8], $0x1900  }
0xbd: {  	[sflag:s8] =	ssyncset.done $0x0  }
0xbe: {  	s12 =	simm.s32 $0x16600;
	[sflag:s8] =	ssyncadd.s32 $0xFFFFE700  }
0xbf: {  	[spmem:s2] =	stream.indirect.scatter.add.f32 [tilespmem:s18], [sflag:$0x5], $0x80, s12, s17, $0xb8;
	[tilespmem:$0x1CC00] =	vst v63  }
0xc0: {  	_ = 	snop  }
0xc1: {  	[tilespmem:s24], [sflag:$0x4] =	stream.indirect.gather [hbm4b:s5+s17], $0x80, s19, s17, $0xb8;
	[tilespmem:$0x1CC00] =	vst v63  }
0xc2: {  	_ =	swait.ge [sflag:s25], $0x1900  }
0xc3: {  	[sflag:s25] =	ssyncset.done $0x0  }
0xc4: {  	[sflag:s25] =	ssyncadd.s32 $0xFFFFE700  }
0xc5: {  	_ =	swait.ge [sflag:s26], $0x1900  }
0xc6: {  	[sflag:s26] =	ssyncset.done $0x0  }
0xc7: {  	[sflag:s26] =	ssyncadd.s32 $0xFFFFE700  }
0xc8: {  	[spmem:s2] =	stream.indirect.scatter.add.f32 [tilespmem:s20], [sflag:$0x6], $0x80, s21, s17, $0xb8;
	[tilespmem:$0x1CC00] =	vst v63  }
0xc9: {  	_ =	swait.ge [sflag:s30], $0x1900  }
0xca: {  	[sflag:s30] =	ssyncset.done $0x0  }
0xcb: {  	[sflag:s30] =	ssyncadd.s32 $0xFFFFE700  }
0xcc: {  	_ =	swait.ge [sflag:s31], $0x1900  }
0xcd: {  	[sflag:s31] =	ssyncset.done $0x0  }
0xce: {  	[sflag:s31] =	ssyncadd.s32 $0xFFFFE700  }
0xcf: {  	[spmem:s2] =	stream.indirect.scatter.add.f32 [tilespmem:s22], [sflag:$0x7], $0x80, s23, s17, $0xb8;
	[tilespmem:$0x1CC00] =	vst v63  }
0xd0: {  	_ =	swait.ge [sflag:s1], $0x1900  }
0xd1: {  	[sflag:s1] =	ssyncset.done $0x0  }
0xd2: {  	[sflag:s1] =	ssyncadd.s32 $0xFFFFE700  }
0xd3: {  	s29 =	sadd.s32 $0x1, s29;
	_ =	swait.ge [sflag:s10], $0x1900  }
0xd4: {  	p0 =	sne.s32 s29, $0x5;
	[sflag:s10] =	ssyncset.done $0x0  }
.Ltmp1:
0xd5: {  	[sflag:s10] =	ssyncadd.s32 $0xFFFFE700;
	(pc) =	sbr.rel @p0 .LBB2_2-.Ltmp1, $4  }
0xd6: {  	[spmem:s2] =	stream.indirect.scatter.add.f32 [tilespmem:s24], [sflag:$0x8], $0x80, s28, s17, $0xb8;
	[tilespmem:$0x1CC00] =	vst v63  }
0xd7: {  	_ =	swait.ge [sflag:s8], $0x1900  }
0xd8: {  	[sflag:s8] =	ssyncset.done $0x0  }
0xd9: {  	[sflag:s8] =	ssyncadd.s32 $0xFFFFE700  }
0xda: {  	[bflag:$0x0] =	sbarrier.arrive $0xFFFF  }
0xdb: {  	s12 =	rddreg [dreg:$0x5]  }
0xdc: {  	s0 =	rddreg [dreg:$0x6]  }
0xdd: {  	s3 =	rddreg [dreg:$0x8]  }
0xde: {  	[hbm:s0], [sflag:s12] =	dma.local [spmem:s3], $0x2800  }
0xdf: {  	_ =	swait.ge [sflag:s13], $0x2800  }
0xe0: {  	s11 =	rddreg [dreg:$0x4]  }
0xe1: {  	s29 =	rddreg [dreg:$0x7];
	s11 =	sadd.s32 $0x1, s11  }
0xe2: {  	p0 =	sne.s32 s11, s29  }
.Ltmp2:
0xe3: {  	_ = 	snop;
	(pc) =	sbr.rel @p0 .LBB2_1-.Ltmp2, $3  }
0xe4: {  	_ =	sdelay $0x1  }
0xe5: {  	[sflag:s13] =	ssyncset.done $0x0  }
0xe6: {  	[sflag:s13] =	ssyncadd.s32 $0xFFFFD800  }
0xe7: {  	_ =	sfence.sel $0x180000  }
0xe8: {  	[bflag:$0x0] =	sbarrier.arrive $0xFFFF  }
0xe9: {  	_ =	strace $0x9000004A  }
0xea: {  	s0 =	stileid.u32;
	[bflag:$0x2] =	sbarrier.arrive $0xFFFF  }
0xeb: {  	p0 =	sne.s32 s0, $0x0;
	s0 =	rddreg [dreg:$0x3]  }
0xec: {  	s0 =	sadd.s32 @!p0 $0x100000, s0  }
0xed: {  	[sflag:s0] =	ssyncadd.tile.s32 @!p0 $0x1;
	_ =	shalt  }
.Lfunc_end2:
_tile_overlayer_lowered:
.L_overlay_start_2:
0xee: {  	(tag) =	ssettag $0x2  }
0xef: {  	s0 =	rddreg [dreg:$0x0];
	s2 =	stileid.u32  }
0xf0: {  	s1 =	rddreg [dreg:$0x1];
	p0 =	sne.s32 s2, $0x0  }
0xf1: {  	s3 =	rddreg [dreg:$0x2];
	[bflag:$0x3] =	sbarrier.arrive $0xFFFF;
	s2 =	simm.s32 @!p0 $0x1C01  }
0xf2: {  	[timem:s3], [sflag:s2] =	dma.local @!p0 [hbm:s0], s1  }
0xf3: {  	s0 =	simm.s32 @!p0 $0x1  }
0xf4: {  	_ =	swait.ge @!p0 [sflag:s0], s1  }
0xf5: {  	s1 =	ssub.s32 @!p0 $0x0, s1;
	[sflag:s0] =	ssyncset.done @!p0 $0x0  }
0xf6: {  	[sflag:s0] =	ssyncadd.s32 @!p0 s1  }
0xf7: {  	[bflag:$0x3] =	sbarrier.arrive $0xFFFF  }
0xf8: {  	_ =	shalt  }

// kernel: kernel.17.cloned.1.call-start
scs
__scs_entry_jumppad:
0x0: {  	(pc) =	sbr.rel $0x88, $3  }
0x1: {  	(tag) =	ssettag $0x0;
	lr =	simm.s32 $0x1  }
0x2: {  	[smem:$0x3F99] =	sst lr;
	_ =	strace $0xD0000000  }
0x3: {  	_ = 	snop  }
0x4: {  	_ = 	snop  }
0x5: {  	_ = 	snop  }
0x6: {  	_ = 	snop  }
0x7: {  	_ = 	snop  }
__scs_overlays_trampoline_lowered:
0x8: {  	[smem:$0x3FA8] =	sst s0  }
0x9: {  	[smem:$0x3FA9] =	sst s1  }
0xa: {  	[smem:$0x3FAA] =	sst s2  }
0xb: {  	[smem:$0x3FAB] =	sst s3  }
0xc: {  	[smem:$0x3FAC] =	sst s4  }
0xd: {  	[smem:$0x3FAD] =	sst s5  }
0xe: {  	[smem:$0x3FAE] =	sst s6  }
0xf: {  	[smem:$0x3FAF] =	sst s7  }
0x10: {  	[smem:$0x3FB0] =	sst s8  }
0x11: {  	[smem:$0x3FB1] =	sst s9;
	s0 =	simm.s32 @!p0 $0x0  }
0x12: {  	s1 =	sld [smem:$0x3F97];
	s0 =	simm.s32 @p0 $0x1  }
0x13: {  	[smem:$0x3FB2] =	sst s0;
	s0 =	simm.s32 @!p1 $0x0  }
0x14: {  	s2 =	sld [smem:$0x3F96];
	s0 =	simm.s32 @p1 $0x1  }
0x15: {  	[smem:$0x3FB3] =	sst s0;
	s0 =	simm.s32 @!p2 $0x0  }
0x16: {  	s3 =	sld [smem:$0x3FDB];
	s0 =	simm.s32 @p2 $0x1  }
0x17: {  	s4 =	simm.s32 $0x1BF5;
	[smem:$0x3FB5] =	sst s0  }
0x18: {  	s0 =	sld [smem:$0x3F98];
	_ =	swait.ge [sflag:s4], $0x0  }
0x19: {  	s7 =	sld [smem:$0x3F99]  }
0x1a: {  	s8 =	sadd.s32 $0xFFFFE003, lr  }
0x1b: {  	s9 =	sadd.s32 $0xFFFFFEF7, lr;
	s5 =	simm.s32 $0xFFFFFFFF;
	p2 =	slt.u32 s8, $0xFFFFF086  }
0x1c: {  	p1 =	slt.u32 s9, $0xF7A;
	s5 =	simm.s32 @!p2 $0x0  }
0x1d: {  	s5 =	simm.s32 @p1 $0x1;
	p0 =	seq.s32 s7, s2  }
0x1e: {  	s7 =	smul.u32 @!p0 $0xF7A, s2;
	p2 =	seq.s32 @!p0 s5, $0x0  }
0x1f: {  	s9 =	smul.u32 $0xF7A, s1;
	s8 =	simm.s32 @!p0 $0x1BF5;
	p2 =	por !p2, p0  }
0x20: {  	[sflag:s8] =	ssyncset.s32 @!p0 $0xFFFFF086;
	s6 =	sadd.s32 @!p0 s3, s7;
	s7 =	simm.s32 @!p0 $0x108  }
0x21: {  	s3 =	sadd.s32 s3, s9;
	s6 =	sadd.s32 @!p0 $0x88, s6;
	s7 =	simm.s32 @p2 $0x1082  }
0x22: {  	[simem:s7], [sflag:s8] =	dma.local @!p0 [hbm:s6], $0xF7A  }
0x23: {  	s9 =	sor.u32 $0xD0000000, s2;
	s6 =	simm.s32 $0x108;
	_ =	swait.ge @!p0 [sflag:s8], $0x0  }
0x24: {  	s3 =	sadd.s32 $0x88, s3;
	s6 =	simm.s32 @!p1 $0x1082;
	[sflag:s4] =	ssyncset.s32 $0xFFFFF086  }
0x25: {  	[simem:s6], [sflag:s4] =	dma.local [hbm:s3], $0xF7A  }
0x26: {  	[smem:$0x3F99] =	sst s1;
	(tag) =	ssettag s2;
	_ =	strace s9  }
0x27: {  	s1 =	sld [smem:$0x3FA9]  }
0x28: {  	s2 =	sld [smem:$0x3FAA]  }
0x29: {  	s4 =	sld [smem:$0x3FAC]  }
0x2a: {  	p0 =	seq.s32 s5, $0x0;
	s5 =	sld [smem:$0x3FAD]  }
0x2b: {  	s6 =	sld [smem:$0x3FAE]  }
0x2c: {  	s7 =	sld [smem:$0x3FAF]  }
0x2d: {  	s3 =	simm.s32 $0x108;
	s8 =	sld [smem:$0x3FB0]  }
0x2e: {  	s3 =	simm.s32 @!p0 $0x1082;
	s9 =	sld [smem:$0x3FB1]  }
0x2f: {  	lr =	sadd.s32 s0, s3;
	s0 =	sld [smem:$0x3FA8]  }
0x30: {  	s3 =	sld [smem:$0x3FAB]  }
0x31: {  	[smem:$0x3FB4] =	sst s10  }
0x32: {  	s10 =	sld [smem:$0x3FB2];
	_ =	sdelay $0x3  }
0x33: {  	p0 =	seq.s32 s10, $0x1;
	s10 =	sld [smem:$0x3FB4];
	_ =	sdelay $0x3  }
0x34: {  	[smem:$0x3FB4] =	sst s10  }
0x35: {  	s10 =	sld [smem:$0x3FB3];
	_ =	sdelay $0x3  }
0x36: {  	p1 =	seq.s32 s10, $0x1;
	s10 =	sld [smem:$0x3FB4];
	_ =	sdelay $0x3  }
0x37: {  	[smem:$0x3FB4] =	sst s10  }
0x38: {  	s10 =	sld [smem:$0x3FB5]  }
0x39: {  	_ = 	snop;
	(pc) =	sbr.ind lr, $3  }
0x3a: {  	_ = 	snop  }
0x3b: {  	_ = 	snop  }
0x3c: {  	p2 =	seq.s32 s10, $0x1;
	s10 =	sld [smem:$0x3FB4]  }
0x3d: {  	_ =	shalt  }
0x3e: {  	_ =	shalt  }
0x3f: {  	_ =	shalt  }
0x40: {  	_ =	shalt  }
0x41: {  	_ =	shalt  }
0x42: {  	_ =	shalt  }
0x43: {  	_ =	shalt  }
0x44: {  	_ =	shalt  }
0x45: {  	_ =	shalt  }
0x46: {  	_ =	shalt  }
0x47: {  	_ =	shalt  }
0x48: {  	_ =	shalt  }
0x49: {  	_ =	shalt  }
0x4a: {  	_ =	shalt  }
0x4b: {  	_ =	shalt  }
0x4c: {  	_ =	shalt  }
0x4d: {  	_ =	shalt  }
0x4e: {  	_ =	shalt  }
0x4f: {  	_ =	shalt  }
0x50: {  	_ =	shalt  }
0x51: {  	_ =	shalt  }
0x52: {  	_ =	shalt  }
0x53: {  	_ =	shalt  }
0x54: {  	_ =	shalt  }
0x55: {  	_ =	shalt  }
0x56: {  	_ =	shalt  }
0x57: {  	_ =	shalt  }
0x58: {  	_ =	shalt  }
0x59: {  	_ =	shalt  }
0x5a: {  	_ =	shalt  }
0x5b: {  	_ =	shalt  }
0x5c: {  	_ =	shalt  }
0x5d: {  	_ =	shalt  }
0x5e: {  	_ =	shalt  }
0x5f: {  	_ =	shalt  }
0x60: {  	_ =	shalt  }
0x61: {  	_ =	shalt  }
0x62: {  	_ =	shalt  }
0x63: {  	_ =	shalt  }
0x64: {  	_ =	shalt  }
0x65: {  	_ =	shalt  }
0x66: {  	_ =	shalt  }
0x67: {  	_ =	shalt  }
0x68: {  	_ =	shalt  }
0x69: {  	_ =	shalt  }
0x6a: {  	_ =	shalt  }
0x6b: {  	_ =	shalt  }
0x6c: {  	_ =	shalt  }
0x6d: {  	_ =	shalt  }
0x6e: {  	_ =	shalt  }
0x6f: {  	_ =	shalt  }
0x70: {  	_ =	shalt  }
0x71: {  	_ =	shalt  }
0x72: {  	_ =	shalt  }
0x73: {  	_ =	shalt  }
0x74: {  	_ =	shalt  }
0x75: {  	_ =	shalt  }
0x76: {  	_ =	shalt  }
0x77: {  	_ =	shalt  }
0x78: {  	_ =	shalt  }
0x79: {  	_ =	shalt  }
0x7a: {  	_ =	shalt  }
0x7b: {  	_ =	shalt  }
0x7c: {  	_ =	shalt  }
0x7d: {  	_ =	shalt  }
0x7e: {  	_ =	shalt  }
0x7f: {  	_ =	shalt  }
0x80: {  	_ =	shalt  }
0x81: {  	_ =	shalt  }
0x82: {  	_ =	shalt  }
0x83: {  	_ =	shalt  }
0x84: {  	_ =	shalt  }
0x85: {  	_ =	shalt  }
0x86: {  	_ =	shalt  }
0x87: {  	_ =	shalt  }
.Lfunc_end0:
.L_simem_size_0:
called_computation.2_lowered:
.L_overlay_start_0:
0x88: {  	s2 =	sld [smem:$0x3FD9]  }
0x89: {  	s3 =	sld [smem:$0x3FFE];
	_ =	sdelay $0x1  }
0x8a: {  	s1 =	srdreg.scid  }
0x8b: {  	s0 =	sand.u32 $0x1, s1  }
0x8c: {  	s17 =	sshll.u32 s0, $0xA;
	s2 =	sadd.s32 s3, s2  }
0x8d: {  	s2 =	sadd.s32 s2, s17  }
0x8e: {  	[smem:$0x3FC0] =	sst s2  }
0x8f: {  	_ = 	snop  }
0x90: {  	s2 =	sld [smem:$0x3FD0];
	(tm) =	ssettm $0x1  }
0x91: {  	s18 =	sld [smem:$0x3FFB];
	_ =	sdelay $0x3  }
0x92: {  	_ =	strace s18  }
0x93: {  	s3 =	sld [smem:$0x3FFC];
	_ =	sdelay $0x3  }
0x94: {  	_ =	strace s3  }
0x95: {  	s3 =	sld [smem:$0x3FFD];
	_ =	sdelay $0x3  }
0x96: {  	_ =	strace s3  }
0x97: {  	_ =	strace $0x8FFFFFFF  }
0x98: {  	s19 =	sld [smem:$0x3FDB];
	_ =	sdelay $0x1  }
0x99: {  	s4 =	simm.s32 $_scs_section_size  }
0x9a: {  	s5 =	simm.s32 $_size__tile_overlayer_lowered;
	s6 =	simm.s32 $_tile_overlayer_lowered  }
0x9b: {  	s22 =	simm.s32 $0x1BFF;
	s21 =	sshll.u32 s6, $0x1;
	s3 =	sadd.s32 s4, s19  }
0x9c: {  	s7 =	simm.s32 $0x0;
	s20 =	sshll.u32 s5, $0x1;
	s5 =	sadd.s32 s21, s3  }
0x9d: {  	[timem:s7], [sflag:s22] =	dma.local [hbm:s5], s20  }
0x9e: {  	_ =	swait.ge [sflag:s22], s20  }
0x9f: {  	s4 =	ssub.s32 $0x0, s20;
	[sflag:s22] =	ssyncset.done $0x0  }
0xa0: {  	[sflag:s22] =	ssyncadd.s32 s4;
	_ =	sdelay $0x1  }
0xa1: {  	s23 =	simm.s32 $0x1B8B  }
0xa2: {  	_ =	swait.ge [sflag:s23], $0x1  }
0xa3: {  	[sflag:s23] =	ssyncset.done $0x0  }
0xa4: {  	s25 =	simm.s32 $0x1B8E;
	s24 =	sld [smem:$0x3FFE];
	[sflag:s23] =	ssyncadd.s32 $0xFFFFFFFF  }
0xa5: {  	s26 =	simm.s32 $execute0_lowered;
	[smem:$0x3FD2] =	sst s25  }
0xa6: {  	s5 =	sshll.u32 s26, $0x1;
	_ =	strace $0x8000004C;
	[dreg:$0x1] =	wrdreg $0xFFFFFFFF  }
0xa7: {  	s28 =	simm.s32 $_size_execute0_lowered;
	s3 =	sadd.s32 s3, s5;
	[dreg:$0x0] =	wrdreg $0x0  }
0xa8: {  	s5 =	sshll.u32 s28, $0x1;
	[dreg:$0x2] =	wrdreg s3  }
0xa9: {  	[dreg:$0x3] =	wrdreg s5  }
0xaa: {  	[dreg:$0x4] =	wrdreg $0xC0  }
0xab: {  	_ =	task [dreg:s7], $0x5FFFF  }
0xac: {  	[dreg:$0x1] =	wrdreg $0xFFFFFFFF  }
0xad: {  	[dreg:$0x0] =	wrdreg $0x60  }
0xae: {  	[dreg:$0x2] =	wrdreg s24  }
0xaf: {  	[dreg:$0x3] =	wrdreg s2  }
0xb0: {  	[dreg:$0x4] =	wrdreg $0x0  }
0xb1: {  	[dreg:$0x5] =	wrdreg $0x9  }
0xb2: {  	_ =	task.clear_ibuf [dreg:s7], $0x6FFFF;
	_ =	strace $0x9000004C  }
0xb3: {  	s29 =	simm.s32 $0x9;
	_ =	strace $0x8000004E  }
0xb4: {  	_ =	swait.ge [sflag:s29], $0x1  }
0xb5: {  	[sflag:s29] =	ssyncadd.s32 $0xFFFFFFFF  }
0xb6: {  	_ =	strace $0x9000004E  }
0xb7: {  	_ =	sfence  }
0xb8: {  	s30 =	sld [smem:$0x0];
	_ =	sdelay $0x2  }
0xb9: {  	s31 =	sshll.u32 s1, $0xD;
	s1 =	sshrl.u32 s1, $0x2  }
0xba: {  	s3 =	sand.u32 $0x4000, s31;
	s1 =	sadd.s32 s1, s30  }
0xbb: {  	s0 =	sor.u32 s3, s0;
	s1 =	sshll.u32 s1, $0x11  }
0xbc: {  	s0 =	sor.u32 s1, s0  }
0xbd: {  	s0 =	sadd.s32 $0x8F2B, s0  }
0xbe: {  	[sflag:s0] =	ssyncadd.remote.s32 $0x1  }
0xbf: {  	_ =	sfence.sel $0xFFFF  }
0xc0: {  	[dreg:$0x0] =	wrdreg $0xFFFFFFFF;
	(pc) =	sbr.abs _section_cstart, $3  }
0xc1: {  	[dreg:$0x1] =	wrdreg $0xFFFFFFFF  }
0xc2: {  	_ =	task.clear_ibuf [dreg:s7], $0x2FFFF;
	_ =	strace $0x9FFFFFFF  }
0xc3: {  	(tm) =	ssettm $0x7FFFFFFF  }
tec
execute0_lowered:
.L_overlay_start_1:
0x0: {  	(tag) =	ssettag $0x1  }
0x1: {  	s0 =	rddreg [dreg:$0x0]  }
0x2: {  	s2 =	rddreg [dreg:$0x2];
	s1 =	srdreg.scid  }
0x3: {  	s11 =	simm.s32 $0x0;
	s10 =	stileid.u32;
	s13 =	simm.s32 $0x1  }
0x4: {  	s14 =	simm.s32 $0x14000;
	s15 =	simm.s32 $0x9;
	s16 =	simm.s32 $0x15400  }
0x5: {  	s17 =	simm.s32 $0x32;
	s18 =	simm.s32 $0x16800;
	s20 =	simm.s32 $0x18100  }
0x6: {  	s30 =	simm.s32 $0x3;
	s31 =	simm.s32 $0x6;
	s19 =	simm.s32 $0x15380  }
0x7: {  	s21 =	simm.s32 $0x16680;
	s28 =	simm.s32 $0x16780;
	s1 =	sand.u32 $0x1, s1  }
0x8: {  	[smem:$0x7FF] =	sst s11;
	s4 =	smul.u32 $0x14000, s10;
	s5 =	sadd.s32 $0x40A00, s0  }
0x9: {  	s6 =	sadd.s32 $0xEA00, s0;
	s7 =	sadd.s32 $0x27A00, s0;
	s9 =	smul.u32 $0x50000, s10  }
0xa: {  	s24 =	sshll.u32 s10, $0x1;
	s26 =	sshll.u32 s10, $0x6;
	s10 =	simm.s32 $0x7  }
0xb: {  	s3 =	smul.u32 $0x140000, s1;
	_ =	strace $0x8000004D;
	s22 =	ssub.s32 $0x2, s1  }
0xc: {  	s1 =	sor.u32 s1, s24;
	s12 =	sor.u32 $0x1C01, s26;
	s24 =	simm.s32 $0x1B300  }
0xd: {  	s26 =	simm.s32 $0x5;
	s8 =	sshrl.u32 s22, $0x1;
	s25 =	sshrl.u32 s9, $0x2  }
0xe: {  	s9 =	smul.u32 $0x5, s1;
	s1 =	simm.s32 $0x4;
	[dreg:$0x5] =	wrdreg s12  }
0xf: {  	s3 =	sadd.s32 s4, s3;
	s23 =	ssub.s32 s22, s8;
	s4 =	sadd.s32 s25, s2  }
0x10: {  	s22 =	simm.s32 $0x19A00;
	s3 =	sshrl.u32 s3, $0x3;
	s29 =	smax.u32 s23, $0x1  }
0x11: {  	s0 =	sadd.s32 s3, s0;
	[dreg:$0x7] =	wrdreg s29;
	s3 =	sshrl.u32 s4, $0x3  }
0x12: {  	s25 =	simm.s32 $0x2;
	s0 =	sadd.s32 $0x67C00, s0;
	[dreg:$0x8] =	wrdreg s3  }
0x13: {  	s8 =	simm.s32 $0x8;
	s23 =	simm.s32 $0x16700;
	[dreg:$0x6] =	wrdreg s0  }
.LBB2_1:
0x14: {  	[dreg:$0x4] =	wrdreg s11  }
0x15: {  	s0 =	rddreg [dreg:$0x1]  }
0x16: {  	[spmem:s3], [sflag:s12] =	dma.local [hbm:s0], $0x2800  }
0x17: {  	_ =	swait.ge [sflag:s13], $0x2800  }
0x18: {  	[sflag:s13] =	ssyncset.done $0x0  }
0x19: {  	[sflag:s13] =	ssyncadd.s32 $0xFFFFD800  }
0x1a: {  	s29 =	simm.s32 $0x0;
	[bflag:$0x0] =	sbarrier.arrive $0xFFFF  }
.LBB2_2:
0x1b: {  	s0 =	sadd.s32 s9, s29  }
0x1c: {  	s0 =	smul.u32 $0x280, s0;
	_ =	sdelay $0x1  }
0x1d: {  	s4 =	simm.s32 $0x0;
	s3 =	sadd.s32 s6, s0  }
0x1e: {  	[tilespmem:s14], [sflag:$0x9] =	stream.linear.gather [hbm4b:s3+s4], $0x1400, $0x38;
	[tilespmem:$0x1CC00] =	vst v63  }
0x1f: {  	_ =	swait.ge [sflag:s15], $0x1400  }
0x20: {  	[sflag:s15] =	ssyncset.done $0x0  }
0x21: {  	s0 =	sadd.s32 s7, s0;
	[sflag:s15] =	ssyncadd.s32 $0xFFFFEC00  }
0x22: {  	[tilespmem:s16], [sflag:$0x9] =	stream.linear.gather [hbm4b:s0+s4], $0x1400, $0x38;
	[tilespmem:$0x1CC00] =	vst v63  }
0x23: {  	_ =	swait.ge [sflag:s15], $0x1400  }
0x24: {  	[sflag:s15] =	ssyncset.done $0x0  }
0x25: {  	[sflag:s15] =	ssyncadd.s32 $0xFFFFEC00  }
0x26: {  	[tilespmem:s18], [sflag:$0x1] =	stream.indirect.gather [hbm4b:s5+s17], $0x80, s14, s17, $0xb8;
	[tilespmem:$0x1CC00] =	vst v63  }
0x27: {  	s4 =	simm.s32 $0x14080  }
0x28: {  	[tilespmem:s20], [sflag:$0x2] =	stream.indirect.gather [hbm4b:s5+s17], $0x80, s4, s17, $0xb8;
	[tilespmem:$0x1CC00] =	vst v63  }
0x29: {  	s11 =	simm.s32 $0x14100  }
0x2a: {  	[tilespmem:s22], [sflag:$0x3] =	stream.indirect.gather [hbm4b:s5+s17], $0x80, s11, s17, $0xb8;
	[tilespmem:$0x1CC00] =	vst v63  }
0x2b: {  	_ =	swait.ge [sflag:s13], $0x1900  }
0x2c: {  	[sflag:s13] =	ssyncset.done $0x0  }
0x2d: {  	[sflag:s13] =	ssyncadd.s32 $0xFFFFE700  }
0x2e: {  	[spmem:s2] =	stream.indirect.scatter.add.f32 [tilespmem:s18], [sflag:$0x5], $0x80, s16, s17, $0xb8;
	[tilespmem:$0x1CC00] =	vst v63  }
0x2f: {  	s12 =	simm.s32 $0x14180  }
0x30: {  	[tilespmem:s24], [sflag:$0x4] =	stream.indirect.gather [hbm4b:s5+s17], $0x80, s12, s17, $0xb8;
	[tilespmem:$0x1CC00] =	vst v63  }
0x31: {  	_ =	swait.ge [sflag:s25], $0x1900  }
0x32: {  	[sflag:s25] =	ssyncset.done $0x0  }
0x33: {  	[sflag:s25] =	ssyncadd.s32 $0xFFFFE700  }
0x34: {  	_ =	swait.ge [sflag:s26], $0x1900  }
0x35: {  	[sflag:s26] =	ssyncset.done $0x0  }
0x36: {  	s3 =	simm.s32 $0x15480;
	[sflag:s26] =	ssyncadd.s32 $0xFFFFE700  }
0x37: {  	[spmem:s2] =	stream.indirect.scatter.add.f32 [tilespmem:s20], [sflag:$0x6], $0x80, s3, s17, $0xb8;
	[tilespmem:$0x1CC00] =	vst v63  }
0x38: {  	s4 =	simm.s32 $0x14200  }
0x39: {  	[tilespmem:s18], [sflag:$0x1] =	stream.indirect.gather [hbm4b:s5+s17], $0x80, s4, s17, $0xb8;
	[tilespmem:$0x1CC00] =	vst v63  }
0x3a: {  	_ =	swait.ge [sflag:s30], $0x1900  }
0x3b: {  	[sflag:s30] =	ssyncset.done $0x0  }
0x3c: {  	[sflag:s30] =	ssyncadd.s32 $0xFFFFE700  }
0x3d: {  	_ =	swait.ge [sflag:s31], $0x1900  }
0x3e: {  	[sflag:s31] =	ssyncset.done $0x0  }
0x3f: {  	s11 =	simm.s32 $0x15500;
	[sflag:s31] =	ssyncadd.s32 $0xFFFFE700  }
0x40: {  	[spmem:s2] =	stream.indirect.scatter.add.f32 [tilespmem:s22], [sflag:$0x7], $0x80, s11, s17, $0xb8;
	[tilespmem:$0x1CC00] =	vst v63  }
0x41: {  	s12 =	simm.s32 $0x14280  }
0x42: {  	[tilespmem:s20], [sflag:$0x2] =	stream.indirect.gather [hbm4b:s5+s17], $0x80, s12, s17, $0xb8;
	[tilespmem:$0x1CC00] =	vst v63  }
0x43: {  	_ =	swait.ge [sflag:s1], $0x1900  }
0x44: {  	[sflag:s1] =	ssyncset.done $0x0  }
0x45: {  	[sflag:s1] =	ssyncadd.s32 $0xFFFFE700  }
0x46: {  	_ =	swait.ge [sflag:s10], $0x1900  }
0x47: {  	[sflag:s10] =	ssyncset.done $0x0  }
0x48: {  	s3 =	simm.s32 $0x15580;
	[sflag:s10] =	ssyncadd.s32 $0xFFFFE700  }
0x49: {  	[spmem:s2] =	stream.indirect.scatter.add.f32 [tilespmem:s24], [sflag:$0x8], $0x80, s3, s17, $0xb8;
	[tilespmem:$0x1CC00] =	vst v63  }
0x4a: {  	s4 =	simm.s32 $0x14300  }
0x4b: {  	[tilespmem:s22], [sflag:$0x3] =	stream.indirect.gather [hbm4b:s5+s17], $0x80, s4, s17, $0xb8;
	[tilespmem:$0x1CC00] =	vst v63  }
0x4c: {  	_ =	swait.ge [sflag:s13], $0x1900  }
0x4d: {  	[sflag:s13] =	ssyncset.done $0x0  }
0x4e: {  	[sflag:s13] =	ssyncadd.s32 $0xFFFFE700  }
0x4f: {  	_ =	swait.ge [sflag:s8], $0x1900  }
0x50: {  	[sflag:s8] =	ssyncset.done $0x0  }
0x51: {  	s11 =	simm.s32 $0x15600;
	[sflag:s8] =	ssyncadd.s32 $0xFFFFE700  }
0x52: {  	[spmem:s2] =	stream.indirect.scatter.add.f32 [tilespmem:s18], [sflag:$0x5], $0x80, s11, s17, $0xb8;
	[tilespmem:$0x1CC00] =	vst v63  }
0x53: {  	s12 =	simm.s32 $0x14380  }
0x54: {  	[tilespmem:s24], [sflag:$0x4] =	stream.indirect.gather [hbm4b:s5+s17], $0x80, s12, s17, $0xb8;
	[tilespmem:$0x1CC00] =	vst v63  }
0x55: {  	_ =	swait.ge [sflag:s25], $0x1900  }
0x56: {  	[sflag:s25] =	ssyncset.done $0x0  }
0x57: {  	[sflag:s25] =	ssyncadd.s32 $0xFFFFE700  }
0x58: {  	_ =	swait.ge [sflag:s26], $0x1900  }
0x59: {  	[sflag:s26] =	ssyncset.done $0x0  }
0x5a: {  	s3 =	simm.s32 $0x15680;
	[sflag:s26] =	ssyncadd.s32 $0xFFFFE700  }
0x5b: {  	[spmem:s2] =	stream.indirect.scatter.add.f32 [tilespmem:s20], [sflag:$0x6], $0x80, s3, s17, $0xb8;
	[tilespmem:$0x1CC00] =	vst v63  }
0x5c: {  	s4 =	simm.s32 $0x14400  }
0x5d: {  	[tilespmem:s18], [sflag:$0x1] =	stream.indirect.gather [hbm4b:s5+s17], $0x80, s4, s17, $0xb8;
	[tilespmem:$0x1CC00] =	vst v63  }
0x5e: {  	_ =	swait.ge [sflag:s30], $0x1900  }
0x5f: {  	[sflag:s30] =	ssyncset.done $0x0  }
0x60: {  	[sflag:s30] =	ssyncadd.s32 $0xFFFFE700  }
0x61: {  	_ =	swait.ge [sflag:s31], $0x1900  }
0x62: {  	[sflag:s31] =	ssyncset.done $0x0  }
0x63: {  	s11 =	simm.s32 $0x15700;
	[sflag:s31] =	ssyncadd.s32 $0xFFFFE700  }
0x64: {  	[spmem:s2] =	stream.indirect.scatter.add.f32 [tilespmem:s22], [sflag:$0x7], $0x80, s11, s17, $0xb8;
	[tilespmem:$0x1CC00] =	vst v63  }
0x65: {  	s12 =	simm.s32 $0x14480  }
0x66: {  	[tilespmem:s20], [sflag:$0x2] =	stream.indirect.gather [hbm4b:s5+s17], $0x80, s12, s17, $0xb8;
	[tilespmem:$0x1CC00] =	vst v63  }
0x67: {  	_ =	swait.ge [sflag:s1], $0x1900  }
0x68: {  	[sflag:s1] =	ssyncset.done $0x0  }
0x69: {  	[sflag:s1] =	ssyncadd.s32 $0xFFFFE700  }
0x6a: {  	_ =	swait.ge [sflag:s10], $0x1900  }
0x6b: {  	s0 =	simm.s32 $0x200;
	[sflag:s10] =	ssyncset.done $0x0  }
0x6c: {  	s3 =	simm.s32 $0x1000;
	s4 =	simm.s32 $0x15780;
	[sflag:s10] =	ssyncadd.s32 $0xFFFFE700  }
.LBB2_3:
0x6d: {  	[spmem:s2] =	stream.indirect.scatter.add.f32 [tilespmem:s24], [sflag:$0x8], $0x80, s4, s17, $0xb8;
	[tilespmem:$0x1CC00] =	vst v63  }
0x6e: {  	s4 =	smov.u32 s3  }
0x6f: {  	s12 =	sadd.s32 $0x800, s3;
	s11 =	sshra.s32 s4, $0x2;
	s4 =	sadd.s32 $0x14300, s0  }
0x70: {  	[tilespmem:s22], [sflag:$0x3] =	stream.indirect.gather [hbm4b:s5+s17], $0x80, s4, s17, $0xb8;
	[tilespmem:$0x1CC00] =	vst v63  }
0x71: {  	p0 =	sne.s32 s3, $0x3800;
	_ =	swait.ge [sflag:s13], $0x1900  }
0x72: {  	[sflag:s13] =	ssyncset.done $0x0  }
0x73: {  	[sflag:s13] =	ssyncadd.s32 $0xFFFFE700  }
0x74: {  	_ =	swait.ge [sflag:s8], $0x1900  }
0x75: {  	[sflag:s8] =	ssyncset.done $0x0  }
0x76: {  	s3 =	sadd.s32 $0x15600, s0;
	[sflag:s8] =	ssyncadd.s32 $0xFFFFE700  }
0x77: {  	[spmem:s2] =	stream.indirect.scatter.add.f32 [tilespmem:s18], [sflag:$0x5], $0x80, s3, s17, $0xb8;
	[tilespmem:$0x1CC00] =	vst v63  }
0x78: {  	s3 =	sadd.s32 $0x14380, s0  }
0x79: {  	[tilespmem:s24], [sflag:$0x4] =	stream.indirect.gather [hbm4b:s5+s17], $0x80, s3, s17, $0xb8;
	[tilespmem:$0x1CC00] =	vst v63  }
0x7a: {  	_ =	swait.ge [sflag:s25], $0x1900  }
0x7b: {  	[sflag:s25] =	ssyncset.done $0x0  }
0x7c: {  	[sflag:s25] =	ssyncadd.s32 $0xFFFFE700  }
0x7d: {  	_ =	swait.ge [sflag:s26], $0x1900  }
0x7e: {  	[sflag:s26] =	ssyncset.done $0x0  }
0x7f: {  	s3 =	sadd.s32 $0x15680, s0;
	[sflag:s26] =	ssyncadd.s32 $0xFFFFE700  }
0x80: {  	[spmem:s2] =	stream.indirect.scatter.add.f32 [tilespmem:s20], [sflag:$0x6], $0x80, s3, s17, $0xb8;
	[tilespmem:$0x1CC00] =	vst v63  }
0x81: {  	s3 =	sadd.s32 $0x14400, s0  }
0x82: {  	[tilespmem:s18], [sflag:$0x1] =	stream.indirect.gather [hbm4b:s5+s17], $0x80, s3, s17, $0xb8;
	[tilespmem:$0x1CC00] =	vst v63  }
0x83: {  	_ =	swait.ge [sflag:s30], $0x1900  }
0x84: {  	[sflag:s30] =	ssyncset.done $0x0  }
0x85: {  	[sflag:s30] =	ssyncadd.s32 $0xFFFFE700  }
0x86: {  	_ =	swait.ge [sflag:s31], $0x1900  }
0x87: {  	[sflag:s31] =	ssyncset.done $0x0  }
0x88: {  	s3 =	sadd.s32 $0x15700, s0;
	[sflag:s31] =	ssyncadd.s32 $0xFFFFE700  }
0x89: {  	[spmem:s2] =	stream.indirect.scatter.add.f32 [tilespmem:s22], [sflag:$0x7], $0x80, s3, s17, $0xb8;
	[tilespmem:$0x1CC00] =	vst v63  }
0x8a: {  	s3 =	sadd.s32 $0x14480, s0  }
0x8b: {  	[tilespmem:s20], [sflag:$0x2] =	stream.indirect.gather [hbm4b:s5+s17], $0x80, s3, s17, $0xb8;
	[tilespmem:$0x1CC00] =	vst v63  }
0x8c: {  	_ =	swait.ge [sflag:s1], $0x1900  }
.Ltmp0:
0x8d: {  	[sflag:s1] =	ssyncset.done $0x0;
	(pc) =	sbr.rel @p0 .LBB2_3-.Ltmp0, $4  }
0x8e: {  	[sflag:s1] =	ssyncadd.s32 $0xFFFFE700  }
0x8f: {  	_ =	swait.ge [sflag:s10], $0x1900  }
0x90: {  	s4 =	sadd.s32 $0x15780, s0;
	[sflag:s10] =	ssyncset.done $0x0  }
0x91: {  	s0 =	smov.u32 s11;
	s3 =	smov.u32 s12;
	[sflag:s10] =	ssyncadd.s32 $0xFFFFE700  }
0x92: {  	[spmem:s2] =	stream.indirect.scatter.add.f32 [tilespmem:s24], [sflag:$0x8], $0x80, s4, s17, $0xb8;
	[tilespmem:$0x1CC00] =	vst v63  }
0x93: {  	s3 =	sadd.s32 $0x14300, s0  }
0x94: {  	[tilespmem:s22], [sflag:$0x3] =	stream.indirect.gather [hbm4b:s5+s17], $0x80, s3, s17, $0xb8;
	[tilespmem:$0x1CC00] =	vst v63  }
0x95: {  	_ =	swait.ge [sflag:s13], $0x1900  }
0x96: {  	[sflag:s13] =	ssyncset.done $0x0  }
0x97: {  	[sflag:s13] =	ssyncadd.s32 $0xFFFFE700  }
0x98: {  	_ =	swait.ge [sflag:s8], $0x1900  }
0x99: {  	[sflag:s8] =	ssyncset.done $0x0  }
0x9a: {  	s4 =	sadd.s32 $0x15600, s0;
	[sflag:s8] =	ssyncadd.s32 $0xFFFFE700  }
0x9b: {  	[spmem:s2] =	stream.indirect.scatter.add.f32 [tilespmem:s18], [sflag:$0x5], $0x80, s4, s17, $0xb8;
	[tilespmem:$0x1CC00] =	vst v63  }
0x9c: {  	s11 =	sadd.s32 $0x14380, s0  }
0x9d: {  	[tilespmem:s24], [sflag:$0x4] =	stream.indirect.gather [hbm4b:s5+s17], $0x80, s11, s17, $0xb8;
	[tilespmem:$0x1CC00] =	vst v63  }
0x9e: {  	_ =	swait.ge [sflag:s25], $0x1900  }
0x9f: {  	[sflag:s25] =	ssyncset.done $0x0  }
0xa0: {  	[sflag:s25] =	ssyncadd.s32 $0xFFFFE700  }
0xa1: {  	_ =	swait.ge [sflag:s26], $0x1900  }
0xa2: {  	[sflag:s26] =	ssyncset.done $0x0  }
0xa3: {  	s12 =	sadd.s32 $0x15680, s0;
	[sflag:s26] =	ssyncadd.s32 $0xFFFFE700  }
0xa4: {  	[spmem:s2] =	stream.indirect.scatter.add.f32 [tilespmem:s20], [sflag:$0x6], $0x80, s12, s17, $0xb8;
	[tilespmem:$0x1CC00] =	vst v63  }
0xa5: {  	s4 =	sadd.s32 $0x14400, s0  }
0xa6: {  	[tilespmem:s18], [sflag:$0x1] =	stream.indirect.gather [hbm4b:s5+s17], $0x80, s4, s17, $0xb8;
	[tilespmem:$0x1CC00] =	vst v63  }
0xa7: {  	_ =	swait.ge [sflag:s30], $0x1900  }
0xa8: {  	[sflag:s30] =	ssyncset.done $0x0  }
0xa9: {  	[sflag:s30] =	ssyncadd.s32 $0xFFFFE700  }
0xaa: {  	_ =	swait.ge [sflag:s31], $0x1900  }
0xab: {  	[sflag:s31] =	ssyncset.done $0x0  }
0xac: {  	s11 =	sadd.s32 $0x15700, s0;
	[sflag:s31] =	ssyncadd.s32 $0xFFFFE700  }
0xad: {  	[spmem:s2] =	stream.indirect.scatter.add.f32 [tilespmem:s22], [sflag:$0x7], $0x80, s11, s17, $0xb8;
	[tilespmem:$0x1CC00] =	vst v63  }
0xae: {  	s12 =	sadd.s32 $0x14480, s0  }
0xaf: {  	[tilespmem:s20], [sflag:$0x2] =	stream.indirect.gather [hbm4b:s5+s17], $0x80, s12, s17, $0xb8;
	[tilespmem:$0x1CC00] =	vst v63  }
0xb0: {  	_ =	swait.ge [sflag:s1], $0x1900  }
0xb1: {  	[sflag:s1] =	ssyncset.done $0x0  }
0xb2: {  	[sflag:s1] =	ssyncadd.s32 $0xFFFFE700  }
0xb3: {  	_ =	swait.ge [sflag:s10], $0x1900  }
0xb4: {  	[sflag:s10] =	ssyncset.done $0x0  }
0xb5: {  	s4 =	sadd.s32 $0x15780, s0;
	[sflag:s10] =	ssyncadd.s32 $0xFFFFE700  }
0xb6: {  	[spmem:s2] =	stream.indirect.scatter.add.f32 [tilespmem:s24], [sflag:$0x8], $0x80, s4, s17, $0xb8;
	[tilespmem:$0x1CC00] =	vst v63  }
0xb7: {  	s11 =	simm.s32 $0x15300  }
0xb8: {  	[tilespmem:s22], [sflag:$0x3] =	stream.indirect.gather [hbm4b:s5+s17], $0x80, s11, s17, $0xb8;
	[tilespmem:$0x1CC00] =	vst v63  }
0xb9: {  	_ =	swait.ge [sflag:s13], $0x1900  }
0xba: {  	[sflag:s13] =	ssyncset.done $0x0  }
0xbb: {  	[sflag:s13] =	ssyncadd.s32 $0xFFFFE700  }
0xbc: {  	_ =	swait.ge [sflag:s8], $0x1900  }
0xbd: {  	[sflag:s8] =	ssyncset.done $0x0  }
0xbe: {  	s12 =	simm.s32 $0x16600;
	[sflag:s8] =	ssyncadd.s32 $0xFFFFE700  }
0xbf: {  	[spmem:s2] =	stream.indirect.scatter.add.f32 [tilespmem:s18], [sflag:$0x5], $0x80, s12, s17, $0xb8;
	[tilespmem:$0x1CC00] =	vst v63  }
0xc0: {  	_ = 	snop  }
0xc1: {  	[tilespmem:s24], [sflag:$0x4] =	stream.indirect.gather [hbm4b:s5+s17], $0x80, s19, s17, $0xb8;
	[tilespmem:$0x1CC00] =	vst v63  }
0xc2: {  	_ =	swait.ge [sflag:s25], $0x1900  }
0xc3: {  	[sflag:s25] =	ssyncset.done $0x0  }
0xc4: {  	[sflag:s25] =	ssyncadd.s32 $0xFFFFE700  }
0xc5: {  	_ =	swait.ge [sflag:s26], $0x1900  }
0xc6: {  	[sflag:s26] =	ssyncset.done $0x0  }
0xc7: {  	[sflag:s26] =	ssyncadd.s32 $0xFFFFE700  }
0xc8: {  	[spmem:s2] =	stream.indirect.scatter.add.f32 [tilespmem:s20], [sflag:$0x6], $0x80, s21, s17, $0xb8;
	[tilespmem:$0x1CC00] =	vst v63  }
0xc9: {  	_ =	swait.ge [sflag:s30], $0x1900  }
0xca: {  	[sflag:s30] =	ssyncset.done $0x0  }
0xcb: {  	[sflag:s30] =	ssyncadd.s32 $0xFFFFE700  }
0xcc: {  	_ =	swait.ge [sflag:s31], $0x1900  }
0xcd: {  	[sflag:s31] =	ssyncset.done $0x0  }
0xce: {  	[sflag:s31] =	ssyncadd.s32 $0xFFFFE700  }
0xcf: {  	[spmem:s2] =	stream.indirect.scatter.add.f32 [tilespmem:s22], [sflag:$0x7], $0x80, s23, s17, $0xb8;
	[tilespmem:$0x1CC00] =	vst v63  }
0xd0: {  	_ =	swait.ge [sflag:s1], $0x1900  }
0xd1: {  	[sflag:s1] =	ssyncset.done $0x0  }
0xd2: {  	[sflag:s1] =	ssyncadd.s32 $0xFFFFE700  }
0xd3: {  	s29 =	sadd.s32 $0x1, s29;
	_ =	swait.ge [sflag:s10], $0x1900  }
0xd4: {  	p0 =	sne.s32 s29, $0x5;
	[sflag:s10] =	ssyncset.done $0x0  }
.Ltmp1:
0xd5: {  	[sflag:s10] =	ssyncadd.s32 $0xFFFFE700;
	(pc) =	sbr.rel @p0 .LBB2_2-.Ltmp1, $4  }
0xd6: {  	[spmem:s2] =	stream.indirect.scatter.add.f32 [tilespmem:s24], [sflag:$0x8], $0x80, s28, s17, $0xb8;
	[tilespmem:$0x1CC00] =	vst v63  }
0xd7: {  	_ =	swait.ge [sflag:s8], $0x1900  }
0xd8: {  	[sflag:s8] =	ssyncset.done $0x0  }
0xd9: {  	[sflag:s8] =	ssyncadd.s32 $0xFFFFE700  }
0xda: {  	[bflag:$0x0] =	sbarrier.arrive $0xFFFF  }
0xdb: {  	s12 =	rddreg [dreg:$0x5]  }
0xdc: {  	s0 =	rddreg [dreg:$0x6]  }
0xdd: {  	s3 =	rddreg [dreg:$0x8]  }
0xde: {  	[hbm:s0], [sflag:s12] =	dma.local [spmem:s3], $0x2800  }
0xdf: {  	_ =	swait.ge [sflag:s13], $0x2800  }
0xe0: {  	s11 =	rddreg [dreg:$0x4]  }
0xe1: {  	s29 =	rddreg [dreg:$0x7];
	s11 =	sadd.s32 $0x1, s11  }
0xe2: {  	p0 =	sne.s32 s11, s29  }
.Ltmp2:
0xe3: {  	_ = 	snop;
	(pc) =	sbr.rel @p0 .LBB2_1-.Ltmp2, $3  }
0xe4: {  	_ =	sdelay $0x1  }
0xe5: {  	[sflag:s13] =	ssyncset.done $0x0  }
0xe6: {  	[sflag:s13] =	ssyncadd.s32 $0xFFFFD800  }
0xe7: {  	_ =	sfence.sel $0x180000  }
0xe8: {  	[bflag:$0x0] =	sbarrier.arrive $0xFFFF  }
0xe9: {  	_ =	strace $0x9000004D  }
0xea: {  	s0 =	stileid.u32;
	[bflag:$0x2] =	sbarrier.arrive $0xFFFF  }
0xeb: {  	p0 =	sne.s32 s0, $0x0;
	s0 =	rddreg [dreg:$0x3]  }
0xec: {  	s0 =	sadd.s32 @!p0 $0x100000, s0  }
0xed: {  	[sflag:s0] =	ssyncadd.tile.s32 @!p0 $0x1;
	_ =	shalt  }
.Lfunc_end2:
_tile_overlayer_lowered:
.L_overlay_start_2:
0xee: {  	(tag) =	ssettag $0x2  }
0xef: {  	s0 =	rddreg [dreg:$0x0];
	s2 =	stileid.u32  }
0xf0: {  	s1 =	rddreg [dreg:$0x1];
	p0 =	sne.s32 s2, $0x0  }
0xf1: {  	s3 =	rddreg [dreg:$0x2];
	[bflag:$0x3] =	sbarrier.arrive $0xFFFF;
	s2 =	simm.s32 @!p0 $0x1C01  }
0xf2: {  	[timem:s3], [sflag:s2] =	dma.local @!p0 [hbm:s0], s1  }
0xf3: {  	s0 =	simm.s32 @!p0 $0x1  }
0xf4: {  	_ =	swait.ge @!p0 [sflag:s0], s1  }
0xf5: {  	s1 =	ssub.s32 @!p0 $0x0, s1;
	[sflag:s0] =	ssyncset.done @!p0 $0x0  }
0xf6: {  	[sflag:s0] =	ssyncadd.s32 @!p0 s1  }
0xf7: {  	[bflag:$0x3] =	sbarrier.arrive $0xFFFF  }
0xf8: {  	_ =	shalt  }

// kernel: kernel.20.cloned.1.call-start
scs
__scs_entry_jumppad:
0x0: {  	(pc) =	sbr.rel $0x88, $3  }
0x1: {  	(tag) =	ssettag $0x0;
	lr =	simm.s32 $0x1  }
0x2: {  	[smem:$0x3F99] =	sst lr;
	_ =	strace $0xD0000000  }
0x3: {  	_ = 	snop  }
0x4: {  	_ = 	snop  }
0x5: {  	_ = 	snop  }
0x6: {  	_ = 	snop  }
0x7: {  	_ = 	snop  }
__scs_overlays_trampoline_lowered:
0x8: {  	[smem:$0x3FA8] =	sst s0  }
0x9: {  	[smem:$0x3FA9] =	sst s1  }
0xa: {  	[smem:$0x3FAA] =	sst s2  }
0xb: {  	[smem:$0x3FAB] =	sst s3  }
0xc: {  	[smem:$0x3FAC] =	sst s4  }
0xd: {  	[smem:$0x3FAD] =	sst s5  }
0xe: {  	[smem:$0x3FAE] =	sst s6  }
0xf: {  	[smem:$0x3FAF] =	sst s7  }
0x10: {  	[smem:$0x3FB0] =	sst s8  }
0x11: {  	[smem:$0x3FB1] =	sst s9;
	s0 =	simm.s32 @!p0 $0x0  }
0x12: {  	s1 =	sld [smem:$0x3F97];
	s0 =	simm.s32 @p0 $0x1  }
0x13: {  	[smem:$0x3FB2] =	sst s0;
	s0 =	simm.s32 @!p1 $0x0  }
0x14: {  	s2 =	sld [smem:$0x3F96];
	s0 =	simm.s32 @p1 $0x1  }
0x15: {  	[smem:$0x3FB3] =	sst s0;
	s0 =	simm.s32 @!p2 $0x0  }
0x16: {  	s3 =	sld [smem:$0x3FDB];
	s0 =	simm.s32 @p2 $0x1  }
0x17: {  	s4 =	simm.s32 $0x1BF5;
	[smem:$0x3FB5] =	sst s0  }
0x18: {  	s0 =	sld [smem:$0x3F98];
	_ =	swait.ge [sflag:s4], $0x0  }
0x19: {  	s7 =	sld [smem:$0x3F99]  }
0x1a: {  	s8 =	sadd.s32 $0xFFFFE003, lr  }
0x1b: {  	s9 =	sadd.s32 $0xFFFFFEF7, lr;
	s5 =	simm.s32 $0xFFFFFFFF;
	p2 =	slt.u32 s8, $0xFFFFF086  }
0x1c: {  	p1 =	slt.u32 s9, $0xF7A;
	s5 =	simm.s32 @!p2 $0x0  }
0x1d: {  	s5 =	simm.s32 @p1 $0x1;
	p0 =	seq.s32 s7, s2  }
0x1e: {  	s7 =	smul.u32 @!p0 $0xF7A, s2;
	p2 =	seq.s32 @!p0 s5, $0x0  }
0x1f: {  	s9 =	smul.u32 $0xF7A, s1;
	s8 =	simm.s32 @!p0 $0x1BF5;
	p2 =	por !p2, p0  }
0x20: {  	[sflag:s8] =	ssyncset.s32 @!p0 $0xFFFFF086;
	s6 =	sadd.s32 @!p0 s3, s7;
	s7 =	simm.s32 @!p0 $0x108  }
0x21: {  	s3 =	sadd.s32 s3, s9;
	s6 =	sadd.s32 @!p0 $0x88, s6;
	s7 =	simm.s32 @p2 $0x1082  }
0x22: {  	[simem:s7], [sflag:s8] =	dma.local @!p0 [hbm:s6], $0xF7A  }
0x23: {  	s9 =	sor.u32 $0xD0000000, s2;
	s6 =	simm.s32 $0x108;
	_ =	swait.ge @!p0 [sflag:s8], $0x0  }
0x24: {  	s3 =	sadd.s32 $0x88, s3;
	s6 =	simm.s32 @!p1 $0x1082;
	[sflag:s4] =	ssyncset.s32 $0xFFFFF086  }
0x25: {  	[simem:s6], [sflag:s4] =	dma.local [hbm:s3], $0xF7A  }
0x26: {  	[smem:$0x3F99] =	sst s1;
	(tag) =	ssettag s2;
	_ =	strace s9  }
0x27: {  	s1 =	sld [smem:$0x3FA9]  }
0x28: {  	s2 =	sld [smem:$0x3FAA]  }
0x29: {  	s4 =	sld [smem:$0x3FAC]  }
0x2a: {  	p0 =	seq.s32 s5, $0x0;
	s5 =	sld [smem:$0x3FAD]  }
0x2b: {  	s6 =	sld [smem:$0x3FAE]  }
0x2c: {  	s7 =	sld [smem:$0x3FAF]  }
0x2d: {  	s3 =	simm.s32 $0x108;
	s8 =	sld [smem:$0x3FB0]  }
0x2e: {  	s3 =	simm.s32 @!p0 $0x1082;
	s9 =	sld [smem:$0x3FB1]  }
0x2f: {  	lr =	sadd.s32 s0, s3;
	s0 =	sld [smem:$0x3FA8]  }
0x30: {  	s3 =	sld [smem:$0x3FAB]  }
0x31: {  	[smem:$0x3FB4] =	sst s10  }
0x32: {  	s10 =	sld [smem:$0x3FB2];
	_ =	sdelay $0x3  }
0x33: {  	p0 =	seq.s32 s10, $0x1;
	s10 =	sld [smem:$0x3FB4];
	_ =	sdelay $0x3  }
0x34: {  	[smem:$0x3FB4] =	sst s10  }
0x35: {  	s10 =	sld [smem:$0x3FB3];
	_ =	sdelay $0x3  }
0x36: {  	p1 =	seq.s32 s10, $0x1;
	s10 =	sld [smem:$0x3FB4];
	_ =	sdelay $0x3  }
0x37: {  	[smem:$0x3FB4] =	sst s10  }
0x38: {  	s10 =	sld [smem:$0x3FB5]  }
0x39: {  	_ = 	snop;
	(pc) =	sbr.ind lr, $3  }
0x3a: {  	_ = 	snop  }
0x3b: {  	_ = 	snop  }
0x3c: {  	p2 =	seq.s32 s10, $0x1;
	s10 =	sld [smem:$0x3FB4]  }
0x3d: {  	_ =	shalt  }
0x3e: {  	_ =	shalt  }
0x3f: {  	_ =	shalt  }
0x40: {  	_ =	shalt  }
0x41: {  	_ =	shalt  }
0x42: {  	_ =	shalt  }
0x43: {  	_ =	shalt  }
0x44: {  	_ =	shalt  }
0x45: {  	_ =	shalt  }
0x46: {  	_ =	shalt  }
0x47: {  	_ =	shalt  }
0x48: {  	_ =	shalt  }
0x49: {  	_ =	shalt  }
0x4a: {  	_ =	shalt  }
0x4b: {  	_ =	shalt  }
0x4c: {  	_ =	shalt  }
0x4d: {  	_ =	shalt  }
0x4e: {  	_ =	shalt  }
0x4f: {  	_ =	shalt  }
0x50: {  	_ =	shalt  }
0x51: {  	_ =	shalt  }
0x52: {  	_ =	shalt  }
0x53: {  	_ =	shalt  }
0x54: {  	_ =	shalt  }
0x55: {  	_ =	shalt  }
0x56: {  	_ =	shalt  }
0x57: {  	_ =	shalt  }
0x58: {  	_ =	shalt  }
0x59: {  	_ =	shalt  }
0x5a: {  	_ =	shalt  }
0x5b: {  	_ =	shalt  }
0x5c: {  	_ =	shalt  }
0x5d: {  	_ =	shalt  }
0x5e: {  	_ =	shalt  }
0x5f: {  	_ =	shalt  }
0x60: {  	_ =	shalt  }
0x61: {  	_ =	shalt  }
0x62: {  	_ =	shalt  }
0x63: {  	_ =	shalt  }
0x64: {  	_ =	shalt  }
0x65: {  	_ =	shalt  }
0x66: {  	_ =	shalt  }
0x67: {  	_ =	shalt  }
0x68: {  	_ =	shalt  }
0x69: {  	_ =	shalt  }
0x6a: {  	_ =	shalt  }
0x6b: {  	_ =	shalt  }
0x6c: {  	_ =	shalt  }
0x6d: {  	_ =	shalt  }
0x6e: {  	_ =	shalt  }
0x6f: {  	_ =	shalt  }
0x70: {  	_ =	shalt  }
0x71: {  	_ =	shalt  }
0x72: {  	_ =	shalt  }
0x73: {  	_ =	shalt  }
0x74: {  	_ =	shalt  }
0x75: {  	_ =	shalt  }
0x76: {  	_ =	shalt  }
0x77: {  	_ =	shalt  }
0x78: {  	_ =	shalt  }
0x79: {  	_ =	shalt  }
0x7a: {  	_ =	shalt  }
0x7b: {  	_ =	shalt  }
0x7c: {  	_ =	shalt  }
0x7d: {  	_ =	shalt  }
0x7e: {  	_ =	shalt  }
0x7f: {  	_ =	shalt  }
0x80: {  	_ =	shalt  }
0x81: {  	_ =	shalt  }
0x82: {  	_ =	shalt  }
0x83: {  	_ =	shalt  }
0x84: {  	_ =	shalt  }
0x85: {  	_ =	shalt  }
0x86: {  	_ =	shalt  }
0x87: {  	_ =	shalt  }
.Lfunc_end0:
.L_simem_size_0:
called_computation.3_lowered:
.L_overlay_start_0:
0x88: {  	s2 =	sld [smem:$0x3FD9]  }
0x89: {  	s3 =	sld [smem:$0x3FFE];
	_ =	sdelay $0x1  }
0x8a: {  	s1 =	srdreg.scid  }
0x8b: {  	s0 =	sand.u32 $0x1, s1  }
0x8c: {  	s17 =	sshll.u32 s0, $0xA;
	s2 =	sadd.s32 s3, s2  }
0x8d: {  	s2 =	sadd.s32 s2, s17  }
0x8e: {  	[smem:$0x3FC0] =	sst s2  }
0x8f: {  	_ = 	snop  }
0x90: {  	s2 =	sld [smem:$0x3FD0];
	(tm) =	ssettm $0x1  }
0x91: {  	s18 =	sld [smem:$0x3FFB];
	_ =	sdelay $0x3  }
0x92: {  	_ =	strace s18  }
0x93: {  	s3 =	sld [smem:$0x3FFC];
	_ =	sdelay $0x3  }
0x94: {  	_ =	strace s3  }
0x95: {  	s3 =	sld [smem:$0x3FFD];
	_ =	sdelay $0x3  }
0x96: {  	_ =	strace s3  }
0x97: {  	_ =	strace $0x8FFFFFFF  }
0x98: {  	s19 =	sld [smem:$0x3FDB];
	_ =	sdelay $0x1  }
0x99: {  	s4 =	simm.s32 $_scs_section_size  }
0x9a: {  	s5 =	simm.s32 $_size__tile_overlayer_lowered;
	s6 =	simm.s32 $_tile_overlayer_lowered  }
0x9b: {  	s22 =	simm.s32 $0x1BFF;
	s21 =	sshll.u32 s6, $0x1;
	s3 =	sadd.s32 s4, s19  }
0x9c: {  	s7 =	simm.s32 $0x0;
	s20 =	sshll.u32 s5, $0x1;
	s5 =	sadd.s32 s21, s3  }
0x9d: {  	[timem:s7], [sflag:s22] =	dma.local [hbm:s5], s20  }
0x9e: {  	_ =	swait.ge [sflag:s22], s20  }
0x9f: {  	s4 =	ssub.s32 $0x0, s20;
	[sflag:s22] =	ssyncset.done $0x0  }
0xa0: {  	[sflag:s22] =	ssyncadd.s32 s4;
	_ =	sdelay $0x1  }
0xa1: {  	s23 =	simm.s32 $0x1B8B  }
0xa2: {  	_ =	swait.ge [sflag:s23], $0x1  }
0xa3: {  	[sflag:s23] =	ssyncset.done $0x0  }
0xa4: {  	s25 =	simm.s32 $0x1B8E;
	s24 =	sld [smem:$0x3FFE];
	[sflag:s23] =	ssyncadd.s32 $0xFFFFFFFF  }
0xa5: {  	s26 =	simm.s32 $execute0_lowered;
	[smem:$0x3FD2] =	sst s25  }
0xa6: {  	s5 =	sshll.u32 s26, $0x1;
	_ =	strace $0x8000004F;
	[dreg:$0x1] =	wrdreg $0xFFFFFFFF  }
0xa7: {  	s28 =	simm.s32 $_size_execute0_lowered;
	s3 =	sadd.s32 s3, s5;
	[dreg:$0x0] =	wrdreg $0x0  }
0xa8: {  	s5 =	sshll.u32 s28, $0x1;
	[dreg:$0x2] =	wrdreg s3  }
0xa9: {  	[dreg:$0x3] =	wrdreg s5  }
0xaa: {  	[dreg:$0x4] =	wrdreg $0xC0  }
0xab: {  	_ =	task [dreg:s7], $0x5FFFF  }
0xac: {  	[dreg:$0x1] =	wrdreg $0xFFFFFFFF  }
0xad: {  	[dreg:$0x0] =	wrdreg $0x60  }
0xae: {  	[dreg:$0x2] =	wrdreg s24  }
0xaf: {  	[dreg:$0x3] =	wrdreg s2  }
0xb0: {  	[dreg:$0x4] =	wrdreg $0x0  }
0xb1: {  	[dreg:$0x5] =	wrdreg $0x9  }
0xb2: {  	_ =	task.clear_ibuf [dreg:s7], $0x6FFFF;
	_ =	strace $0x9000004F  }
0xb3: {  	s29 =	simm.s32 $0x9;
	_ =	strace $0x80000051  }
0xb4: {  	_ =	swait.ge [sflag:s29], $0x1  }
0xb5: {  	[sflag:s29] =	ssyncadd.s32 $0xFFFFFFFF  }
0xb6: {  	_ =	strace $0x90000051  }
0xb7: {  	_ =	sfence  }
0xb8: {  	s30 =	sld [smem:$0x0];
	_ =	sdelay $0x2  }
0xb9: {  	s31 =	sshll.u32 s1, $0xD;
	s1 =	sshrl.u32 s1, $0x2  }
0xba: {  	s3 =	sand.u32 $0x4000, s31;
	s1 =	sadd.s32 s1, s30  }
0xbb: {  	s0 =	sor.u32 s3, s0;
	s1 =	sshll.u32 s1, $0x11  }
0xbc: {  	s0 =	sor.u32 s1, s0  }
0xbd: {  	s0 =	sadd.s32 $0x8F2B, s0  }
0xbe: {  	[sflag:s0] =	ssyncadd.remote.s32 $0x1  }
0xbf: {  	_ =	sfence.sel $0xFFFF  }
0xc0: {  	[dreg:$0x0] =	wrdreg $0xFFFFFFFF;
	(pc) =	sbr.abs _section_cstart, $3  }
0xc1: {  	[dreg:$0x1] =	wrdreg $0xFFFFFFFF  }
0xc2: {  	_ =	task.clear_ibuf [dreg:s7], $0x2FFFF;
	_ =	strace $0x9FFFFFFF  }
0xc3: {  	(tm) =	ssettm $0x7FFFFFFF  }
tec
execute0_lowered:
.L_overlay_start_1:
0x0: {  	(tag) =	ssettag $0x1  }
0x1: {  	s0 =	rddreg [dreg:$0x0]  }
0x2: {  	s2 =	rddreg [dreg:$0x2];
	s1 =	srdreg.scid  }
0x3: {  	s11 =	simm.s32 $0x0;
	s10 =	stileid.u32;
	s13 =	simm.s32 $0x1  }
0x4: {  	s14 =	simm.s32 $0x14000;
	s15 =	simm.s32 $0x9;
	s16 =	simm.s32 $0x15400  }
0x5: {  	s17 =	simm.s32 $0x32;
	s18 =	simm.s32 $0x16800;
	s20 =	simm.s32 $0x18100  }
0x6: {  	s30 =	simm.s32 $0x3;
	s31 =	simm.s32 $0x6;
	s19 =	simm.s32 $0x15380  }
0x7: {  	s21 =	simm.s32 $0x16680;
	s28 =	simm.s32 $0x16780;
	s1 =	sand.u32 $0x1, s1  }
0x8: {  	[smem:$0x7FF] =	sst s11;
	s4 =	smul.u32 $0x14000, s10;
	s5 =	sadd.s32 $0x40A00, s0  }
0x9: {  	s6 =	sadd.s32 $0xEA00, s0;
	s7 =	sadd.s32 $0x27A00, s0;
	s9 =	smul.u32 $0x50000, s10  }
0xa: {  	s24 =	sshll.u32 s10, $0x1;
	s26 =	sshll.u32 s10, $0x6;
	s10 =	simm.s32 $0x7  }
0xb: {  	s3 =	smul.u32 $0x140000, s1;
	_ =	strace $0x80000050;
	s22 =	ssub.s32 $0x2, s1  }
0xc: {  	s1 =	sor.u32 s1, s24;
	s12 =	sor.u32 $0x1C01, s26;
	s24 =	simm.s32 $0x1B300  }
0xd: {  	s26 =	simm.s32 $0x5;
	s8 =	sshrl.u32 s22, $0x1;
	s25 =	sshrl.u32 s9, $0x2  }
0xe: {  	s9 =	smul.u32 $0x5, s1;
	s1 =	simm.s32 $0x4;
	[dreg:$0x5] =	wrdreg s12  }
0xf: {  	s3 =	sadd.s32 s4, s3;
	s23 =	ssub.s32 s22, s8;
	s4 =	sadd.s32 s25, s2  }
0x10: {  	s22 =	simm.s32 $0x19A00;
	s3 =	sshrl.u32 s3, $0x3;
	s29 =	smax.u32 s23, $0x1  }
0x11: {  	s0 =	sadd.s32 s3, s0;
	[dreg:$0x7] =	wrdreg s29;
	s3 =	sshrl.u32 s4, $0x3  }
0x12: {  	s25 =	simm.s32 $0x2;
	s0 =	sadd.s32 $0x67C00, s0;
	[dreg:$0x8] =	wrdreg s3  }
0x13: {  	s8 =	simm.s32 $0x8;
	s23 =	simm.s32 $0x16700;
	[dreg:$0x6] =	wrdreg s0  }
.LBB2_1:
0x14: {  	[dreg:$0x4] =	wrdreg s11  }
0x15: {  	s0 =	rddreg [dreg:$0x1]  }
0x16: {  	[spmem:s3], [sflag:s12] =	dma.local [hbm:s0], $0x2800  }
0x17: {  	_ =	swait.ge [sflag:s13], $0x2800  }
0x18: {  	[sflag:s13] =	ssyncset.done $0x0  }
0x19: {  	[sflag:s13] =	ssyncadd.s32 $0xFFFFD800  }
0x1a: {  	s29 =	simm.s32 $0x0;
	[bflag:$0x0] =	sbarrier.arrive $0xFFFF  }
.LBB2_2:
0x1b: {  	s0 =	sadd.s32 s9, s29  }
0x1c: {  	s0 =	smul.u32 $0x280, s0;
	_ =	sdelay $0x1  }
0x1d: {  	s4 =	simm.s32 $0x0;
	s3 =	sadd.s32 s6, s0  }
0x1e: {  	[tilespmem:s14], [sflag:$0x9] =	stream.linear.gather [hbm4b:s3+s4], $0x1400, $0x38;
	[tilespmem:$0x1CC00] =	vst v63  }
0x1f: {  	_ =	swait.ge [sflag:s15], $0x1400  }
0x20: {  	[sflag:s15] =	ssyncset.done $0x0  }
0x21: {  	s0 =	sadd.s32 s7, s0;
	[sflag:s15] =	ssyncadd.s32 $0xFFFFEC00  }
0x22: {  	[tilespmem:s16], [sflag:$0x9] =	stream.linear.gather [hbm4b:s0+s4], $0x1400, $0x38;
	[tilespmem:$0x1CC00] =	vst v63  }
0x23: {  	_ =	swait.ge [sflag:s15], $0x1400  }
0x24: {  	[sflag:s15] =	ssyncset.done $0x0  }
0x25: {  	[sflag:s15] =	ssyncadd.s32 $0xFFFFEC00  }
0x26: {  	[tilespmem:s18], [sflag:$0x1] =	stream.indirect.gather [hbm4b:s5+s17], $0x80, s14, s17, $0xb8;
	[tilespmem:$0x1CC00] =	vst v63  }
0x27: {  	s4 =	simm.s32 $0x14080  }
0x28: {  	[tilespmem:s20], [sflag:$0x2] =	stream.indirect.gather [hbm4b:s5+s17], $0x80, s4, s17, $0xb8;
	[tilespmem:$0x1CC00] =	vst v63  }
0x29: {  	s11 =	simm.s32 $0x14100  }
0x2a: {  	[tilespmem:s22], [sflag:$0x3] =	stream.indirect.gather [hbm4b:s5+s17], $0x80, s11, s17, $0xb8;
	[tilespmem:$0x1CC00] =	vst v63  }
0x2b: {  	_ =	swait.ge [sflag:s13], $0x1900  }
0x2c: {  	[sflag:s13] =	ssyncset.done $0x0  }
0x2d: {  	[sflag:s13] =	ssyncadd.s32 $0xFFFFE700  }
0x2e: {  	[spmem:s2] =	stream.indirect.scatter.add.f32 [tilespmem:s18], [sflag:$0x5], $0x80, s16, s17, $0xb8;
	[tilespmem:$0x1CC00] =	vst v63  }
0x2f: {  	s12 =	simm.s32 $0x14180  }
0x30: {  	[tilespmem:s24], [sflag:$0x4] =	stream.indirect.gather [hbm4b:s5+s17], $0x80, s12, s17, $0xb8;
	[tilespmem:$0x1CC00] =	vst v63  }
0x31: {  	_ =	swait.ge [sflag:s25], $0x1900  }
0x32: {  	[sflag:s25] =	ssyncset.done $0x0  }
0x33: {  	[sflag:s25] =	ssyncadd.s32 $0xFFFFE700  }
0x34: {  	_ =	swait.ge [sflag:s26], $0x1900  }
0x35: {  	[sflag:s26] =	ssyncset.done $0x0  }
0x36: {  	s3 =	simm.s32 $0x15480;
	[sflag:s26] =	ssyncadd.s32 $0xFFFFE700  }
0x37: {  	[spmem:s2] =	stream.indirect.scatter.add.f32 [tilespmem:s20], [sflag:$0x6], $0x80, s3, s17, $0xb8;
	[tilespmem:$0x1CC00] =	vst v63  }
0x38: {  	s4 =	simm.s32 $0x14200  }
0x39: {  	[tilespmem:s18], [sflag:$0x1] =	stream.indirect.gather [hbm4b:s5+s17], $0x80, s4, s17, $0xb8;
	[tilespmem:$0x1CC00] =	vst v63  }
0x3a: {  	_ =	swait.ge [sflag:s30], $0x1900  }
0x3b: {  	[sflag:s30] =	ssyncset.done $0x0  }
0x3c: {  	[sflag:s30] =	ssyncadd.s32 $0xFFFFE700  }
0x3d: {  	_ =	swait.ge [sflag:s31], $0x1900  }
0x3e: {  	[sflag:s31] =	ssyncset.done $0x0  }
0x3f: {  	s11 =	simm.s32 $0x15500;
	[sflag:s31] =	ssyncadd.s32 $0xFFFFE700  }
0x40: {  	[spmem:s2] =	stream.indirect.scatter.add.f32 [tilespmem:s22], [sflag:$0x7], $0x80, s11, s17, $0xb8;
	[tilespmem:$0x1CC00] =	vst v63  }
0x41: {  	s12 =	simm.s32 $0x14280  }
0x42: {  	[tilespmem:s20], [sflag:$0x2] =	stream.indirect.gather [hbm4b:s5+s17], $0x80, s12, s17, $0xb8;
	[tilespmem:$0x1CC00] =	vst v63  }
0x43: {  	_ =	swait.ge [sflag:s1], $0x1900  }
0x44: {  	[sflag:s1] =	ssyncset.done $0x0  }
0x45: {  	[sflag:s1] =	ssyncadd.s32 $0xFFFFE700  }
0x46: {  	_ =	swait.ge [sflag:s10], $0x1900  }
0x47: {  	[sflag:s10] =	ssyncset.done $0x0  }
0x48: {  	s3 =	simm.s32 $0x15580;
	[sflag:s10] =	ssyncadd.s32 $0xFFFFE700  }
0x49: {  	[spmem:s2] =	stream.indirect.scatter.add.f32 [tilespmem:s24], [sflag:$0x8], $0x80, s3, s17, $0xb8;
	[tilespmem:$0x1CC00] =	vst v63  }
0x4a: {  	s4 =	simm.s32 $0x14300  }
0x4b: {  	[tilespmem:s22], [sflag:$0x3] =	stream.indirect.gather [hbm4b:s5+s17], $0x80, s4, s17, $0xb8;
	[tilespmem:$0x1CC00] =	vst v63  }
0x4c: {  	_ =	swait.ge [sflag:s13], $0x1900  }
0x4d: {  	[sflag:s13] =	ssyncset.done $0x0  }
0x4e: {  	[sflag:s13] =	ssyncadd.s32 $0xFFFFE700  }
0x4f: {  	_ =	swait.ge [sflag:s8], $0x1900  }
0x50: {  	[sflag:s8] =	ssyncset.done $0x0  }
0x51: {  	s11 =	simm.s32 $0x15600;
	[sflag:s8] =	ssyncadd.s32 $0xFFFFE700  }
0x52: {  	[spmem:s2] =	stream.indirect.scatter.add.f32 [tilespmem:s18], [sflag:$0x5], $0x80, s11, s17, $0xb8;
	[tilespmem:$0x1CC00] =	vst v63  }
0x53: {  	s12 =	simm.s32 $0x14380  }
0x54: {  	[tilespmem:s24], [sflag:$0x4] =	stream.indirect.gather [hbm4b:s5+s17], $0x80, s12, s17, $0xb8;
	[tilespmem:$0x1CC00] =	vst v63  }
0x55: {  	_ =	swait.ge [sflag:s25], $0x1900  }
0x56: {  	[sflag:s25] =	ssyncset.done $0x0  }
0x57: {  	[sflag:s25] =	ssyncadd.s32 $0xFFFFE700  }
0x58: {  	_ =	swait.ge [sflag:s26], $0x1900  }
0x59: {  	[sflag:s26] =	ssyncset.done $0x0  }
0x5a: {  	s3 =	simm.s32 $0x15680;
	[sflag:s26] =	ssyncadd.s32 $0xFFFFE700  }
0x5b: {  	[spmem:s2] =	stream.indirect.scatter.add.f32 [tilespmem:s20], [sflag:$0x6], $0x80, s3, s17, $0xb8;
	[tilespmem:$0x1CC00] =	vst v63  }
0x5c: {  	s4 =	simm.s32 $0x14400  }
0x5d: {  	[tilespmem:s18], [sflag:$0x1] =	stream.indirect.gather [hbm4b:s5+s17], $0x80, s4, s17, $0xb8;
	[tilespmem:$0x1CC00] =	vst v63  }
0x5e: {  	_ =	swait.ge [sflag:s30], $0x1900  }
0x5f: {  	[sflag:s30] =	ssyncset.done $0x0  }
0x60: {  	[sflag:s30] =	ssyncadd.s32 $0xFFFFE700  }
0x61: {  	_ =	swait.ge [sflag:s31], $0x1900  }
0x62: {  	[sflag:s31] =	ssyncset.done $0x0  }
0x63: {  	s11 =	simm.s32 $0x15700;
	[sflag:s31] =	ssyncadd.s32 $0xFFFFE700  }
0x64: {  	[spmem:s2] =	stream.indirect.scatter.add.f32 [tilespmem:s22], [sflag:$0x7], $0x80, s11, s17, $0xb8;
	[tilespmem:$0x1CC00] =	vst v63  }
0x65: {  	s12 =	simm.s32 $0x14480  }
0x66: {  	[tilespmem:s20], [sflag:$0x2] =	stream.indirect.gather [hbm4b:s5+s17], $0x80, s12, s17, $0xb8;
	[tilespmem:$0x1CC00] =	vst v63  }
0x67: {  	_ =	swait.ge [sflag:s1], $0x1900  }
0x68: {  	[sflag:s1] =	ssyncset.done $0x0  }
0x69: {  	[sflag:s1] =	ssyncadd.s32 $0xFFFFE700  }
0x6a: {  	_ =	swait.ge [sflag:s10], $0x1900  }
0x6b: {  	s0 =	simm.s32 $0x200;
	[sflag:s10] =	ssyncset.done $0x0  }
0x6c: {  	s3 =	simm.s32 $0x1000;
	s4 =	simm.s32 $0x15780;
	[sflag:s10] =	ssyncadd.s32 $0xFFFFE700  }
.LBB2_3:
0x6d: {  	[spmem:s2] =	stream.indirect.scatter.add.f32 [tilespmem:s24], [sflag:$0x8], $0x80, s4, s17, $0xb8;
	[tilespmem:$0x1CC00] =	vst v63  }
0x6e: {  	s4 =	smov.u32 s3  }
0x6f: {  	s12 =	sadd.s32 $0x800, s3;
	s11 =	sshra.s32 s4, $0x2;
	s4 =	sadd.s32 $0x14300, s0  }
0x70: {  	[tilespmem:s22], [sflag:$0x3] =	stream.indirect.gather [hbm4b:s5+s17], $0x80, s4, s17, $0xb8;
	[tilespmem:$0x1CC00] =	vst v63  }
0x71: {  	p0 =	sne.s32 s3, $0x3800;
	_ =	swait.ge [sflag:s13], $0x1900  }
0x72: {  	[sflag:s13] =	ssyncset.done $0x0  }
0x73: {  	[sflag:s13] =	ssyncadd.s32 $0xFFFFE700  }
0x74: {  	_ =	swait.ge [sflag:s8], $0x1900  }
0x75: {  	[sflag:s8] =	ssyncset.done $0x0  }
0x76: {  	s3 =	sadd.s32 $0x15600, s0;
	[sflag:s8] =	ssyncadd.s32 $0xFFFFE700  }
0x77: {  	[spmem:s2] =	stream.indirect.scatter.add.f32 [tilespmem:s18], [sflag:$0x5], $0x80, s3, s17, $0xb8;
	[tilespmem:$0x1CC00] =	vst v63  }
0x78: {  	s3 =	sadd.s32 $0x14380, s0  }
0x79: {  	[tilespmem:s24], [sflag:$0x4] =	stream.indirect.gather [hbm4b:s5+s17], $0x80, s3, s17, $0xb8;
	[tilespmem:$0x1CC00] =	vst v63  }
0x7a: {  	_ =	swait.ge [sflag:s25], $0x1900  }
0x7b: {  	[sflag:s25] =	ssyncset.done $0x0  }
0x7c: {  	[sflag:s25] =	ssyncadd.s32 $0xFFFFE700  }
0x7d: {  	_ =	swait.ge [sflag:s26], $0x1900  }
0x7e: {  	[sflag:s26] =	ssyncset.done $0x0  }
0x7f: {  	s3 =	sadd.s32 $0x15680, s0;
	[sflag:s26] =	ssyncadd.s32 $0xFFFFE700  }
0x80: {  	[spmem:s2] =	stream.indirect.scatter.add.f32 [tilespmem:s20], [sflag:$0x6], $0x80, s3, s17, $0xb8;
	[tilespmem:$0x1CC00] =	vst v63  }
0x81: {  	s3 =	sadd.s32 $0x14400, s0  }
0x82: {  	[tilespmem:s18], [sflag:$0x1] =	stream.indirect.gather [hbm4b:s5+s17], $0x80, s3, s17, $0xb8;
	[tilespmem:$0x1CC00] =	vst v63  }
0x83: {  	_ =	swait.ge [sflag:s30], $0x1900  }
0x84: {  	[sflag:s30] =	ssyncset.done $0x0  }
0x85: {  	[sflag:s30] =	ssyncadd.s32 $0xFFFFE700  }
0x86: {  	_ =	swait.ge [sflag:s31], $0x1900  }
0x87: {  	[sflag:s31] =	ssyncset.done $0x0  }
0x88: {  	s3 =	sadd.s32 $0x15700, s0;
	[sflag:s31] =	ssyncadd.s32 $0xFFFFE700  }
0x89: {  	[spmem:s2] =	stream.indirect.scatter.add.f32 [tilespmem:s22], [sflag:$0x7], $0x80, s3, s17, $0xb8;
	[tilespmem:$0x1CC00] =	vst v63  }
0x8a: {  	s3 =	sadd.s32 $0x14480, s0  }
0x8b: {  	[tilespmem:s20], [sflag:$0x2] =	stream.indirect.gather [hbm4b:s5+s17], $0x80, s3, s17, $0xb8;
	[tilespmem:$0x1CC00] =	vst v63  }
0x8c: {  	_ =	swait.ge [sflag:s1], $0x1900  }
.Ltmp0:
0x8d: {  	[sflag:s1] =	ssyncset.done $0x0;
	(pc) =	sbr.rel @p0 .LBB2_3-.Ltmp0, $4  }
0x8e: {  	[sflag:s1] =	ssyncadd.s32 $0xFFFFE700  }
0x8f: {  	_ =	swait.ge [sflag:s10], $0x1900  }
0x90: {  	s4 =	sadd.s32 $0x15780, s0;
	[sflag:s10] =	ssyncset.done $0x0  }
0x91: {  	s0 =	smov.u32 s11;
	s3 =	smov.u32 s12;
	[sflag:s10] =	ssyncadd.s32 $0xFFFFE700  }
0x92: {  	[spmem:s2] =	stream.indirect.scatter.add.f32 [tilespmem:s24], [sflag:$0x8], $0x80, s4, s17, $0xb8;
	[tilespmem:$0x1CC00] =	vst v63  }
0x93: {  	s3 =	sadd.s32 $0x14300, s0  }
0x94: {  	[tilespmem:s22], [sflag:$0x3] =	stream.indirect.gather [hbm4b:s5+s17], $0x80, s3, s17, $0xb8;
	[tilespmem:$0x1CC00] =	vst v63  }
0x95: {  	_ =	swait.ge [sflag:s13], $0x1900  }
0x96: {  	[sflag:s13] =	ssyncset.done $0x0  }
0x97: {  	[sflag:s13] =	ssyncadd.s32 $0xFFFFE700  }
0x98: {  	_ =	swait.ge [sflag:s8], $0x1900  }
0x99: {  	[sflag:s8] =	ssyncset.done $0x0  }
0x9a: {  	s4 =	sadd.s32 $0x15600, s0;
	[sflag:s8] =	ssyncadd.s32 $0xFFFFE700  }
0x9b: {  	[spmem:s2] =	stream.indirect.scatter.add.f32 [tilespmem:s18], [sflag:$0x5], $0x80, s4, s17, $0xb8;
	[tilespmem:$0x1CC00] =	vst v63  }
0x9c: {  	s11 =	sadd.s32 $0x14380, s0  }
0x9d: {  	[tilespmem:s24], [sflag:$0x4] =	stream.indirect.gather [hbm4b:s5+s17], $0x80, s11, s17, $0xb8;
	[tilespmem:$0x1CC00] =	vst v63  }
0x9e: {  	_ =	swait.ge [sflag:s25], $0x1900  }
0x9f: {  	[sflag:s25] =	ssyncset.done $0x0  }
0xa0: {  	[sflag:s25] =	ssyncadd.s32 $0xFFFFE700  }
0xa1: {  	_ =	swait.ge [sflag:s26], $0x1900  }
0xa2: {  	[sflag:s26] =	ssyncset.done $0x0  }
0xa3: {  	s12 =	sadd.s32 $0x15680, s0;
	[sflag:s26] =	ssyncadd.s32 $0xFFFFE700  }
0xa4: {  	[spmem:s2] =	stream.indirect.scatter.add.f32 [tilespmem:s20], [sflag:$0x6], $0x80, s12, s17, $0xb8;
	[tilespmem:$0x1CC00] =	vst v63  }
0xa5: {  	s4 =	sadd.s32 $0x14400, s0  }
0xa6: {  	[tilespmem:s18], [sflag:$0x1] =	stream.indirect.gather [hbm4b:s5+s17], $0x80, s4, s17, $0xb8;
	[tilespmem:$0x1CC00] =	vst v63  }
0xa7: {  	_ =	swait.ge [sflag:s30], $0x1900  }
0xa8: {  	[sflag:s30] =	ssyncset.done $0x0  }
0xa9: {  	[sflag:s30] =	ssyncadd.s32 $0xFFFFE700  }
0xaa: {  	_ =	swait.ge [sflag:s31], $0x1900  }
0xab: {  	[sflag:s31] =	ssyncset.done $0x0  }
0xac: {  	s11 =	sadd.s32 $0x15700, s0;
	[sflag:s31] =	ssyncadd.s32 $0xFFFFE700  }
0xad: {  	[spmem:s2] =	stream.indirect.scatter.add.f32 [tilespmem:s22], [sflag:$0x7], $0x80, s11, s17, $0xb8;
	[tilespmem:$0x1CC00] =	vst v63  }
0xae: {  	s12 =	sadd.s32 $0x14480, s0  }
0xaf: {  	[tilespmem:s20], [sflag:$0x2] =	stream.indirect.gather [hbm4b:s5+s17], $0x80, s12, s17, $0xb8;
	[tilespmem:$0x1CC00] =	vst v63  }
0xb0: {  	_ =	swait.ge [sflag:s1], $0x1900  }
0xb1: {  	[sflag:s1] =	ssyncset.done $0x0  }
0xb2: {  	[sflag:s1] =	ssyncadd.s32 $0xFFFFE700  }
0xb3: {  	_ =	swait.ge [sflag:s10], $0x1900  }
0xb4: {  	[sflag:s10] =	ssyncset.done $0x0  }
0xb5: {  	s4 =	sadd.s32 $0x15780, s0;
	[sflag:s10] =	ssyncadd.s32 $0xFFFFE700  }
0xb6: {  	[spmem:s2] =	stream.indirect.scatter.add.f32 [tilespmem:s24], [sflag:$0x8], $0x80, s4, s17, $0xb8;
	[tilespmem:$0x1CC00] =	vst v63  }
0xb7: {  	s11 =	simm.s32 $0x15300  }
0xb8: {  	[tilespmem:s22], [sflag:$0x3] =	stream.indirect.gather [hbm4b:s5+s17], $0x80, s11, s17, $0xb8;
	[tilespmem:$0x1CC00] =	vst v63  }
0xb9: {  	_ =	swait.ge [sflag:s13], $0x1900  }
0xba: {  	[sflag:s13] =	ssyncset.done $0x0  }
0xbb: {  	[sflag:s13] =	ssyncadd.s32 $0xFFFFE700  }
0xbc: {  	_ =	swait.ge [sflag:s8], $0x1900  }
0xbd: {  	[sflag:s8] =	ssyncset.done $0x0  }
0xbe: {  	s12 =	simm.s32 $0x16600;
	[sflag:s8] =	ssyncadd.s32 $0xFFFFE700  }
0xbf: {  	[spmem:s2] =	stream.indirect.scatter.add.f32 [tilespmem:s18], [sflag:$0x5], $0x80, s12, s17, $0xb8;
	[tilespmem:$0x1CC00] =	vst v63  }
0xc0: {  	_ = 	snop  }
0xc1: {  	[tilespmem:s24], [sflag:$0x4] =	stream.indirect.gather [hbm4b:s5+s17], $0x80, s19, s17, $0xb8;
	[tilespmem:$0x1CC00] =	vst v63  }
0xc2: {  	_ =	swait.ge [sflag:s25], $0x1900  }
0xc3: {  	[sflag:s25] =	ssyncset.done $0x0  }
0xc4: {  	[sflag:s25] =	ssyncadd.s32 $0xFFFFE700  }
0xc5: {  	_ =	swait.ge [sflag:s26], $0x1900  }
0xc6: {  	[sflag:s26] =	ssyncset.done $0x0  }
0xc7: {  	[sflag:s26] =	ssyncadd.s32 $0xFFFFE700  }
0xc8: {  	[spmem:s2] =	stream.indirect.scatter.add.f32 [tilespmem:s20], [sflag:$0x6], $0x80, s21, s17, $0xb8;
	[tilespmem:$0x1CC00] =	vst v63  }
0xc9: {  	_ =	swait.ge [sflag:s30], $0x1900  }
0xca: {  	[sflag:s30] =	ssyncset.done $0x0  }
0xcb: {  	[sflag:s30] =	ssyncadd.s32 $0xFFFFE700  }
0xcc: {  	_ =	swait.ge [sflag:s31], $0x1900  }
0xcd: {  	[sflag:s31] =	ssyncset.done $0x0  }
0xce: {  	[sflag:s31] =	ssyncadd.s32 $0xFFFFE700  }
0xcf: {  	[spmem:s2] =	stream.indirect.scatter.add.f32 [tilespmem:s22], [sflag:$0x7], $0x80, s23, s17, $0xb8;
	[tilespmem:$0x1CC00] =	vst v63  }
0xd0: {  	_ =	swait.ge [sflag:s1], $0x1900  }
0xd1: {  	[sflag:s1] =	ssyncset.done $0x0  }
0xd2: {  	[sflag:s1] =	ssyncadd.s32 $0xFFFFE700  }
0xd3: {  	s29 =	sadd.s32 $0x1, s29;
	_ =	swait.ge [sflag:s10], $0x1900  }
0xd4: {  	p0 =	sne.s32 s29, $0x5;
	[sflag:s10] =	ssyncset.done $0x0  }
.Ltmp1:
0xd5: {  	[sflag:s10] =	ssyncadd.s32 $0xFFFFE700;
	(pc) =	sbr.rel @p0 .LBB2_2-.Ltmp1, $4  }
0xd6: {  	[spmem:s2] =	stream.indirect.scatter.add.f32 [tilespmem:s24], [sflag:$0x8], $0x80, s28, s17, $0xb8;
	[tilespmem:$0x1CC00] =	vst v63  }
0xd7: {  	_ =	swait.ge [sflag:s8], $0x1900  }
0xd8: {  	[sflag:s8] =	ssyncset.done $0x0  }
0xd9: {  	[sflag:s8] =	ssyncadd.s32 $0xFFFFE700  }
0xda: {  	[bflag:$0x0] =	sbarrier.arrive $0xFFFF  }
0xdb: {  	s12 =	rddreg [dreg:$0x5]  }
0xdc: {  	s0 =	rddreg [dreg:$0x6]  }
0xdd: {  	s3 =	rddreg [dreg:$0x8]  }
0xde: {  	[hbm:s0], [sflag:s12] =	dma.local [spmem:s3], $0x2800  }
0xdf: {  	_ =	swait.ge [sflag:s13], $0x2800  }
0xe0: {  	s11 =	rddreg [dreg:$0x4]  }
0xe1: {  	s29 =	rddreg [dreg:$0x7];
	s11 =	sadd.s32 $0x1, s11  }
0xe2: {  	p0 =	sne.s32 s11, s29  }
.Ltmp2:
0xe3: {  	_ = 	snop;
	(pc) =	sbr.rel @p0 .LBB2_1-.Ltmp2, $3  }
0xe4: {  	_ =	sdelay $0x1  }
0xe5: {  	[sflag:s13] =	ssyncset.done $0x0  }
0xe6: {  	[sflag:s13] =	ssyncadd.s32 $0xFFFFD800  }
0xe7: {  	_ =	sfence.sel $0x180000  }
0xe8: {  	[bflag:$0x0] =	sbarrier.arrive $0xFFFF  }
0xe9: {  	_ =	strace $0x90000050  }
0xea: {  	s0 =	stileid.u32;
	[bflag:$0x2] =	sbarrier.arrive $0xFFFF  }
0xeb: {  	p0 =	sne.s32 s0, $0x0;
	s0 =	rddreg [dreg:$0x3]  }
0xec: {  	s0 =	sadd.s32 @!p0 $0x100000, s0  }
0xed: {  	[sflag:s0] =	ssyncadd.tile.s32 @!p0 $0x1;
	_ =	shalt  }
.Lfunc_end2:
_tile_overlayer_lowered:
.L_overlay_start_2:
0xee: {  	(tag) =	ssettag $0x2  }
0xef: {  	s0 =	rddreg [dreg:$0x0];
	s2 =	stileid.u32  }
0xf0: {  	s1 =	rddreg [dreg:$0x1];
	p0 =	sne.s32 s2, $0x0  }
0xf1: {  	s3 =	rddreg [dreg:$0x2];
	[bflag:$0x3] =	sbarrier.arrive $0xFFFF;
	s2 =	simm.s32 @!p0 $0x1C01  }
0xf2: {  	[timem:s3], [sflag:s2] =	dma.local @!p0 [hbm:s0], s1  }
0xf3: {  	s0 =	simm.s32 @!p0 $0x1  }
0xf4: {  	_ =	swait.ge @!p0 [sflag:s0], s1  }
0xf5: {  	s1 =	ssub.s32 @!p0 $0x0, s1;
	[sflag:s0] =	ssyncset.done @!p0 $0x0  }
0xf6: {  	[sflag:s0] =	ssyncadd.s32 @!p0 s1  }
0xf7: {  	[bflag:$0x3] =	sbarrier.arrive $0xFFFF  }
0xf8: {  	_ =	shalt  }

</sc_bundles>
